<compile_context>
chip_gen: v7x
topology: tpu7x:2x2x1
jax: 0.10.2.dev20260603
libtpu: 0.0.44.dev20260713+nightly
codegen_flags: <defaults>
</compile_context>

<pallas_src>
import functools
import math

import jax
import jax.numpy as jnp
from jax.experimental import pallas as pl
from jax.experimental.pallas import tpu as pltpu
from jax.experimental.pallas import tpu_sc as plsc

EMBED = 1024
HEADS = 16
HEAD_DIM = 64
SCALE = HEAD_DIM ** -0.5
WINDOW = 2
FAR = 4
S = 2048
BQ = 256
EXTB = 256

_LOG1E4 = math.log(10000.0)


def _qkv_rope_kernel(x_ref, wq_ref, wk_ref, wv_ref, b_ref, o_ref):
    qi = pl.program_id(0)
    y = jnp.concatenate([
        jnp.dot(x_ref[...], wq_ref[...], preferred_element_type=jnp.float32),
        jnp.dot(x_ref[...], wk_ref[...], preferred_element_type=jnp.float32),
        jnp.dot(x_ref[...], wv_ref[...], preferred_element_type=jnp.float32),
    ], axis=1)
    y = y + b_ref[...]
    bq, n = y.shape
    col = jax.lax.broadcasted_iota(jnp.int32, (bq, 128), 1)
    d = col % HEAD_DIM
    dr = d % (HEAD_DIM // 2)
    hi = d >= (HEAD_DIM // 2)
    inv = jnp.exp(dr.astype(jnp.float32) * (-_LOG1E4 / (HEAD_DIM // 2)))
    row = jax.lax.broadcasted_iota(jnp.int32, (bq, 128), 0)
    pos = (qi * bq + row).astype(jnp.float32)
    ang = pos * inv
    c = jnp.cos(ang)
    sg = jnp.sin(ang)
    sg = jnp.where(hi, sg, -sg)
    ones = jnp.ones_like(c)
    zeros = jnp.zeros_like(c)
    cfull = jnp.concatenate([c * SCALE] * 8 + [c] * 8 + [ones] * 8, axis=1)
    sfull = jnp.concatenate([sg * SCALE] * 8 + [sg] * 8 + [zeros] * 8, axis=1)
    y_p32 = jnp.concatenate([y[:, 32:], y[:, :32]], axis=1)
    y_m32 = jnp.concatenate([y[:, -32:], y[:, :-32]], axis=1)
    hi_full = jnp.concatenate([hi] * 24, axis=1)
    partner = jnp.where(hi_full, y_m32, y_p32)
    o_ref[...] = (y * cfull + partner * sfull).astype(jnp.bfloat16)


def _mask_block(i0, j0, bq, bk, bar_q, inst_q, bar_k, inst_k):
    i = i0 + jax.lax.broadcasted_iota(jnp.int32, (bq, bk), 0)
    j = j0 + jax.lax.broadcasted_iota(jnp.int32, (bq, bk), 1)
    causal = j <= i
    same = (inst_q == inst_k) & (inst_q < 129) & causal
    off = bar_q - bar_k
    nearfar = ((off >= 0) & (off <= WINDOW)) | (off == FAR)
    cross = ((inst_q < 129) & (bar_q >= 0) & (inst_k != inst_q)
             & (inst_k < 129) & nearfar)
    glob = ((inst_k == 129) | (bar_k == -1)) & causal
    return same, cross, glob


def _attn_variant(kq, qi, hp, cend, barc_ref, barr_ref, instc_ref, instr_ref,
                  qkv_ref, o_ref, ms_ref, mc_ref, mg_ref,
                  acc2e_ref, s2e_ref):
    bar_q = barc_ref[...]
    inst_q = instc_ref[...]

    @pl.when(hp == 0)
    def _build_masks():
        same, cross, glob = _mask_block(
            qi * BQ, 0, BQ, kq, bar_q, inst_q,
            barr_ref[0:1, 0:kq], instr_ref[0:1, 0:kq])
        ms_ref[:, 0:kq] = same.astype(jnp.bfloat16)
        mc_ref[:, 0:kq] = cross.astype(jnp.bfloat16)
        mg_ref[:, 0:kq] = glob.astype(jnp.bfloat16)

    q2 = qkv_ref[pl.ds(qi * BQ, BQ), pl.ds(hp * 128, 128)]
    kf = qkv_ref[0:kq, pl.ds(EMBED + hp * 128, 128)]
    vf = qkv_ref[0:kq, pl.ds(2 * EMBED + hp * 128, 128)]
    ms = ms_ref[:, 0:kq]
    mc = mc_ref[:, 0:kq]
    mg = mg_ref[:, 0:kq]

    n_ext = (S - kq) // EXTB
    halves = []
    for t in range(2):
        q = q2[:, t * HEAD_DIM:(t + 1) * HEAD_DIM]
        k = kf[:, t * HEAD_DIM:(t + 1) * HEAD_DIM]
        v = vf[:, t * HEAD_DIM:(t + 1) * HEAD_DIM]
        scores = jax.lax.dot_general(
            q, k, (((1,), (1,)), ((), ())),
            preferred_element_type=jnp.float32)
        m = jnp.max(scores, axis=-1, keepdims=True)

        if n_ext > 0:
            acc2e_ref[...] = jnp.zeros_like(acc2e_ref)
            s2e_ref[...] = jnp.zeros_like(s2e_ref)
            for b in range(n_ext):
                j0 = kq + b * EXTB

                @pl.when(j0 < cend)
                def _ext(j0=j0):
                    ke = qkv_ref[j0:j0 + EXTB,
                                 pl.ds(EMBED + hp * 128, 128)][
                                     :, t * HEAD_DIM:(t + 1) * HEAD_DIM]
                    ve = qkv_ref[j0:j0 + EXTB,
                                 pl.ds(2 * EMBED + hp * 128, 128)][
                                     :, t * HEAD_DIM:(t + 1) * HEAD_DIM]
                    _, cr, _ = _mask_block(
                        qi * BQ, j0, BQ, EXTB, bar_q, inst_q,
                        barr_ref[0:1, j0:j0 + EXTB],
                        instr_ref[0:1, j0:j0 + EXTB])
                    sce = jax.lax.dot_general(
                        q, ke, (((1,), (1,)), ((), ())),
                        preferred_element_type=jnp.float32)
                    ee = jnp.exp(jnp.minimum(sce - m, 80.0))
                    ee = ee * cr.astype(jnp.float32)
                    s2e_ref[...] = s2e_ref[...] + jnp.sum(
                        ee, axis=1, keepdims=True)
                    acc2e_ref[...] = acc2e_ref[...] + jnp.dot(
                        ee.astype(jnp.bfloat16), ve,
                        preferred_element_type=jnp.float32)

        e16 = jnp.exp(scores - m).astype(jnp.bfloat16)
        out = None
        for ci, mask in enumerate((ms, mc, mg)):
            em = e16 * mask
            ssum = jnp.sum(em.astype(jnp.float32), axis=-1, keepdims=True)
            if ci == 1 and n_ext > 0:
                ssum = ssum + s2e_ref[...]
            acc = jnp.dot(em, v, preferred_element_type=jnp.float32)
            if ci == 1 and n_ext > 0:
                acc = acc + acc2e_ref[...]
            part = acc / jnp.where(ssum == 0.0, 1.0, ssum)
            out = part if out is None else out + part
        halves.append(out)
    o_ref[...] = jnp.concatenate(halves, axis=1).astype(jnp.bfloat16)


def _attn_kernel(cend_ref, barc_ref, barr_ref, instc_ref, instr_ref,
                 qkv_ref, o_ref, ms_ref, mc_ref, mg_ref,
                 acc2e_ref, s2e_ref):
    qi = pl.program_id(0)
    hp = pl.program_id(1)
    cend = cend_ref[qi]
    args = (barc_ref, barr_ref, instc_ref, instr_ref, qkv_ref, o_ref,
            ms_ref, mc_ref, mg_ref, acc2e_ref, s2e_ref)

    for g in range(4):
        @pl.when((qi >= 2 * g) & (qi < 2 * g + 2))
        def _var(g=g):
            _attn_variant(512 * (g + 1), qi, hp, cend, *args)


def _cross_end_sc(bar_r, nq):
    mesh = plsc.ScalarSubcoreMesh(axis_name="core", num_cores=2)

    @functools.partial(
        pl.kernel,
        out_type=jax.ShapeDtypeStruct((2, nq), jnp.int32),
        mesh=mesh,
        scratch_types=[pltpu.SMEM((S,), jnp.int32),
                       pltpu.SMEM((nq,), jnp.int32),
                       pltpu.SMEM((2,), jnp.int32),
                       pltpu.SemaphoreType.DMA],
    )
    def sc_kernel(bar_hbm, o_hbm, buf, res, bnd, sem):
        core = jax.lax.axis_index("core")

        @pl.when(core == 0)
        def _():
            pltpu.async_copy(bar_hbm.at[0], buf, sem).wait()

            @pl.loop(0, nq)
            def _(qi):
                v = buf[(qi + 1) * BQ - 1]
                bnd[0] = 0
                bnd[1] = S

                @pl.loop(0, 11)
                def _(_):
                    mid = (bnd[0] + bnd[1]) // 2
                    le = buf[mid] <= v
                    bnd[0] = jnp.where(le, mid + 1, bnd[0])
                    bnd[1] = jnp.where(le, bnd[1], mid)

                res[qi] = bnd[0]

            pltpu.async_copy(res, o_hbm.at[0], sem).wait()

    return sc_kernel(bar_r)[0]


def _out_proj_kernel(a_ref, w_ref, b_ref, o_ref):
    o_ref[...] = jnp.dot(a_ref[...], w_ref[...],
                         preferred_element_type=jnp.float32) + b_ref[...]


@jax.jit
def kernel(x, bar_ids, instrument_ids, Wq, bq, Wk, bk, Wv, bv, Wo, bo):
    B, s, e = x.shape
    x2 = x.reshape(s, e).astype(jnp.bfloat16)
    bqkv = jnp.concatenate([bq, bk, bv]).reshape(1, 3 * e)

    nq = s // BQ
    qkv = pl.pallas_call(
        _qkv_rope_kernel,
        grid=(nq,),
        in_specs=[
            pl.BlockSpec((BQ, e), lambda i: (i, 0)),
            pl.BlockSpec((e, e), lambda i: (0, 0)),
            pl.BlockSpec((e, e), lambda i: (0, 0)),
            pl.BlockSpec((e, e), lambda i: (0, 0)),
            pl.BlockSpec((1, 3 * e), lambda i: (0, 0)),
        ],
        out_specs=pl.BlockSpec((BQ, 3 * e), lambda i: (i, 0)),
        out_shape=jax.ShapeDtypeStruct((s, 3 * e), jnp.bfloat16),
    )(x2, Wq.T.astype(jnp.bfloat16), Wk.T.astype(jnp.bfloat16),
      Wv.T.astype(jnp.bfloat16), bqkv)

    bar = bar_ids.reshape(s)
    bar_c = bar_ids.reshape(s, 1)
    bar_r = bar_ids.reshape(1, s)
    inst_c = instrument_ids.reshape(s, 1)
    inst_r = instrument_ids.reshape(1, s)

    cross_end = _cross_end_sc(bar_r, nq)

    attn = pl.pallas_call(
        _attn_kernel,
        grid=(nq, HEADS // 2),
        in_specs=[
            pl.BlockSpec(memory_space=pltpu.SMEM),
            pl.BlockSpec((BQ, 1), lambda i, h: (i, 0)),
            pl.BlockSpec((1, S), lambda i, h: (0, 0)),
            pl.BlockSpec((BQ, 1), lambda i, h: (i, 0)),
            pl.BlockSpec((1, S), lambda i, h: (0, 0)),
            pl.BlockSpec((S, 3 * EMBED), lambda i, h: (0, 0)),
        ],
        out_specs=pl.BlockSpec((BQ, 2 * HEAD_DIM), lambda i, h: (i, h)),
        out_shape=jax.ShapeDtypeStruct((s, e), jnp.bfloat16),
        scratch_shapes=[
            pltpu.VMEM((BQ, S), jnp.bfloat16),
            pltpu.VMEM((BQ, S), jnp.bfloat16),
            pltpu.VMEM((BQ, S), jnp.bfloat16),
            pltpu.VMEM((BQ, HEAD_DIM), jnp.float32),
            pltpu.VMEM((BQ, 1), jnp.float32),
        ],
    )(cross_end, bar_c, bar_r, inst_c, inst_r, qkv)

    out = pl.pallas_call(
        _out_proj_kernel,
        grid=(nq,),
        in_specs=[
            pl.BlockSpec((BQ, e), lambda i: (i, 0)),
            pl.BlockSpec((e, e), lambda i: (0, 0)),
            pl.BlockSpec((1, e), lambda i: (0, 0)),
        ],
        out_specs=pl.BlockSpec((BQ, e), lambda i: (i, 0)),
        out_shape=jax.ShapeDtypeStruct((s, e), jnp.float32),
    )(attn, Wo.T.astype(jnp.bfloat16), bo.reshape(1, e))

    return out.reshape(B, s, e)

# --- scband reference (transcript-rebuilt; emitter-appended) ---
"""Pipeline reference for scband-optimized-fcattention-14061722927948 (READ-ONLY COPY).

The authoritative reference and input builder live on the scoring server;
editing this copy changes nothing except your own understanding.
"""

import jax, jax.numpy as jnp
import numpy as np

EMBED = 1024
HEADS = 16
HEAD_DIM = 64
SCALE = HEAD_DIM ** -0.5
WINDOW = 2
FAR_OFFSETS = (-4,)


def _rope(x, pos):
    # LLaMA-style half-split rotary embedding on last dim of (B, H, S, D)
    half = x.shape[-1] // 2
    inv = 1.0 / (10000.0 ** (jnp.arange(half, dtype=jnp.float32) / half))
    ang = pos.astype(jnp.float32)[:, None] * inv[None, :]
    cos = jnp.cos(ang)
    sin = jnp.sin(ang)
    x1 = x[..., :half]
    x2 = x[..., half:]
    return jnp.concatenate([x1 * cos - x2 * sin, x1 * sin + x2 * cos], axis=-1)


def _masked_attn(scores, mask, v):
    # softmax over masked key set; rows with no valid keys contribute zero
    sc = jnp.where(mask, scores, -1e30)
    m = jnp.max(sc, axis=-1, keepdims=True)
    e = jnp.where(mask, jnp.exp(sc - m), 0.0)
    s = jnp.sum(e, axis=-1, keepdims=True)
    attn = e / jnp.where(s == 0.0, 1.0, s)
    out = jnp.einsum('bhqk,bhkd->bhqd', attn, v)
    has = jnp.any(mask, axis=-1, keepdims=True)
    return jnp.where(has, out, 0.0)


def _forward(x, bar_ids, instrument_ids, Wq, bq, Wk, bk, Wv, bv, Wo, bo):
    B, S, E = x.shape
    q = (x @ Wq.T + bq).reshape(B, S, HEADS, HEAD_DIM).transpose(0, 2, 1, 3)
    k = (x @ Wk.T + bk).reshape(B, S, HEADS, HEAD_DIM).transpose(0, 2, 1, 3)
    v = (x @ Wv.T + bv).reshape(B, S, HEADS, HEAD_DIM).transpose(0, 2, 1, 3)
    pos = jnp.arange(S)
    q = _rope(q, pos)
    k = _rope(k, pos)
    scores = jnp.einsum('bhqd,bhkd->bhqk', q, k) * SCALE
    i = pos[None, :, None]
    j = pos[None, None, :]
    causal = j <= i
    inst_q = instrument_ids[:, :, None]
    inst_k = instrument_ids[:, None, :]
    bar_q = bar_ids[:, :, None]
    bar_k = bar_ids[:, None, :]
    # component 1: same-instrument causal attention (indices sorted -> j<=i)
    same_mask = (inst_q == inst_k) & (inst_q < 129) & causal
    # component 2: cross-instrument near/far bar-window attention
    off = bar_q - bar_k
    near = (off >= 0) & (off <= WINDOW)
    far = jnp.zeros_like(near)
    for o in FAR_OFFSETS:
        far = far | (off == -o)
    cross_mask = (inst_q < 129) & (bar_q >= 0) & (inst_k != inst_q) & (inst_k < 129) & (near | far)
    # component 3: global-token attention (causal visibility of global tokens)
    glob_mask = ((inst_k == 129) | (bar_k == -1)) & causal
    out = (_masked_attn(scores, same_mask[:, None, :, :], v)
           + _masked_attn(scores, cross_mask[:, None, :, :], v)
           + _masked_attn(scores, glob_mask[:, None, :, :], v))
    out = out.transpose(0, 2, 1, 3).reshape(B, S, E)
    return out @ Wo.T + bo


def setup_inputs(seed: int = 0):
    key = jax.random.key(seed)
    ks = jax.random.split(key, 12)
    B, S = 1, 2048
    std = EMBED ** -0.5
    return {
        'x': jax.random.normal(ks[0], (B, S, EMBED), jnp.float32),
        'bar_ids': jnp.sort(jax.random.randint(ks[1], (B, S), 0, 128), axis=-1),
        'instrument_ids': jax.random.randint(ks[2], (B, S), 0, 130),
        'Wq': jax.random.normal(ks[3], (EMBED, EMBED), jnp.float32) * std,
        'bq': jax.random.normal(ks[4], (EMBED,), jnp.float32) * 0.01,
        'Wk': jax.random.normal(ks[5], (EMBED, EMBED), jnp.float32) * std,
        'bk': jax.random.normal(ks[6], (EMBED,), jnp.float32) * 0.01,
        'Wv': jax.random.normal(ks[7], (EMBED, EMBED), jnp.float32) * std,
        'bv': jax.random.normal(ks[8], (EMBED,), jnp.float32) * 0.01,
        'Wo': jax.random.normal(ks[9], (EMBED, EMBED), jnp.float32) * std,
        'bo': jax.random.normal(ks[10], (EMBED,), jnp.float32) * 0.01,
    }


def reference(x, bar_ids, instrument_ids, Wq, bq, Wk, bk, Wv, bv, Wo, bo):
    return _forward(x, bar_ids, instrument_ids, Wq, bq, Wk, bk, Wv, bv, Wo, bo)

if __name__ == "__main__":
    import jax
    _d = setup_inputs()
    print(jax.jit(kernel)(*tuple(_d.values())))

</pallas_src>

<mosaic_0001>
#map = affine_map<(d0) -> (0, 0)>
module attributes {stable_mosaic.version = 14 : i64} {
  func.func @sc_kernel(%arg0: i32, %arg1: memref<1x2048xi32, #tpu.memory_space<hbm>>, %arg2: memref<2x8xi32, #tpu.memory_space<hbm>>, %arg3: memref<2048xi32, #tpu.memory_space<smem>>, %arg4: memref<8xi32, #tpu.memory_space<smem>>, %arg5: memref<2xi32, #tpu.memory_space<smem>>, %arg6: memref<!tpu.dma_semaphore, #tpu.memory_space<semaphore_mem>>) attributes {dimension_semantics = [#tpu.dimension_semantics<core_parallel>], iteration_bounds = array<i64: 2>, scalar_prefetch = 0 : i64, scratch_operands = 4 : i64, tpu.core_type = #tpu.core_type<sc_scalar_subcore>, window_params = [{transform_indices = #map}, {transform_indices = #map}]} {
    %eq3A = arith.constant 0 : i32
    %eq3A_0 = arith.cmpi eq, %arg0, %eq3A : i32
    %convert_element_type3A = arith.extui %eq3A_0 : i1 to i32
    %cond3A = arith.constant 0 : i32
    %cond3A_1 = arith.cmpi ne, %convert_element_type3A, %cond3A : i32
    scf.if %cond3A_1 {
      %dma_start3A = arith.constant 0 : i32
      %dma_start3A_2 = arith.constant 0 : i32
      %dma_start3A_3 = tpu.memref_slice %arg1[%dma_start3A, %dma_start3A_2] : memref<1x2048xi32, #tpu.memory_space<hbm>> -> memref<1x2048xi32, #tpu.memory_space<hbm>>
      %dma_start3A_4 = tpu.memref_squeeze %dma_start3A_3 : memref<1x2048xi32, #tpu.memory_space<hbm>> -> memref<2048xi32, #tpu.memory_space<hbm>>
      tpu.enqueue_dma source(%dma_start3A_4 : memref<2048xi32, #tpu.memory_space<hbm>>) target(%arg3 : memref<2048xi32, #tpu.memory_space<smem>>) target_semaphore(%arg6 : memref<!tpu.dma_semaphore, #tpu.memory_space<semaphore_mem>>)
      %dma_wait3A = arith.constant 0 : i32
      %dma_wait3A_5 = arith.constant 0 : i32
      %dma_wait3A_6 = tpu.memref_slice %arg1[%dma_wait3A, %dma_wait3A_5] : memref<1x2048xi32, #tpu.memory_space<hbm>> -> memref<1x2048xi32, #tpu.memory_space<hbm>>
      %dma_wait3A_7 = tpu.memref_squeeze %dma_wait3A_6 : memref<1x2048xi32, #tpu.memory_space<hbm>> -> memref<2048xi32, #tpu.memory_space<hbm>>
      tpu.wait_dma2 semaphore(%arg6 : memref<!tpu.dma_semaphore, #tpu.memory_space<semaphore_mem>>) src(%dma_wait3A_7 : memref<2048xi32, #tpu.memory_space<hbm>>) dst(%arg3 : memref<2048xi32, #tpu.memory_space<smem>>)
      %scan3A = arith.constant 0 : i32
      %scan3A_8 = arith.constant 8 : i32
      %scan3A_9 = arith.addi %scan3A, %scan3A_8 : i32
      %scan3A_10 = arith.constant 1 : i32
      scf.for %scan3A_20 = %scan3A to %scan3A_9 step %scan3A_10  : i32 {
        %mul3A = arith.constant 1 : i32
        %mul3A_21 = arith.muli %scan3A_20, %mul3A : i32
        %add3A = arith.constant 0 : i32
        %add3A_22 = arith.addi %add3A, %mul3A_21 : i32
        %add3A_23 = arith.constant 1 : i32
        %add3A_24 = arith.addi %add3A_22, %add3A_23 : i32
        %mul3A_25 = arith.constant 256 : i32
        %mul3A_26 = arith.muli %add3A_24, %mul3A_25 : i32
        %sub3A = arith.constant 1 : i32
        %sub3A_27 = arith.subi %mul3A_26, %sub3A : i32
        %get3A = arith.index_cast %sub3A_27 : i32 to index
        %get3A_28 = memref.load %arg3[%get3A] : memref<2048xi32, #tpu.memory_space<smem>>
        %swap3A = arith.constant 0 : i32
        %swap3A_29 = arith.constant 0 : i32
        %swap3A_30 = arith.index_cast %swap3A_29 : i32 to index
        %swap3A_31 = memref.load %arg5[%swap3A_30] : memref<2xi32, #tpu.memory_space<smem>>
        memref.store %swap3A, %arg5[%swap3A_30] : memref<2xi32, #tpu.memory_space<smem>>
        %swap3A_32 = arith.constant 2048 : i32
        %swap3A_33 = arith.constant 1 : i32
        %swap3A_34 = arith.index_cast %swap3A_33 : i32 to index
        %swap3A_35 = memref.load %arg5[%swap3A_34] : memref<2xi32, #tpu.memory_space<smem>>
        memref.store %swap3A_32, %arg5[%swap3A_34] : memref<2xi32, #tpu.memory_space<smem>>
        %scan3A_36 = arith.constant 0 : i32
        %scan3A_37 = arith.constant 11 : i32
        %scan3A_38 = arith.addi %scan3A_36, %scan3A_37 : i32
        %scan3A_39 = arith.constant 1 : i32
        scf.for %scan3A_46 = %scan3A_36 to %scan3A_38 step %scan3A_39  : i32 {
          %mul3A_47 = arith.constant 1 : i32
          %mul3A_48 = arith.muli %scan3A_46, %mul3A_47 : i32
          %add3A_49 = arith.constant 0 : i32
          %add3A_50 = arith.addi %add3A_49, %mul3A_48 : i32
          %get3A_51 = arith.constant 0 : i32
          %get3A_52 = arith.index_cast %get3A_51 : i32 to index
          %get3A_53 = memref.load %arg5[%get3A_52] : memref<2xi32, #tpu.memory_space<smem>>
          %get3A_54 = arith.constant 1 : i32
          %get3A_55 = arith.index_cast %get3A_54 : i32 to index
          %get3A_56 = memref.load %arg5[%get3A_55] : memref<2xi32, #tpu.memory_space<smem>>
          %add3A_57 = arith.addi %get3A_53, %get3A_56 : i32
          %jit3A = arith.constant 2 : i32
          %div3A = arith.divsi %add3A_57, %jit3A : i32
          %sign3A = arith.constant 0 : i32
          %sign3A_58 = arith.cmpi sgt, %add3A_57, %sign3A : i32
          %sign3A_59 = arith.extui %sign3A_58 : i1 to i32
          %sign3A_60 = arith.constant 0 : i32
          %sign3A_61 = arith.cmpi slt, %add3A_57, %sign3A_60 : i32
          %sign3A_62 = arith.extui %sign3A_61 : i1 to i32
          %sign3A_63 = arith.subi %sign3A_59, %sign3A_62 : i32
          %sign3A_64 = arith.constant 0 : i32
          %sign3A_65 = arith.cmpi sgt, %jit3A, %sign3A_64 : i32
          %sign3A_66 = arith.extui %sign3A_65 : i1 to i32
          %sign3A_67 = arith.constant 0 : i32
          %sign3A_68 = arith.cmpi slt, %jit3A, %sign3A_67 : i32
          %sign3A_69 = arith.extui %sign3A_68 : i1 to i32
          %sign3A_70 = arith.subi %sign3A_66, %sign3A_69 : i32
          %ne3A = arith.cmpi ne, %sign3A_63, %sign3A_70 : i32
          %rem3A = arith.remsi %add3A_57, %jit3A : i32
          %ne3A_71 = arith.constant 0 : i32
          %ne3A_72 = arith.cmpi ne, %rem3A, %ne3A_71 : i32
          %and3A = arith.andi %ne3A, %ne3A_72 : i1
          %sub3A_73 = arith.constant 1 : i32
          %sub3A_74 = arith.subi %div3A, %sub3A_73 : i32
          %select_n3A = arith.select %and3A, %sub3A_74, %div3A : i32
          %get3A_75 = arith.index_cast %select_n3A : i32 to index
          %get3A_76 = memref.load %arg3[%get3A_75] : memref<2048xi32, #tpu.memory_space<smem>>
          %le3A = arith.cmpi sle, %get3A_76, %get3A_28 : i32
          %add3A_77 = arith.constant 1 : i32
          %add3A_78 = arith.addi %select_n3A, %add3A_77 : i32
          %get3A_79 = arith.constant 0 : i32
          %get3A_80 = arith.index_cast %get3A_79 : i32 to index
          %get3A_81 = memref.load %arg5[%get3A_80] : memref<2xi32, #tpu.memory_space<smem>>
          %select_n3A_82 = arith.select %le3A, %add3A_78, %get3A_81 : i32
          %swap3A_83 = arith.constant 0 : i32
          %swap3A_84 = arith.index_cast %swap3A_83 : i32 to index
          %swap3A_85 = memref.load %arg5[%swap3A_84] : memref<2xi32, #tpu.memory_space<smem>>
          memref.store %select_n3A_82, %arg5[%swap3A_84] : memref<2xi32, #tpu.memory_space<smem>>
          %get3A_86 = arith.constant 1 : i32
          %get3A_87 = arith.index_cast %get3A_86 : i32 to index
          %get3A_88 = memref.load %arg5[%get3A_87] : memref<2xi32, #tpu.memory_space<smem>>
          %select_n3A_89 = arith.select %le3A, %get3A_88, %select_n3A : i32
          %swap3A_90 = arith.constant 1 : i32
          %swap3A_91 = arith.index_cast %swap3A_90 : i32 to index
          %swap3A_92 = memref.load %arg5[%swap3A_91] : memref<2xi32, #tpu.memory_space<smem>>
          memref.store %select_n3A_89, %arg5[%swap3A_91] : memref<2xi32, #tpu.memory_space<smem>>
        }
        %scan3A_40 = arith.constant 11 : i32
        %get3A_41 = arith.constant 0 : i32
        %get3A_42 = arith.index_cast %get3A_41 : i32 to index
        %get3A_43 = memref.load %arg5[%get3A_42] : memref<2xi32, #tpu.memory_space<smem>>
        %swap3A_44 = arith.index_cast %add3A_22 : i32 to index
        %swap3A_45 = memref.load %arg4[%swap3A_44] : memref<8xi32, #tpu.memory_space<smem>>
        memref.store %get3A_43, %arg4[%swap3A_44] : memref<8xi32, #tpu.memory_space<smem>>
      }
      %scan3A_11 = arith.constant 8 : i32
      %dma_start3A_12 = arith.constant 0 : i32
      %dma_start3A_13 = arith.constant 0 : i32
      %dma_start3A_14 = tpu.memref_slice %arg2[%dma_start3A_12, %dma_start3A_13] : memref<2x8xi32, #tpu.memory_space<hbm>> -> memref<1x8xi32, #tpu.memory_space<hbm>>
      %dma_start3A_15 = tpu.memref_squeeze %dma_start3A_14 : memref<1x8xi32, #tpu.memory_space<hbm>> -> memref<8xi32, #tpu.memory_space<hbm>>
      tpu.enqueue_dma source(%arg4 : memref<8xi32, #tpu.memory_space<smem>>) target(%dma_start3A_15 : memref<8xi32, #tpu.memory_space<hbm>>) target_semaphore(%arg6 : memref<!tpu.dma_semaphore, #tpu.memory_space<semaphore_mem>>)
      %dma_wait3A_16 = arith.constant 0 : i32
      %dma_wait3A_17 = arith.constant 0 : i32
      %dma_wait3A_18 = tpu.memref_slice %arg2[%dma_wait3A_16, %dma_wait3A_17] : memref<2x8xi32, #tpu.memory_space<hbm>> -> memref<1x8xi32, #tpu.memory_space<hbm>>
      %dma_wait3A_19 = tpu.memref_squeeze %dma_wait3A_18 : memref<1x8xi32, #tpu.memory_space<hbm>> -> memref<8xi32, #tpu.memory_space<hbm>>
      tpu.wait_dma2 semaphore(%arg6 : memref<!tpu.dma_semaphore, #tpu.memory_space<semaphore_mem>>) src(%arg4 : memref<8xi32, #tpu.memory_space<smem>>) dst(%dma_wait3A_19 : memref<8xi32, #tpu.memory_space<hbm>>)
    } else {
    }
    return
  }
}

module attributes {stable_mosaic.version = 14 : i64} {
  func.func @_qkv_rope_kernel(%arg0: i32, %arg1: memref<256x1024xbf16, #tpu.memory_space<vmem>>, %arg2: memref<1024x1024xbf16, #tpu.memory_space<vmem>>, %arg3: memref<1024x1024xbf16, #tpu.memory_space<vmem>>, %arg4: memref<1024x1024xbf16, #tpu.memory_space<vmem>>, %arg5: memref<1x3072xf32, #tpu.memory_space<vmem>>, %arg6: memref<256x3072xbf16, #tpu.memory_space<vmem>>) attributes {dimension_semantics = [#tpu.dimension_semantics<arbitrary>], iteration_bounds = array<i64: 8>, scalar_prefetch = 0 : i64, scratch_operands = 0 : i64, tpu.core_type = #tpu.core_type<tc>, window_params = [{transform_indices = @transform_0, window_bounds = array<i64: 256, 1024>}, {pipeline_mode = #tpu.pipeline_mode<synchronous>, transform_indices = @transform_1, window_bounds = array<i64: 1024, 1024>}, {pipeline_mode = #tpu.pipeline_mode<synchronous>, transform_indices = @transform_2, window_bounds = array<i64: 1024, 1024>}, {pipeline_mode = #tpu.pipeline_mode<synchronous>, transform_indices = @transform_3, window_bounds = array<i64: 1024, 1024>}, {pipeline_mode = #tpu.pipeline_mode<synchronous>, transform_indices = @transform_4, window_bounds = array<i64: 1, 3072>}, {transform_indices = @transform_5, window_bounds = array<i64: 256, 3072>}]} {
    %get3A = arith.constant 0 : index
    %get3A_0 = arith.constant 0 : index
    %get3A_1 = vector.load %arg1[%get3A, %get3A_0] : memref<256x1024xbf16, #tpu.memory_space<vmem>>, vector<256x1024xbf16>
    %get3A_2 = arith.constant 0 : index
    %get3A_3 = arith.constant 0 : index
    %get3A_4 = vector.load %arg2[%get3A_2, %get3A_3] : memref<1024x1024xbf16, #tpu.memory_space<vmem>>, vector<1024x1024xbf16>
    %dot_general3A = arith.constant dense<0.000000e+00> : vector<256x1024xf32>
    %dot_general3A_5 = tpu.matmul %get3A_1, %get3A_4, %dot_general3A {dimension_numbers = #tpu.dot_dimension_numbers<[1], [0], [0], [1], [0, 0, 1, 1], [], []>, transpose_lhs_hint = false} : vector<256x1024xbf16>, vector<1024x1024xbf16>, vector<256x1024xf32> -> vector<256x1024xf32>
    %get3A_6 = arith.constant 0 : index
    %get3A_7 = arith.constant 0 : index
    %get3A_8 = vector.load %arg1[%get3A_6, %get3A_7] : memref<256x1024xbf16, #tpu.memory_space<vmem>>, vector<256x1024xbf16>
    %get3A_9 = arith.constant 0 : index
    %get3A_10 = arith.constant 0 : index
    %get3A_11 = vector.load %arg3[%get3A_9, %get3A_10] : memref<1024x1024xbf16, #tpu.memory_space<vmem>>, vector<1024x1024xbf16>
    %dot_general3A_12 = arith.constant dense<0.000000e+00> : vector<256x1024xf32>
    %dot_general3A_13 = tpu.matmul %get3A_8, %get3A_11, %dot_general3A_12 {dimension_numbers = #tpu.dot_dimension_numbers<[1], [0], [0], [1], [0, 0, 1, 1], [], []>, transpose_lhs_hint = false} : vector<256x1024xbf16>, vector<1024x1024xbf16>, vector<256x1024xf32> -> vector<256x1024xf32>
    %get3A_14 = arith.constant 0 : index
    %get3A_15 = arith.constant 0 : index
    %get3A_16 = vector.load %arg1[%get3A_14, %get3A_15] : memref<256x1024xbf16, #tpu.memory_space<vmem>>, vector<256x1024xbf16>
    %get3A_17 = arith.constant 0 : index
    %get3A_18 = arith.constant 0 : index
    %get3A_19 = vector.load %arg4[%get3A_17, %get3A_18] : memref<1024x1024xbf16, #tpu.memory_space<vmem>>, vector<1024x1024xbf16>
    %dot_general3A_20 = arith.constant dense<0.000000e+00> : vector<256x1024xf32>
    %dot_general3A_21 = tpu.matmul %get3A_16, %get3A_19, %dot_general3A_20 {dimension_numbers = #tpu.dot_dimension_numbers<[1], [0], [0], [1], [0, 0, 1, 1], [], []>, transpose_lhs_hint = false} : vector<256x1024xbf16>, vector<1024x1024xbf16>, vector<256x1024xf32> -> vector<256x1024xf32>
    %concatenate3A = tpu.concatenate %dot_general3A_5, %dot_general3A_13, %dot_general3A_21 in 1 : vector<256x1024xf32>, vector<256x1024xf32>, vector<256x1024xf32> -> vector<256x3072xf32>
    %get3A_22 = arith.constant 0 : index
    %get3A_23 = arith.constant 0 : index
    %get3A_24 = vector.load %arg5[%get3A_22, %get3A_23] : memref<1x3072xf32, #tpu.memory_space<vmem>>, vector<1x3072xf32>
    %add3A = vector.broadcast %get3A_24 : vector<1x3072xf32> to vector<256x3072xf32>
    %add3A_25 = arith.addf %concatenate3A, %add3A : vector<256x3072xf32>
    %iota3A = tpu.iota {dimensions = array<i32: 1>} : vector<256x128xi32>
    %jit3A = arith.constant 64 : i32
    %eq3A = arith.constant 0 : i32
    %eq3A_26 = arith.cmpi eq, %jit3A, %eq3A : i32
    %jit3A_27 = arith.constant 1 : i32
    %select_n3A = arith.select %eq3A_26, %jit3A_27, %jit3A : i32
    %rem3A = vector.broadcast %select_n3A : i32 to vector<256x128xi32>
    %rem3A_28 = arith.remsi %iota3A, %rem3A : vector<256x128xi32>
    %ne3A = arith.constant 0 : i32
    %ne3A_29 = vector.broadcast %ne3A : i32 to vector<256x128xi32>
    %ne3A_30 = arith.cmpi ne, %rem3A_28, %ne3A_29 : vector<256x128xi32>
    %lt3A = arith.constant 0 : i32
    %lt3A_31 = vector.broadcast %lt3A : i32 to vector<256x128xi32>
    %lt3A_32 = arith.cmpi slt, %rem3A_28, %lt3A_31 : vector<256x128xi32>
    %lt3A_33 = arith.constant 0 : i32
    %lt3A_34 = arith.cmpi slt, %select_n3A, %lt3A_33 : i32
    %ne3A_35 = vector.broadcast %lt3A_34 : i1 to vector<256x128xi1>
    %ne3A_36 = vector.broadcast %ne3A_35 : vector<256x128xi1> to vector<256x128xi1>
    %ne3A_37 = arith.xori %lt3A_32, %ne3A_36 : vector<256x128xi1>
    %and3A = arith.andi %ne3A_37, %ne3A_30 : vector<256x128xi1>
    %add3A_38 = vector.broadcast %select_n3A : i32 to vector<256x128xi32>
    %add3A_39 = arith.addi %rem3A_28, %add3A_38 : vector<256x128xi32>
    %select_n3A_40 = arith.select %and3A, %add3A_39, %rem3A_28 : vector<256x128xi1>, vector<256x128xi32>
    %jit3A_41 = arith.constant 32 : i32
    %eq3A_42 = arith.constant 0 : i32
    %eq3A_43 = arith.cmpi eq, %jit3A_41, %eq3A_42 : i32
    %jit3A_44 = arith.constant 1 : i32
    %select_n3A_45 = arith.select %eq3A_43, %jit3A_44, %jit3A_41 : i32
    %rem3A_46 = vector.broadcast %select_n3A_45 : i32 to vector<256x128xi32>
    %rem3A_47 = arith.remsi %select_n3A_40, %rem3A_46 : vector<256x128xi32>
    %ne3A_48 = arith.constant 0 : i32
    %ne3A_49 = vector.broadcast %ne3A_48 : i32 to vector<256x128xi32>
    %ne3A_50 = arith.cmpi ne, %rem3A_47, %ne3A_49 : vector<256x128xi32>
    %lt3A_51 = arith.constant 0 : i32
    %lt3A_52 = vector.broadcast %lt3A_51 : i32 to vector<256x128xi32>
    %lt3A_53 = arith.cmpi slt, %rem3A_47, %lt3A_52 : vector<256x128xi32>
    %lt3A_54 = arith.constant 0 : i32
    %lt3A_55 = arith.cmpi slt, %select_n3A_45, %lt3A_54 : i32
    %ne3A_56 = vector.broadcast %lt3A_55 : i1 to vector<256x128xi1>
    %ne3A_57 = vector.broadcast %ne3A_56 : vector<256x128xi1> to vector<256x128xi1>
    %ne3A_58 = arith.xori %lt3A_53, %ne3A_57 : vector<256x128xi1>
    %and3A_59 = arith.andi %ne3A_58, %ne3A_50 : vector<256x128xi1>
    %add3A_60 = vector.broadcast %select_n3A_45 : i32 to vector<256x128xi32>
    %add3A_61 = arith.addi %rem3A_47, %add3A_60 : vector<256x128xi32>
    %select_n3A_62 = arith.select %and3A_59, %add3A_61, %rem3A_47 : vector<256x128xi1>, vector<256x128xi32>
    %ge3A = arith.constant 32 : i32
    %ge3A_63 = vector.broadcast %ge3A : i32 to vector<256x128xi32>
    %ge3A_64 = arith.cmpi sge, %select_n3A_40, %ge3A_63 : vector<256x128xi32>
    %convert_element_type3A = arith.sitofp %select_n3A_62 : vector<256x128xi32> to vector<256x128xf32>
    %mul3A = arith.constant -0.287823141 : f32
    %mul3A_65 = vector.broadcast %mul3A : f32 to vector<256x128xf32>
    %mul3A_66 = arith.mulf %convert_element_type3A, %mul3A_65 : vector<256x128xf32>
    %exp3A = math.exp %mul3A_66 : vector<256x128xf32>
    %iota3A_67 = tpu.iota {dimensions = array<i32: 0>} : vector<256x128xi32>
    %mul3A_68 = arith.constant 256 : i32
    %mul3A_69 = arith.muli %arg0, %mul3A_68 : i32
    %add3A_70 = vector.broadcast %mul3A_69 : i32 to vector<256x128xi32>
    %add3A_71 = arith.addi %add3A_70, %iota3A_67 : vector<256x128xi32>
    %convert_element_type3A_72 = arith.sitofp %add3A_71 : vector<256x128xi32> to vector<256x128xf32>
    %mul3A_73 = arith.mulf %convert_element_type3A_72, %exp3A : vector<256x128xf32>
    %cos3A = math.cos %mul3A_73 : vector<256x128xf32>
    %sin3A = math.sin %mul3A_73 : vector<256x128xf32>
    %neg3A = arith.constant 0.000000e+00 : f32
    %neg3A_74 = vector.broadcast %neg3A : f32 to vector<256x128xf32>
    %neg3A_75 = arith.subf %neg3A_74, %sin3A : vector<256x128xf32>
    %select_n3A_76 = arith.select %ge3A_64, %sin3A, %neg3A_75 : vector<256x128xi1>, vector<256x128xf32>
    %broadcast_in_dim3A = arith.constant 1.000000e+00 : f32
    %broadcast_in_dim3A_77 = vector.broadcast %broadcast_in_dim3A : f32 to vector<256x128xf32>
    %broadcast_in_dim3A_78 = arith.constant 0.000000e+00 : f32
    %broadcast_in_dim3A_79 = vector.broadcast %broadcast_in_dim3A_78 : f32 to vector<256x128xf32>
    %mul3A_80 = arith.constant 1.250000e-01 : f32
    %mul3A_81 = vector.broadcast %mul3A_80 : f32 to vector<256x128xf32>
    %mul3A_82 = arith.mulf %cos3A, %mul3A_81 : vector<256x128xf32>
    %concatenate3A_83 = tpu.concatenate %mul3A_82, %mul3A_82, %mul3A_82, %mul3A_82, %mul3A_82, %mul3A_82, %mul3A_82, %mul3A_82, %cos3A, %cos3A, %cos3A, %cos3A, %cos3A, %cos3A, %cos3A, %cos3A, %broadcast_in_dim3A_77, %broadcast_in_dim3A_77, %broadcast_in_dim3A_77, %broadcast_in_dim3A_77, %broadcast_in_dim3A_77, %broadcast_in_dim3A_77, %broadcast_in_dim3A_77, %broadcast_in_dim3A_77 in 1 : vector<256x128xf32>, vector<256x128xf32>, vector<256x128xf32>, vector<256x128xf32>, vector<256x128xf32>, vector<256x128xf32>, vector<256x128xf32>, vector<256x128xf32>, vector<256x128xf32>, vector<256x128xf32>, vector<256x128xf32>, vector<256x128xf32>, vector<256x128xf32>, vector<256x128xf32>, vector<256x128xf32>, vector<256x128xf32>, vector<256x128xf32>, vector<256x128xf32>, vector<256x128xf32>, vector<256x128xf32>, vector<256x128xf32>, vector<256x128xf32>, vector<256x128xf32>, vector<256x128xf32> -> vector<256x3072xf32>
    %mul3A_84 = arith.constant 1.250000e-01 : f32
    %mul3A_85 = vector.broadcast %mul3A_84 : f32 to vector<256x128xf32>
    %mul3A_86 = arith.mulf %select_n3A_76, %mul3A_85 : vector<256x128xf32>
    %concatenate3A_87 = tpu.concatenate %mul3A_86, %mul3A_86, %mul3A_86, %mul3A_86, %mul3A_86, %mul3A_86, %mul3A_86, %mul3A_86, %select_n3A_76, %select_n3A_76, %select_n3A_76, %select_n3A_76, %select_n3A_76, %select_n3A_76, %select_n3A_76, %select_n3A_76, %broadcast_in_dim3A_79, %broadcast_in_dim3A_79, %broadcast_in_dim3A_79, %broadcast_in_dim3A_79, %broadcast_in_dim3A_79, %broadcast_in_dim3A_79, %broadcast_in_dim3A_79, %broadcast_in_dim3A_79 in 1 : vector<256x128xf32>, vector<256x128xf32>, vector<256x128xf32>, vector<256x128xf32>, vector<256x128xf32>, vector<256x128xf32>, vector<256x128xf32>, vector<256x128xf32>, vector<256x128xf32>, vector<256x128xf32>, vector<256x128xf32>, vector<256x128xf32>, vector<256x128xf32>, vector<256x128xf32>, vector<256x128xf32>, vector<256x128xf32>, vector<256x128xf32>, vector<256x128xf32>, vector<256x128xf32>, vector<256x128xf32>, vector<256x128xf32>, vector<256x128xf32>, vector<256x128xf32>, vector<256x128xf32> -> vector<256x3072xf32>
    %slice3A = vector.extract_strided_slice %add3A_25 {offsets = [0, 32], sizes = [256, 3040], strides = [1, 1]} : vector<256x3072xf32> to vector<256x3040xf32>
    %slice3A_88 = vector.extract_strided_slice %add3A_25 {offsets = [0, 0], sizes = [256, 32], strides = [1, 1]} : vector<256x3072xf32> to vector<256x32xf32>
    %concatenate3A_89 = tpu.concatenate %slice3A, %slice3A_88 in 1 : vector<256x3040xf32>, vector<256x32xf32> -> vector<256x3072xf32>
    %slice3A_90 = vector.extract_strided_slice %add3A_25 {offsets = [0, 3040], sizes = [256, 32], strides = [1, 1]} : vector<256x3072xf32> to vector<256x32xf32>
    %slice3A_91 = vector.extract_strided_slice %add3A_25 {offsets = [0, 0], sizes = [256, 3040], strides = [1, 1]} : vector<256x3072xf32> to vector<256x3040xf32>
    %concatenate3A_92 = tpu.concatenate %slice3A_90, %slice3A_91 in 1 : vector<256x32xf32>, vector<256x3040xf32> -> vector<256x3072xf32>
    %concatenate3A_93 = tpu.concatenate %ge3A_64, %ge3A_64, %ge3A_64, %ge3A_64, %ge3A_64, %ge3A_64, %ge3A_64, %ge3A_64, %ge3A_64, %ge3A_64, %ge3A_64, %ge3A_64, %ge3A_64, %ge3A_64, %ge3A_64, %ge3A_64, %ge3A_64, %ge3A_64, %ge3A_64, %ge3A_64, %ge3A_64, %ge3A_64, %ge3A_64, %ge3A_64 in 1 : vector<256x128xi1>, vector<256x128xi1>, vector<256x128xi1>, vector<256x128xi1>, vector<256x128xi1>, vector<256x128xi1>, vector<256x128xi1>, vector<256x128xi1>, vector<256x128xi1>, vector<256x128xi1>, vector<256x128xi1>, vector<256x128xi1>, vector<256x128xi1>, vector<256x128xi1>, vector<256x128xi1>, vector<256x128xi1>, vector<256x128xi1>, vector<256x128xi1>, vector<256x128xi1>, vector<256x128xi1>, vector<256x128xi1>, vector<256x128xi1>, vector<256x128xi1>, vector<256x128xi1> -> vector<256x3072xi1>
    %select_n3A_94 = arith.select %concatenate3A_93, %concatenate3A_92, %concatenate3A_89 : vector<256x3072xi1>, vector<256x3072xf32>
    %mul3A_95 = arith.mulf %add3A_25, %concatenate3A_83 : vector<256x3072xf32>
    %mul3A_96 = arith.mulf %select_n3A_94, %concatenate3A_87 : vector<256x3072xf32>
    %add3A_97 = arith.addf %mul3A_95, %mul3A_96 : vector<256x3072xf32>
    %convert_element_type3A_98 = arith.truncf %add3A_97 : vector<256x3072xf32> to vector<256x3072xbf16>
    %swap3A = arith.constant 0 : index
    %swap3A_99 = arith.constant 0 : index
    %swap3A_100 = vector.load %arg6[%swap3A, %swap3A_99] : memref<256x3072xbf16, #tpu.memory_space<vmem>>, vector<256x3072xbf16>
    tpu.vector_store %arg6[%swap3A, %swap3A_99], %convert_element_type3A_98 {strides = array<i32>} : memref<256x3072xbf16, #tpu.memory_space<vmem>>, vector<256x3072xbf16>,
    return
  }
  func.func @transform_0(%arg0: i32) -> (i32, i32) {
    %c0_i32 = arith.constant 0 : i32
    %c0_i32_0 = arith.constant 0 : i32
    return %arg0, %c0_i32 : i32, i32
  }
  func.func @transform_1(%arg0: i32) -> (i32, i32) {
    %c0_i32 = arith.constant 0 : i32
    %c0_i32_0 = arith.constant 0 : i32
    %c0_i32_1 = arith.constant 0 : i32
    return %c0_i32, %c0_i32_0 : i32, i32
  }
  func.func @transform_2(%arg0: i32) -> (i32, i32) {
    %c0_i32 = arith.constant 0 : i32
    %c0_i32_0 = arith.constant 0 : i32
    %c0_i32_1 = arith.constant 0 : i32
    return %c0_i32, %c0_i32_0 : i32, i32
  }
  func.func @transform_3(%arg0: i32) -> (i32, i32) {
    %c0_i32 = arith.constant 0 : i32
    %c0_i32_0 = arith.constant 0 : i32
    %c0_i32_1 = arith.constant 0 : i32
    return %c0_i32, %c0_i32_0 : i32, i32
  }
  func.func @transform_4(%arg0: i32) -> (i32, i32) {
    %c0_i32 = arith.constant 0 : i32
    %c0_i32_0 = arith.constant 0 : i32
    %c0_i32_1 = arith.constant 0 : i32
    return %c0_i32, %c0_i32_0 : i32, i32
  }
  func.func @transform_5(%arg0: i32) -> (i32, i32) {
    %c0_i32 = arith.constant 0 : i32
    %c0_i32_0 = arith.constant 0 : i32
    return %arg0, %c0_i32 : i32, i32
  }
}

module attributes {stable_mosaic.version = 14 : i64} {
  func.func @_attn_kernel(%arg0: i32, %arg1: i32, %arg2: memref<8xi32, #tpu.memory_space<smem>>, %arg3: memref<256x1xi32, #tpu.memory_space<vmem>>, %arg4: memref<1x2048xi32, #tpu.memory_space<vmem>>, %arg5: memref<256x1xi32, #tpu.memory_space<vmem>>, %arg6: memref<1x2048xi32, #tpu.memory_space<vmem>>, %arg7: memref<2048x3072xbf16, #tpu.memory_space<vmem>>, %arg8: memref<256x128xbf16, #tpu.memory_space<vmem>>, %arg9: memref<256x2048xbf16, #tpu.memory_space<vmem>>, %arg10: memref<256x2048xbf16, #tpu.memory_space<vmem>>, %arg11: memref<256x2048xbf16, #tpu.memory_space<vmem>>, %arg12: memref<256x64xf32, #tpu.memory_space<vmem>>, %arg13: memref<256x1xf32, #tpu.memory_space<vmem>>) attributes {dimension_semantics = [#tpu.dimension_semantics<arbitrary>, #tpu.dimension_semantics<arbitrary>], iteration_bounds = array<i64: 8, 8>, scalar_prefetch = 0 : i64, scratch_operands = 5 : i64, tpu.core_type = #tpu.core_type<tc>, window_params = [{transform_indices = @transform_0, window_bounds = array<i64: 8>}, {transform_indices = @transform_1, window_bounds = array<i64: 256, 1>}, {pipeline_mode = #tpu.pipeline_mode<synchronous>, transform_indices = @transform_2, window_bounds = array<i64: 1, 2048>}, {transform_indices = @transform_3, window_bounds = array<i64: 256, 1>}, {pipeline_mode = #tpu.pipeline_mode<synchronous>, transform_indices = @transform_4, window_bounds = array<i64: 1, 2048>}, {pipeline_mode = #tpu.pipeline_mode<synchronous>, transform_indices = @transform_5, window_bounds = array<i64: 2048, 3072>}, {transform_indices = @transform_6, window_bounds = array<i64: 256, 128>}]} {
    %get3A = arith.index_cast %arg0 : i32 to index
    %get3A_0 = memref.load %arg2[%get3A] : memref<8xi32, #tpu.memory_space<smem>>
    %ge3A = arith.constant 0 : i32
    %ge3A_1 = arith.cmpi sge, %arg0, %ge3A : i32
    %lt3A = arith.constant 2 : i32
    %lt3A_2 = arith.cmpi slt, %arg0, %lt3A : i32
    %and3A = arith.andi %ge3A_1, %lt3A_2 : i1
    %convert_element_type3A = arith.extui %and3A : i1 to i32
    %cond3A = arith.constant 0 : i32
    %cond3A_3 = arith.cmpi ne, %convert_element_type3A, %cond3A : i32
    scf.if %cond3A_3 {
      %get3A_28 = arith.constant 0 : index
      %get3A_29 = arith.constant 0 : index
      %get3A_30 = vector.load %arg3[%get3A_28, %get3A_29] : memref<256x1xi32, #tpu.memory_space<vmem>>, vector<256x1xi32>
      %get3A_31 = arith.constant 0 : index
      %get3A_32 = arith.constant 0 : index
      %get3A_33 = vector.load %arg5[%get3A_31, %get3A_32] : memref<256x1xi32, #tpu.memory_space<vmem>>, vector<256x1xi32>
      %eq3A = arith.constant 0 : i32
      %eq3A_34 = arith.cmpi eq, %arg1, %eq3A : i32
      %convert_element_type3A_35 = arith.extui %eq3A_34 : i1 to i32
      %cond3A_36 = arith.constant 0 : i32
      %cond3A_37 = arith.cmpi ne, %convert_element_type3A_35, %cond3A_36 : i32
      scf.if %cond3A_37 {
        %mul3A_272 = arith.constant 256 : i32
        %mul3A_273 = arith.muli %arg0, %mul3A_272 : i32
        %get3A_274 = arith.constant 0 : index
        %get3A_275 = arith.constant 0 : index
        %get3A_276 = vector.load %arg4[%get3A_274, %get3A_275] : memref<1x2048xi32, #tpu.memory_space<vmem>>, vector<1x512xi32>
        %get3A_277 = arith.constant 0 : index
        %get3A_278 = arith.constant 0 : index
        %get3A_279 = vector.load %arg6[%get3A_277, %get3A_278] : memref<1x2048xi32, #tpu.memory_space<vmem>>, vector<1x512xi32>
        %iota3A = tpu.iota {dimensions = array<i32: 0>} : vector<256x512xi32>
        %add3A_280 = vector.broadcast %mul3A_273 : i32 to vector<256x512xi32>
        %add3A_281 = arith.addi %add3A_280, %iota3A : vector<256x512xi32>
        %iota3A_282 = tpu.iota {dimensions = array<i32: 1>} : vector<256x512xi32>
        %add3A_283 = arith.constant 0 : i32
        %add3A_284 = vector.broadcast %add3A_283 : i32 to vector<256x512xi32>
        %add3A_285 = arith.addi %add3A_284, %iota3A_282 : vector<256x512xi32>
        %le3A = arith.cmpi sle, %add3A_285, %add3A_281 : vector<256x512xi32>
        %eq3A_286 = vector.broadcast %get3A_33 : vector<256x1xi32> to vector<256x512xi32>
        %eq3A_287 = vector.broadcast %get3A_279 : vector<1x512xi32> to vector<256x512xi32>
        %eq3A_288 = arith.cmpi eq, %eq3A_286, %eq3A_287 : vector<256x512xi32>
        %lt3A_289 = arith.constant 129 : i32
        %lt3A_290 = vector.broadcast %lt3A_289 : i32 to vector<256x1xi32>
        %lt3A_291 = arith.cmpi slt, %get3A_33, %lt3A_290 : vector<256x1xi32>
        %and3A_292 = vector.broadcast %lt3A_291 : vector<256x1xi1> to vector<256x512xi1>
        %and3A_293 = arith.andi %eq3A_288, %and3A_292 : vector<256x512xi1>
        %and3A_294 = arith.andi %and3A_293, %le3A : vector<256x512xi1>
        %sub3A_295 = vector.broadcast %get3A_30 : vector<256x1xi32> to vector<256x512xi32>
        %sub3A_296 = vector.broadcast %get3A_276 : vector<1x512xi32> to vector<256x512xi32>
        %sub3A_297 = arith.subi %sub3A_295, %sub3A_296 : vector<256x512xi32>
        %ge3A_298 = arith.constant 0 : i32
        %ge3A_299 = vector.broadcast %ge3A_298 : i32 to vector<256x512xi32>
        %ge3A_300 = arith.cmpi sge, %sub3A_297, %ge3A_299 : vector<256x512xi32>
        %le3A_301 = arith.constant 2 : i32
        %le3A_302 = vector.broadcast %le3A_301 : i32 to vector<256x512xi32>
        %le3A_303 = arith.cmpi sle, %sub3A_297, %le3A_302 : vector<256x512xi32>
        %and3A_304 = arith.andi %ge3A_300, %le3A_303 : vector<256x512xi1>
        %eq3A_305 = arith.constant 4 : i32
        %eq3A_306 = vector.broadcast %eq3A_305 : i32 to vector<256x512xi32>
        %eq3A_307 = arith.cmpi eq, %sub3A_297, %eq3A_306 : vector<256x512xi32>
        %or3A = arith.ori %and3A_304, %eq3A_307 : vector<256x512xi1>
        %lt3A_308 = arith.constant 129 : i32
        %lt3A_309 = vector.broadcast %lt3A_308 : i32 to vector<256x1xi32>
        %lt3A_310 = arith.cmpi slt, %get3A_33, %lt3A_309 : vector<256x1xi32>
        %ge3A_311 = arith.constant 0 : i32
        %ge3A_312 = vector.broadcast %ge3A_311 : i32 to vector<256x1xi32>
        %ge3A_313 = arith.cmpi sge, %get3A_30, %ge3A_312 : vector<256x1xi32>
        %and3A_314 = arith.andi %lt3A_310, %ge3A_313 : vector<256x1xi1>
        %ne3A = vector.broadcast %get3A_279 : vector<1x512xi32> to vector<256x512xi32>
        %ne3A_315 = vector.broadcast %get3A_33 : vector<256x1xi32> to vector<256x512xi32>
        %ne3A_316 = arith.cmpi ne, %ne3A, %ne3A_315 : vector<256x512xi32>
        %and3A_317 = vector.broadcast %and3A_314 : vector<256x1xi1> to vector<256x512xi1>
        %and3A_318 = arith.andi %and3A_317, %ne3A_316 : vector<256x512xi1>
        %lt3A_319 = arith.constant 129 : i32
        %lt3A_320 = vector.broadcast %lt3A_319 : i32 to vector<1x512xi32>
        %lt3A_321 = arith.cmpi slt, %get3A_279, %lt3A_320 : vector<1x512xi32>
        %and3A_322 = vector.broadcast %lt3A_321 : vector<1x512xi1> to vector<256x512xi1>
        %and3A_323 = arith.andi %and3A_318, %and3A_322 : vector<256x512xi1>
        %and3A_324 = arith.andi %and3A_323, %or3A : vector<256x512xi1>
        %eq3A_325 = arith.constant 129 : i32
        %eq3A_326 = vector.broadcast %eq3A_325 : i32 to vector<1x512xi32>
        %eq3A_327 = arith.cmpi eq, %get3A_279, %eq3A_326 : vector<1x512xi32>
        %eq3A_328 = arith.constant -1 : i32
        %eq3A_329 = vector.broadcast %eq3A_328 : i32 to vector<1x512xi32>
        %eq3A_330 = arith.cmpi eq, %get3A_276, %eq3A_329 : vector<1x512xi32>
        %or3A_331 = arith.ori %eq3A_327, %eq3A_330 : vector<1x512xi1>
        %and3A_332 = vector.broadcast %or3A_331 : vector<1x512xi1> to vector<256x512xi1>
        %and3A_333 = arith.andi %and3A_332, %le3A : vector<256x512xi1>
        %convert_element_type3A_334 = arith.extui %and3A_294 : vector<256x512xi1> to vector<256x512xi32>
        %convert_element_type3A_335 = arith.sitofp %convert_element_type3A_334 : vector<256x512xi32> to vector<256x512xf32>
        %convert_element_type3A_336 = arith.truncf %convert_element_type3A_335 : vector<256x512xf32> to vector<256x512xbf16>
        %swap3A_337 = arith.constant 0 : index
        %swap3A_338 = arith.constant 0 : index
        %swap3A_339 = vector.load %arg9[%swap3A_337, %swap3A_338] : memref<256x2048xbf16, #tpu.memory_space<vmem>>, vector<256x512xbf16>
        tpu.vector_store %arg9[%swap3A_337, %swap3A_338], %convert_element_type3A_336 {strides = array<i32>} : memref<256x2048xbf16, #tpu.memory_space<vmem>>, vector<256x512xbf16>,
        %convert_element_type3A_340 = arith.extui %and3A_324 : vector<256x512xi1> to vector<256x512xi32>
        %convert_element_type3A_341 = arith.sitofp %convert_element_type3A_340 : vector<256x512xi32> to vector<256x512xf32>
        %convert_element_type3A_342 = arith.truncf %convert_element_type3A_341 : vector<256x512xf32> to vector<256x512xbf16>
        %swap3A_343 = arith.constant 0 : index
        %swap3A_344 = arith.constant 0 : index
        %swap3A_345 = vector.load %arg10[%swap3A_343, %swap3A_344] : memref<256x2048xbf16, #tpu.memory_space<vmem>>, vector<256x512xbf16>
        tpu.vector_store %arg10[%swap3A_343, %swap3A_344], %convert_element_type3A_342 {strides = array<i32>} : memref<256x2048xbf16, #tpu.memory_space<vmem>>, vector<256x512xbf16>,
        %convert_element_type3A_346 = arith.extui %and3A_333 : vector<256x512xi1> to vector<256x512xi32>
        %convert_element_type3A_347 = arith.sitofp %convert_element_type3A_346 : vector<256x512xi32> to vector<256x512xf32>
        %convert_element_type3A_348 = arith.truncf %convert_element_type3A_347 : vector<256x512xf32> to vector<256x512xbf16>
        %swap3A_349 = arith.constant 0 : index
        %swap3A_350 = arith.constant 0 : index
        %swap3A_351 = vector.load %arg11[%swap3A_349, %swap3A_350] : memref<256x2048xbf16, #tpu.memory_space<vmem>>, vector<256x512xbf16>
        tpu.vector_store %arg11[%swap3A_349, %swap3A_350], %convert_element_type3A_348 {strides = array<i32>} : memref<256x2048xbf16, #tpu.memory_space<vmem>>, vector<256x512xbf16>,
      } else {
      }
      %mul3A = arith.constant 256 : i32
      %mul3A_38 = arith.muli %arg0, %mul3A : i32
      %mul3A_39 = arith.constant 128 : i32
      %mul3A_40 = arith.muli %arg1, %mul3A_39 : i32
      %get3A_41 = arith.index_cast %mul3A_38 : i32 to index
      %get3A_42 = arith.index_cast %mul3A_40 : i32 to index
      %get3A_43 = vector.load %arg7[%get3A_41, %get3A_42] : memref<2048x3072xbf16, #tpu.memory_space<vmem>>, vector<256x128xbf16>
      %mul3A_44 = arith.constant 128 : i32
      %mul3A_45 = arith.muli %arg1, %mul3A_44 : i32
      %add3A = arith.constant 1024 : i32
      %add3A_46 = arith.addi %add3A, %mul3A_45 : i32
      %get3A_47 = arith.constant 0 : index
      %get3A_48 = arith.index_cast %add3A_46 : i32 to index
      %get3A_49 = vector.load %arg7[%get3A_47, %get3A_48] : memref<2048x3072xbf16, #tpu.memory_space<vmem>>, vector<512x128xbf16>
      %mul3A_50 = arith.constant 128 : i32
      %mul3A_51 = arith.muli %arg1, %mul3A_50 : i32
      %add3A_52 = arith.constant 2048 : i32
      %add3A_53 = arith.addi %add3A_52, %mul3A_51 : i32
      %get3A_54 = arith.constant 0 : index
      %get3A_55 = arith.index_cast %add3A_53 : i32 to index
      %get3A_56 = vector.load %arg7[%get3A_54, %get3A_55] : memref<2048x3072xbf16, #tpu.memory_space<vmem>>, vector<512x128xbf16>
      %get3A_57 = arith.constant 0 : index
      %get3A_58 = arith.constant 0 : index
      %get3A_59 = vector.load %arg9[%get3A_57, %get3A_58] : memref<256x2048xbf16, #tpu.memory_space<vmem>>, vector<256x512xbf16>
      %get3A_60 = arith.constant 0 : index
      %get3A_61 = arith.constant 0 : index
      %get3A_62 = vector.load %arg10[%get3A_60, %get3A_61] : memref<256x2048xbf16, #tpu.memory_space<vmem>>, vector<256x512xbf16>
      %get3A_63 = arith.constant 0 : index
      %get3A_64 = arith.constant 0 : index
      %get3A_65 = vector.load %arg11[%get3A_63, %get3A_64] : memref<256x2048xbf16, #tpu.memory_space<vmem>>, vector<256x512xbf16>
      %slice3A = vector.extract_strided_slice %get3A_43 {offsets = [0, 0], sizes = [256, 64], strides = [1, 1]} : vector<256x128xbf16> to vector<256x64xbf16>
      %slice3A_66 = vector.extract_strided_slice %get3A_49 {offsets = [0, 0], sizes = [512, 64], strides = [1, 1]} : vector<512x128xbf16> to vector<512x64xbf16>
      %slice3A_67 = vector.extract_strided_slice %get3A_56 {offsets = [0, 0], sizes = [512, 64], strides = [1, 1]} : vector<512x128xbf16> to vector<512x64xbf16>
      %dot_general3A = arith.constant dense<0.000000e+00> : vector<256x512xf32>
      %dot_general3A_68 = tpu.matmul %slice3A, %slice3A_66, %dot_general3A {dimension_numbers = #tpu.dot_dimension_numbers<[1], [1], [0], [0], [0, 0, 1, 0], [], []>, transpose_lhs_hint = false} : vector<256x64xbf16>, vector<512x64xbf16>, vector<256x512xf32> -> vector<256x512xf32>
      %reduce_max3A = arith.constant dense<0xFF800000> : vector<256xf32>
      %reduce_max3A_69 = vector.multi_reduction <maximumf>, %dot_general3A_68, %reduce_max3A [1] : vector<256x512xf32> to vector<256xf32>
      %broadcast_in_dim3A = vector.shape_cast %reduce_max3A_69 : vector<256xf32> to vector<256x1xf32>
      %broadcast_in_dim3A_70 = arith.constant 0.000000e+00 : f32
      %broadcast_in_dim3A_71 = vector.broadcast %broadcast_in_dim3A_70 : f32 to vector<256x64xf32>
      %swap3A = arith.constant 0 : index
      %swap3A_72 = arith.constant 0 : index
      %swap3A_73 = vector.load %arg12[%swap3A, %swap3A_72] : memref<256x64xf32, #tpu.memory_space<vmem>>, vector<256x64xf32>
      tpu.vector_store %arg12[%swap3A, %swap3A_72], %broadcast_in_dim3A_71 {strides = array<i32>} : memref<256x64xf32, #tpu.memory_space<vmem>>, vector<256x64xf32>,
      %broadcast_in_dim3A_74 = arith.constant 0.000000e+00 : f32
      %broadcast_in_dim3A_75 = vector.broadcast %broadcast_in_dim3A_74 : f32 to vector<256x1xf32>
      %swap3A_76 = arith.constant 0 : index
      %swap3A_77 = arith.constant 0 : index
      %swap3A_78 = vector.load %arg13[%swap3A_76, %swap3A_77] : memref<256x1xf32, #tpu.memory_space<vmem>>, vector<256x1xf32>
      tpu.vector_store %arg13[%swap3A_76, %swap3A_77], %broadcast_in_dim3A_75 {strides = array<i32>} : memref<256x1xf32, #tpu.memory_space<vmem>>, vector<256x1xf32>,
      %gt3A = arith.constant 512 : i32
      %gt3A_79 = arith.cmpi sgt, %get3A_0, %gt3A : i32
      %convert_element_type3A_80 = arith.extui %gt3A_79 : i1 to i32
      %cond3A_81 = arith.constant 0 : i32
      %cond3A_82 = arith.cmpi ne, %convert_element_type3A_80, %cond3A_81 : i32
      scf.if %cond3A_82 {
        %mul3A_272 = arith.constant 128 : i32
        %mul3A_273 = arith.muli %arg1, %mul3A_272 : i32
        %add3A_274 = arith.constant 1024 : i32
        %add3A_275 = arith.addi %add3A_274, %mul3A_273 : i32
        %get3A_276 = arith.constant 512 : index
        %get3A_277 = arith.index_cast %add3A_275 : i32 to index
        %get3A_278 = vector.load %arg7[%get3A_276, %get3A_277] : memref<2048x3072xbf16, #tpu.memory_space<vmem>>, vector<256x128xbf16>
        %slice3A_279 = vector.extract_strided_slice %get3A_278 {offsets = [0, 0], sizes = [256, 64], strides = [1, 1]} : vector<256x128xbf16> to vector<256x64xbf16>
        %mul3A_280 = arith.constant 128 : i32
        %mul3A_281 = arith.muli %arg1, %mul3A_280 : i32
        %add3A_282 = arith.constant 2048 : i32
        %add3A_283 = arith.addi %add3A_282, %mul3A_281 : i32
        %get3A_284 = arith.constant 512 : index
        %get3A_285 = arith.index_cast %add3A_283 : i32 to index
        %get3A_286 = vector.load %arg7[%get3A_284, %get3A_285] : memref<2048x3072xbf16, #tpu.memory_space<vmem>>, vector<256x128xbf16>
        %slice3A_287 = vector.extract_strided_slice %get3A_286 {offsets = [0, 0], sizes = [256, 64], strides = [1, 1]} : vector<256x128xbf16> to vector<256x64xbf16>
        %get3A_288 = arith.constant 0 : index
        %get3A_289 = arith.constant 512 : index
        %get3A_290 = vector.load %arg4[%get3A_288, %get3A_289] : memref<1x2048xi32, #tpu.memory_space<vmem>>, vector<1x256xi32>
        %get3A_291 = arith.constant 0 : index
        %get3A_292 = arith.constant 512 : index
        %get3A_293 = vector.load %arg6[%get3A_291, %get3A_292] : memref<1x2048xi32, #tpu.memory_space<vmem>>, vector<1x256xi32>
        %sub3A_294 = vector.broadcast %get3A_30 : vector<256x1xi32> to vector<256x256xi32>
        %sub3A_295 = vector.broadcast %get3A_290 : vector<1x256xi32> to vector<256x256xi32>
        %sub3A_296 = arith.subi %sub3A_294, %sub3A_295 : vector<256x256xi32>
        %ge3A_297 = arith.constant 0 : i32
        %ge3A_298 = vector.broadcast %ge3A_297 : i32 to vector<256x256xi32>
        %ge3A_299 = arith.cmpi sge, %sub3A_296, %ge3A_298 : vector<256x256xi32>
        %le3A = arith.constant 2 : i32
        %le3A_300 = vector.broadcast %le3A : i32 to vector<256x256xi32>
        %le3A_301 = arith.cmpi sle, %sub3A_296, %le3A_300 : vector<256x256xi32>
        %and3A_302 = arith.andi %ge3A_299, %le3A_301 : vector<256x256xi1>
        %eq3A_303 = arith.constant 4 : i32
        %eq3A_304 = vector.broadcast %eq3A_303 : i32 to vector<256x256xi32>
        %eq3A_305 = arith.cmpi eq, %sub3A_296, %eq3A_304 : vector<256x256xi32>
        %or3A = arith.ori %and3A_302, %eq3A_305 : vector<256x256xi1>
        %lt3A_306 = arith.constant 129 : i32
        %lt3A_307 = vector.broadcast %lt3A_306 : i32 to vector<256x1xi32>
        %lt3A_308 = arith.cmpi slt, %get3A_33, %lt3A_307 : vector<256x1xi32>
        %ge3A_309 = arith.constant 0 : i32
        %ge3A_310 = vector.broadcast %ge3A_309 : i32 to vector<256x1xi32>
        %ge3A_311 = arith.cmpi sge, %get3A_30, %ge3A_310 : vector<256x1xi32>
        %and3A_312 = arith.andi %lt3A_308, %ge3A_311 : vector<256x1xi1>
        %ne3A = vector.broadcast %get3A_293 : vector<1x256xi32> to vector<256x256xi32>
        %ne3A_313 = vector.broadcast %get3A_33 : vector<256x1xi32> to vector<256x256xi32>
        %ne3A_314 = arith.cmpi ne, %ne3A, %ne3A_313 : vector<256x256xi32>
        %and3A_315 = vector.broadcast %and3A_312 : vector<256x1xi1> to vector<256x256xi1>
        %and3A_316 = arith.andi %and3A_315, %ne3A_314 : vector<256x256xi1>
        %lt3A_317 = arith.constant 129 : i32
        %lt3A_318 = vector.broadcast %lt3A_317 : i32 to vector<1x256xi32>
        %lt3A_319 = arith.cmpi slt, %get3A_293, %lt3A_318 : vector<1x256xi32>
        %and3A_320 = vector.broadcast %lt3A_319 : vector<1x256xi1> to vector<256x256xi1>
        %and3A_321 = arith.andi %and3A_316, %and3A_320 : vector<256x256xi1>
        %and3A_322 = arith.andi %and3A_321, %or3A : vector<256x256xi1>
        %dot_general3A_323 = arith.constant dense<0.000000e+00> : vector<256x256xf32>
        %dot_general3A_324 = tpu.matmul %slice3A, %slice3A_279, %dot_general3A_323 {dimension_numbers = #tpu.dot_dimension_numbers<[1], [1], [0], [0], [0, 0, 1, 0], [], []>, transpose_lhs_hint = false} : vector<256x64xbf16>, vector<256x64xbf16>, vector<256x256xf32> -> vector<256x256xf32>
        %sub3A_325 = vector.broadcast %broadcast_in_dim3A : vector<256x1xf32> to vector<256x256xf32>
        %sub3A_326 = arith.subf %dot_general3A_324, %sub3A_325 : vector<256x256xf32>
        %min3A = arith.constant 8.000000e+01 : f32
        %min3A_327 = vector.broadcast %min3A : f32 to vector<256x256xf32>
        %min3A_328 = arith.minimumf %sub3A_326, %min3A_327 : vector<256x256xf32>
        %exp3A_329 = math.exp %min3A_328 : vector<256x256xf32>
        %convert_element_type3A_330 = arith.extui %and3A_322 : vector<256x256xi1> to vector<256x256xi32>
        %convert_element_type3A_331 = arith.sitofp %convert_element_type3A_330 : vector<256x256xi32> to vector<256x256xf32>
        %mul3A_332 = arith.mulf %exp3A_329, %convert_element_type3A_331 : vector<256x256xf32>
        %get3A_333 = arith.constant 0 : index
        %get3A_334 = arith.constant 0 : index
        %get3A_335 = vector.load %arg13[%get3A_333, %get3A_334] : memref<256x1xf32, #tpu.memory_space<vmem>>, vector<256x1xf32>
        %reduce_sum3A_336 = arith.constant dense<0.000000e+00> : vector<256xf32>
        %reduce_sum3A_337 = vector.multi_reduction <add>, %mul3A_332, %reduce_sum3A_336 [1] : vector<256x256xf32> to vector<256xf32>
        %broadcast_in_dim3A_338 = vector.shape_cast %reduce_sum3A_337 : vector<256xf32> to vector<256x1xf32>
        %add3A_339 = arith.addf %get3A_335, %broadcast_in_dim3A_338 : vector<256x1xf32>
        %swap3A_340 = arith.constant 0 : index
        %swap3A_341 = arith.constant 0 : index
        %swap3A_342 = vector.load %arg13[%swap3A_340, %swap3A_341] : memref<256x1xf32, #tpu.memory_space<vmem>>, vector<256x1xf32>
        tpu.vector_store %arg13[%swap3A_340, %swap3A_341], %add3A_339 {strides = array<i32>} : memref<256x1xf32, #tpu.memory_space<vmem>>, vector<256x1xf32>,
        %get3A_343 = arith.constant 0 : index
        %get3A_344 = arith.constant 0 : index
        %get3A_345 = vector.load %arg12[%get3A_343, %get3A_344] : memref<256x64xf32, #tpu.memory_space<vmem>>, vector<256x64xf32>
        %convert_element_type3A_346 = arith.truncf %mul3A_332 : vector<256x256xf32> to vector<256x256xbf16>
        %dot_general3A_347 = arith.constant dense<0.000000e+00> : vector<256x64xf32>
        %dot_general3A_348 = tpu.matmul %convert_element_type3A_346, %slice3A_287, %dot_general3A_347 {dimension_numbers = #tpu.dot_dimension_numbers<[1], [0], [0], [1], [0, 0, 1, 1], [], []>, transpose_lhs_hint = false} : vector<256x256xbf16>, vector<256x64xbf16>, vector<256x64xf32> -> vector<256x64xf32>
        %add3A_349 = arith.addf %get3A_345, %dot_general3A_348 : vector<256x64xf32>
        %swap3A_350 = arith.constant 0 : index
        %swap3A_351 = arith.constant 0 : index
        %swap3A_352 = vector.load %arg12[%swap3A_350, %swap3A_351] : memref<256x64xf32, #tpu.memory_space<vmem>>, vector<256x64xf32>
        tpu.vector_store %arg12[%swap3A_350, %swap3A_351], %add3A_349 {strides = array<i32>} : memref<256x64xf32, #tpu.memory_space<vmem>>, vector<256x64xf32>,
      } else {
      }
      %gt3A_83 = arith.constant 768 : i32
      %gt3A_84 = arith.cmpi sgt, %get3A_0, %gt3A_83 : i32
      %convert_element_type3A_85 = arith.extui %gt3A_84 : i1 to i32
      %cond3A_86 = arith.constant 0 : i32
      %cond3A_87 = arith.cmpi ne, %convert_element_type3A_85, %cond3A_86 : i32
      scf.if %cond3A_87 {
        %mul3A_272 = arith.constant 128 : i32
        %mul3A_273 = arith.muli %arg1, %mul3A_272 : i32
        %add3A_274 = arith.constant 1024 : i32
        %add3A_275 = arith.addi %add3A_274, %mul3A_273 : i32
        %get3A_276 = arith.constant 768 : index
        %get3A_277 = arith.index_cast %add3A_275 : i32 to index
        %get3A_278 = vector.load %arg7[%get3A_276, %get3A_277] : memref<2048x3072xbf16, #tpu.memory_space<vmem>>, vector<256x128xbf16>
        %slice3A_279 = vector.extract_strided_slice %get3A_278 {offsets = [0, 0], sizes = [256, 64], strides = [1, 1]} : vector<256x128xbf16> to vector<256x64xbf16>
        %mul3A_280 = arith.constant 128 : i32
        %mul3A_281 = arith.muli %arg1, %mul3A_280 : i32
        %add3A_282 = arith.constant 2048 : i32
        %add3A_283 = arith.addi %add3A_282, %mul3A_281 : i32
        %get3A_284 = arith.constant 768 : index
        %get3A_285 = arith.index_cast %add3A_283 : i32 to index
        %get3A_286 = vector.load %arg7[%get3A_284, %get3A_285] : memref<2048x3072xbf16, #tpu.memory_space<vmem>>, vector<256x128xbf16>
        %slice3A_287 = vector.extract_strided_slice %get3A_286 {offsets = [0, 0], sizes = [256, 64], strides = [1, 1]} : vector<256x128xbf16> to vector<256x64xbf16>
        %get3A_288 = arith.constant 0 : index
        %get3A_289 = arith.constant 768 : index
        %get3A_290 = vector.load %arg4[%get3A_288, %get3A_289] : memref<1x2048xi32, #tpu.memory_space<vmem>>, vector<1x256xi32>
        %get3A_291 = arith.constant 0 : index
        %get3A_292 = arith.constant 768 : index
        %get3A_293 = vector.load %arg6[%get3A_291, %get3A_292] : memref<1x2048xi32, #tpu.memory_space<vmem>>, vector<1x256xi32>
        %sub3A_294 = vector.broadcast %get3A_30 : vector<256x1xi32> to vector<256x256xi32>
        %sub3A_295 = vector.broadcast %get3A_290 : vector<1x256xi32> to vector<256x256xi32>
        %sub3A_296 = arith.subi %sub3A_294, %sub3A_295 : vector<256x256xi32>
        %ge3A_297 = arith.constant 0 : i32
        %ge3A_298 = vector.broadcast %ge3A_297 : i32 to vector<256x256xi32>
        %ge3A_299 = arith.cmpi sge, %sub3A_296, %ge3A_298 : vector<256x256xi32>
        %le3A = arith.constant 2 : i32
        %le3A_300 = vector.broadcast %le3A : i32 to vector<256x256xi32>
        %le3A_301 = arith.cmpi sle, %sub3A_296, %le3A_300 : vector<256x256xi32>
        %and3A_302 = arith.andi %ge3A_299, %le3A_301 : vector<256x256xi1>
        %eq3A_303 = arith.constant 4 : i32
        %eq3A_304 = vector.broadcast %eq3A_303 : i32 to vector<256x256xi32>
        %eq3A_305 = arith.cmpi eq, %sub3A_296, %eq3A_304 : vector<256x256xi32>
        %or3A = arith.ori %and3A_302, %eq3A_305 : vector<256x256xi1>
        %lt3A_306 = arith.constant 129 : i32
        %lt3A_307 = vector.broadcast %lt3A_306 : i32 to vector<256x1xi32>
        %lt3A_308 = arith.cmpi slt, %get3A_33, %lt3A_307 : vector<256x1xi32>
        %ge3A_309 = arith.constant 0 : i32
        %ge3A_310 = vector.broadcast %ge3A_309 : i32 to vector<256x1xi32>
        %ge3A_311 = arith.cmpi sge, %get3A_30, %ge3A_310 : vector<256x1xi32>
        %and3A_312 = arith.andi %lt3A_308, %ge3A_311 : vector<256x1xi1>
        %ne3A = vector.broadcast %get3A_293 : vector<1x256xi32> to vector<256x256xi32>
        %ne3A_313 = vector.broadcast %get3A_33 : vector<256x1xi32> to vector<256x256xi32>
        %ne3A_314 = arith.cmpi ne, %ne3A, %ne3A_313 : vector<256x256xi32>
        %and3A_315 = vector.broadcast %and3A_312 : vector<256x1xi1> to vector<256x256xi1>
        %and3A_316 = arith.andi %and3A_315, %ne3A_314 : vector<256x256xi1>
        %lt3A_317 = arith.constant 129 : i32
        %lt3A_318 = vector.broadcast %lt3A_317 : i32 to vector<1x256xi32>
        %lt3A_319 = arith.cmpi slt, %get3A_293, %lt3A_318 : vector<1x256xi32>
        %and3A_320 = vector.broadcast %lt3A_319 : vector<1x256xi1> to vector<256x256xi1>
        %and3A_321 = arith.andi %and3A_316, %and3A_320 : vector<256x256xi1>
        %and3A_322 = arith.andi %and3A_321, %or3A : vector<256x256xi1>
        %dot_general3A_323 = arith.constant dense<0.000000e+00> : vector<256x256xf32>
        %dot_general3A_324 = tpu.matmul %slice3A, %slice3A_279, %dot_general3A_323 {dimension_numbers = #tpu.dot_dimension_numbers<[1], [1], [0], [0], [0, 0, 1, 0], [], []>, transpose_lhs_hint = false} : vector<256x64xbf16>, vector<256x64xbf16>, vector<256x256xf32> -> vector<256x256xf32>
        %sub3A_325 = vector.broadcast %broadcast_in_dim3A : vector<256x1xf32> to vector<256x256xf32>
        %sub3A_326 = arith.subf %dot_general3A_324, %sub3A_325 : vector<256x256xf32>
        %min3A = arith.constant 8.000000e+01 : f32
        %min3A_327 = vector.broadcast %min3A : f32 to vector<256x256xf32>
        %min3A_328 = arith.minimumf %sub3A_326, %min3A_327 : vector<256x256xf32>
        %exp3A_329 = math.exp %min3A_328 : vector<256x256xf32>
        %convert_element_type3A_330 = arith.extui %and3A_322 : vector<256x256xi1> to vector<256x256xi32>
        %convert_element_type3A_331 = arith.sitofp %convert_element_type3A_330 : vector<256x256xi32> to vector<256x256xf32>
        %mul3A_332 = arith.mulf %exp3A_329, %convert_element_type3A_331 : vector<256x256xf32>
        %get3A_333 = arith.constant 0 : index
        %get3A_334 = arith.constant 0 : index
        %get3A_335 = vector.load %arg13[%get3A_333, %get3A_334] : memref<256x1xf32, #tpu.memory_space<vmem>>, vector<256x1xf32>
        %reduce_sum3A_336 = arith.constant dense<0.000000e+00> : vector<256xf32>
        %reduce_sum3A_337 = vector.multi_reduction <add>, %mul3A_332, %reduce_sum3A_336 [1] : vector<256x256xf32> to vector<256xf32>
        %broadcast_in_dim3A_338 = vector.shape_cast %reduce_sum3A_337 : vector<256xf32> to vector<256x1xf32>
        %add3A_339 = arith.addf %get3A_335, %broadcast_in_dim3A_338 : vector<256x1xf32>
        %swap3A_340 = arith.constant 0 : index
        %swap3A_341 = arith.constant 0 : index
        %swap3A_342 = vector.load %arg13[%swap3A_340, %swap3A_341] : memref<256x1xf32, #tpu.memory_space<vmem>>, vector<256x1xf32>
        tpu.vector_store %arg13[%swap3A_340, %swap3A_341], %add3A_339 {strides = array<i32>} : memref<256x1xf32, #tpu.memory_space<vmem>>, vector<256x1xf32>,
        %get3A_343 = arith.constant 0 : index
        %get3A_344 = arith.constant 0 : index
        %get3A_345 = vector.load %arg12[%get3A_343, %get3A_344] : memref<256x64xf32, #tpu.memory_space<vmem>>, vector<256x64xf32>
        %convert_element_type3A_346 = arith.truncf %mul3A_332 : vector<256x256xf32> to vector<256x256xbf16>
        %dot_general3A_347 = arith.constant dense<0.000000e+00> : vector<256x64xf32>
        %dot_general3A_348 = tpu.matmul %convert_element_type3A_346, %slice3A_287, %dot_general3A_347 {dimension_numbers = #tpu.dot_dimension_numbers<[1], [0], [0], [1], [0, 0, 1, 1], [], []>, transpose_lhs_hint = false} : vector<256x256xbf16>, vector<256x64xbf16>, vector<256x64xf32> -> vector<256x64xf32>
        %add3A_349 = arith.addf %get3A_345, %dot_general3A_348 : vector<256x64xf32>
        %swap3A_350 = arith.constant 0 : index
        %swap3A_351 = arith.constant 0 : index
        %swap3A_352 = vector.load %arg12[%swap3A_350, %swap3A_351] : memref<256x64xf32, #tpu.memory_space<vmem>>, vector<256x64xf32>
        tpu.vector_store %arg12[%swap3A_350, %swap3A_351], %add3A_349 {strides = array<i32>} : memref<256x64xf32, #tpu.memory_space<vmem>>, vector<256x64xf32>,
      } else {
      }
      %gt3A_88 = arith.constant 1024 : i32
      %gt3A_89 = arith.cmpi sgt, %get3A_0, %gt3A_88 : i32
      %convert_element_type3A_90 = arith.extui %gt3A_89 : i1 to i32
      %cond3A_91 = arith.constant 0 : i32
      %cond3A_92 = arith.cmpi ne, %convert_element_type3A_90, %cond3A_91 : i32
      scf.if %cond3A_92 {
        %mul3A_272 = arith.constant 128 : i32
        %mul3A_273 = arith.muli %arg1, %mul3A_272 : i32
        %add3A_274 = arith.constant 1024 : i32
        %add3A_275 = arith.addi %add3A_274, %mul3A_273 : i32
        %get3A_276 = arith.constant 1024 : index
        %get3A_277 = arith.index_cast %add3A_275 : i32 to index
        %get3A_278 = vector.load %arg7[%get3A_276, %get3A_277] : memref<2048x3072xbf16, #tpu.memory_space<vmem>>, vector<256x128xbf16>
        %slice3A_279 = vector.extract_strided_slice %get3A_278 {offsets = [0, 0], sizes = [256, 64], strides = [1, 1]} : vector<256x128xbf16> to vector<256x64xbf16>
        %mul3A_280 = arith.constant 128 : i32
        %mul3A_281 = arith.muli %arg1, %mul3A_280 : i32
        %add3A_282 = arith.constant 2048 : i32
        %add3A_283 = arith.addi %add3A_282, %mul3A_281 : i32
        %get3A_284 = arith.constant 1024 : index
        %get3A_285 = arith.index_cast %add3A_283 : i32 to index
        %get3A_286 = vector.load %arg7[%get3A_284, %get3A_285] : memref<2048x3072xbf16, #tpu.memory_space<vmem>>, vector<256x128xbf16>
        %slice3A_287 = vector.extract_strided_slice %get3A_286 {offsets = [0, 0], sizes = [256, 64], strides = [1, 1]} : vector<256x128xbf16> to vector<256x64xbf16>
        %get3A_288 = arith.constant 0 : index
        %get3A_289 = arith.constant 1024 : index
        %get3A_290 = vector.load %arg4[%get3A_288, %get3A_289] : memref<1x2048xi32, #tpu.memory_space<vmem>>, vector<1x256xi32>
        %get3A_291 = arith.constant 0 : index
        %get3A_292 = arith.constant 1024 : index
        %get3A_293 = vector.load %arg6[%get3A_291, %get3A_292] : memref<1x2048xi32, #tpu.memory_space<vmem>>, vector<1x256xi32>
        %sub3A_294 = vector.broadcast %get3A_30 : vector<256x1xi32> to vector<256x256xi32>
        %sub3A_295 = vector.broadcast %get3A_290 : vector<1x256xi32> to vector<256x256xi32>
        %sub3A_296 = arith.subi %sub3A_294, %sub3A_295 : vector<256x256xi32>
        %ge3A_297 = arith.constant 0 : i32
        %ge3A_298 = vector.broadcast %ge3A_297 : i32 to vector<256x256xi32>
        %ge3A_299 = arith.cmpi sge, %sub3A_296, %ge3A_298 : vector<256x256xi32>
        %le3A = arith.constant 2 : i32
        %le3A_300 = vector.broadcast %le3A : i32 to vector<256x256xi32>
        %le3A_301 = arith.cmpi sle, %sub3A_296, %le3A_300 : vector<256x256xi32>
        %and3A_302 = arith.andi %ge3A_299, %le3A_301 : vector<256x256xi1>
        %eq3A_303 = arith.constant 4 : i32
        %eq3A_304 = vector.broadcast %eq3A_303 : i32 to vector<256x256xi32>
        %eq3A_305 = arith.cmpi eq, %sub3A_296, %eq3A_304 : vector<256x256xi32>
        %or3A = arith.ori %and3A_302, %eq3A_305 : vector<256x256xi1>
        %lt3A_306 = arith.constant 129 : i32
        %lt3A_307 = vector.broadcast %lt3A_306 : i32 to vector<256x1xi32>
        %lt3A_308 = arith.cmpi slt, %get3A_33, %lt3A_307 : vector<256x1xi32>
        %ge3A_309 = arith.constant 0 : i32
        %ge3A_310 = vector.broadcast %ge3A_309 : i32 to vector<256x1xi32>
        %ge3A_311 = arith.cmpi sge, %get3A_30, %ge3A_310 : vector<256x1xi32>
        %and3A_312 = arith.andi %lt3A_308, %ge3A_311 : vector<256x1xi1>
        %ne3A = vector.broadcast %get3A_293 : vector<1x256xi32> to vector<256x256xi32>
        %ne3A_313 = vector.broadcast %get3A_33 : vector<256x1xi32> to vector<256x256xi32>
        %ne3A_314 = arith.cmpi ne, %ne3A, %ne3A_313 : vector<256x256xi32>
        %and3A_315 = vector.broadcast %and3A_312 : vector<256x1xi1> to vector<256x256xi1>
        %and3A_316 = arith.andi %and3A_315, %ne3A_314 : vector<256x256xi1>
        %lt3A_317 = arith.constant 129 : i32
        %lt3A_318 = vector.broadcast %lt3A_317 : i32 to vector<1x256xi32>
        %lt3A_319 = arith.cmpi slt, %get3A_293, %lt3A_318 : vector<1x256xi32>
        %and3A_320 = vector.broadcast %lt3A_319 : vector<1x256xi1> to vector<256x256xi1>
        %and3A_321 = arith.andi %and3A_316, %and3A_320 : vector<256x256xi1>
        %and3A_322 = arith.andi %and3A_321, %or3A : vector<256x256xi1>
        %dot_general3A_323 = arith.constant dense<0.000000e+00> : vector<256x256xf32>
        %dot_general3A_324 = tpu.matmul %slice3A, %slice3A_279, %dot_general3A_323 {dimension_numbers = #tpu.dot_dimension_numbers<[1], [1], [0], [0], [0, 0, 1, 0], [], []>, transpose_lhs_hint = false} : vector<256x64xbf16>, vector<256x64xbf16>, vector<256x256xf32> -> vector<256x256xf32>
        %sub3A_325 = vector.broadcast %broadcast_in_dim3A : vector<256x1xf32> to vector<256x256xf32>
        %sub3A_326 = arith.subf %dot_general3A_324, %sub3A_325 : vector<256x256xf32>
        %min3A = arith.constant 8.000000e+01 : f32
        %min3A_327 = vector.broadcast %min3A : f32 to vector<256x256xf32>
        %min3A_328 = arith.minimumf %sub3A_326, %min3A_327 : vector<256x256xf32>
        %exp3A_329 = math.exp %min3A_328 : vector<256x256xf32>
        %convert_element_type3A_330 = arith.extui %and3A_322 : vector<256x256xi1> to vector<256x256xi32>
        %convert_element_type3A_331 = arith.sitofp %convert_element_type3A_330 : vector<256x256xi32> to vector<256x256xf32>
        %mul3A_332 = arith.mulf %exp3A_329, %convert_element_type3A_331 : vector<256x256xf32>
        %get3A_333 = arith.constant 0 : index
        %get3A_334 = arith.constant 0 : index
        %get3A_335 = vector.load %arg13[%get3A_333, %get3A_334] : memref<256x1xf32, #tpu.memory_space<vmem>>, vector<256x1xf32>
        %reduce_sum3A_336 = arith.constant dense<0.000000e+00> : vector<256xf32>
        %reduce_sum3A_337 = vector.multi_reduction <add>, %mul3A_332, %reduce_sum3A_336 [1] : vector<256x256xf32> to vector<256xf32>
        %broadcast_in_dim3A_338 = vector.shape_cast %reduce_sum3A_337 : vector<256xf32> to vector<256x1xf32>
        %add3A_339 = arith.addf %get3A_335, %broadcast_in_dim3A_338 : vector<256x1xf32>
        %swap3A_340 = arith.constant 0 : index
        %swap3A_341 = arith.constant 0 : index
        %swap3A_342 = vector.load %arg13[%swap3A_340, %swap3A_341] : memref<256x1xf32, #tpu.memory_space<vmem>>, vector<256x1xf32>
        tpu.vector_store %arg13[%swap3A_340, %swap3A_341], %add3A_339 {strides = array<i32>} : memref<256x1xf32, #tpu.memory_space<vmem>>, vector<256x1xf32>,
        %get3A_343 = arith.constant 0 : index
        %get3A_344 = arith.constant 0 : index
        %get3A_345 = vector.load %arg12[%get3A_343, %get3A_344] : memref<256x64xf32, #tpu.memory_space<vmem>>, vector<256x64xf32>
        %convert_element_type3A_346 = arith.truncf %mul3A_332 : vector<256x256xf32> to vector<256x256xbf16>
        %dot_general3A_347 = arith.constant dense<0.000000e+00> : vector<256x64xf32>
        %dot_general3A_348 = tpu.matmul %convert_element_type3A_346, %slice3A_287, %dot_general3A_347 {dimension_numbers = #tpu.dot_dimension_numbers<[1], [0], [0], [1], [0, 0, 1, 1], [], []>, transpose_lhs_hint = false} : vector<256x256xbf16>, vector<256x64xbf16>, vector<256x64xf32> -> vector<256x64xf32>
        %add3A_349 = arith.addf %get3A_345, %dot_general3A_348 : vector<256x64xf32>
        %swap3A_350 = arith.constant 0 : index
        %swap3A_351 = arith.constant 0 : index
        %swap3A_352 = vector.load %arg12[%swap3A_350, %swap3A_351] : memref<256x64xf32, #tpu.memory_space<vmem>>, vector<256x64xf32>
        tpu.vector_store %arg12[%swap3A_350, %swap3A_351], %add3A_349 {strides = array<i32>} : memref<256x64xf32, #tpu.memory_space<vmem>>, vector<256x64xf32>,
      } else {
      }
      %gt3A_93 = arith.constant 1280 : i32
      %gt3A_94 = arith.cmpi sgt, %get3A_0, %gt3A_93 : i32
      %convert_element_type3A_95 = arith.extui %gt3A_94 : i1 to i32
      %cond3A_96 = arith.constant 0 : i32
      %cond3A_97 = arith.cmpi ne, %convert_element_type3A_95, %cond3A_96 : i32
      scf.if %cond3A_97 {
        %mul3A_272 = arith.constant 128 : i32
        %mul3A_273 = arith.muli %arg1, %mul3A_272 : i32
        %add3A_274 = arith.constant 1024 : i32
        %add3A_275 = arith.addi %add3A_274, %mul3A_273 : i32
        %get3A_276 = arith.constant 1280 : index
        %get3A_277 = arith.index_cast %add3A_275 : i32 to index
        %get3A_278 = vector.load %arg7[%get3A_276, %get3A_277] : memref<2048x3072xbf16, #tpu.memory_space<vmem>>, vector<256x128xbf16>
        %slice3A_279 = vector.extract_strided_slice %get3A_278 {offsets = [0, 0], sizes = [256, 64], strides = [1, 1]} : vector<256x128xbf16> to vector<256x64xbf16>
        %mul3A_280 = arith.constant 128 : i32
        %mul3A_281 = arith.muli %arg1, %mul3A_280 : i32
        %add3A_282 = arith.constant 2048 : i32
        %add3A_283 = arith.addi %add3A_282, %mul3A_281 : i32
        %get3A_284 = arith.constant 1280 : index
        %get3A_285 = arith.index_cast %add3A_283 : i32 to index
        %get3A_286 = vector.load %arg7[%get3A_284, %get3A_285] : memref<2048x3072xbf16, #tpu.memory_space<vmem>>, vector<256x128xbf16>
        %slice3A_287 = vector.extract_strided_slice %get3A_286 {offsets = [0, 0], sizes = [256, 64], strides = [1, 1]} : vector<256x128xbf16> to vector<256x64xbf16>
        %get3A_288 = arith.constant 0 : index
        %get3A_289 = arith.constant 1280 : index
        %get3A_290 = vector.load %arg4[%get3A_288, %get3A_289] : memref<1x2048xi32, #tpu.memory_space<vmem>>, vector<1x256xi32>
        %get3A_291 = arith.constant 0 : index
        %get3A_292 = arith.constant 1280 : index
        %get3A_293 = vector.load %arg6[%get3A_291, %get3A_292] : memref<1x2048xi32, #tpu.memory_space<vmem>>, vector<1x256xi32>
        %sub3A_294 = vector.broadcast %get3A_30 : vector<256x1xi32> to vector<256x256xi32>
        %sub3A_295 = vector.broadcast %get3A_290 : vector<1x256xi32> to vector<256x256xi32>
        %sub3A_296 = arith.subi %sub3A_294, %sub3A_295 : vector<256x256xi32>
        %ge3A_297 = arith.constant 0 : i32
        %ge3A_298 = vector.broadcast %ge3A_297 : i32 to vector<256x256xi32>
        %ge3A_299 = arith.cmpi sge, %sub3A_296, %ge3A_298 : vector<256x256xi32>
        %le3A = arith.constant 2 : i32
        %le3A_300 = vector.broadcast %le3A : i32 to vector<256x256xi32>
        %le3A_301 = arith.cmpi sle, %sub3A_296, %le3A_300 : vector<256x256xi32>
        %and3A_302 = arith.andi %ge3A_299, %le3A_301 : vector<256x256xi1>
        %eq3A_303 = arith.constant 4 : i32
        %eq3A_304 = vector.broadcast %eq3A_303 : i32 to vector<256x256xi32>
        %eq3A_305 = arith.cmpi eq, %sub3A_296, %eq3A_304 : vector<256x256xi32>
        %or3A = arith.ori %and3A_302, %eq3A_305 : vector<256x256xi1>
        %lt3A_306 = arith.constant 129 : i32
        %lt3A_307 = vector.broadcast %lt3A_306 : i32 to vector<256x1xi32>
        %lt3A_308 = arith.cmpi slt, %get3A_33, %lt3A_307 : vector<256x1xi32>
        %ge3A_309 = arith.constant 0 : i32
        %ge3A_310 = vector.broadcast %ge3A_309 : i32 to vector<256x1xi32>
        %ge3A_311 = arith.cmpi sge, %get3A_30, %ge3A_310 : vector<256x1xi32>
        %and3A_312 = arith.andi %lt3A_308, %ge3A_311 : vector<256x1xi1>
        %ne3A = vector.broadcast %get3A_293 : vector<1x256xi32> to vector<256x256xi32>
        %ne3A_313 = vector.broadcast %get3A_33 : vector<256x1xi32> to vector<256x256xi32>
        %ne3A_314 = arith.cmpi ne, %ne3A, %ne3A_313 : vector<256x256xi32>
        %and3A_315 = vector.broadcast %and3A_312 : vector<256x1xi1> to vector<256x256xi1>
        %and3A_316 = arith.andi %and3A_315, %ne3A_314 : vector<256x256xi1>
        %lt3A_317 = arith.constant 129 : i32
        %lt3A_318 = vector.broadcast %lt3A_317 : i32 to vector<1x256xi32>
        %lt3A_319 = arith.cmpi slt, %get3A_293, %lt3A_318 : vector<1x256xi32>
        %and3A_320 = vector.broadcast %lt3A_319 : vector<1x256xi1> to vector<256x256xi1>
        %and3A_321 = arith.andi %and3A_316, %and3A_320 : vector<256x256xi1>
        %and3A_322 = arith.andi %and3A_321, %or3A : vector<256x256xi1>
        %dot_general3A_323 = arith.constant dense<0.000000e+00> : vector<256x256xf32>
        %dot_general3A_324 = tpu.matmul %slice3A, %slice3A_279, %dot_general3A_323 {dimension_numbers = #tpu.dot_dimension_numbers<[1], [1], [0], [0], [0, 0, 1, 0], [], []>, transpose_lhs_hint = false} : vector<256x64xbf16>, vector<256x64xbf16>, vector<256x256xf32> -> vector<256x256xf32>
        %sub3A_325 = vector.broadcast %broadcast_in_dim3A : vector<256x1xf32> to vector<256x256xf32>
        %sub3A_326 = arith.subf %dot_general3A_324, %sub3A_325 : vector<256x256xf32>
        %min3A = arith.constant 8.000000e+01 : f32
        %min3A_327 = vector.broadcast %min3A : f32 to vector<256x256xf32>
        %min3A_328 = arith.minimumf %sub3A_326, %min3A_327 : vector<256x256xf32>
        %exp3A_329 = math.exp %min3A_328 : vector<256x256xf32>
        %convert_element_type3A_330 = arith.extui %and3A_322 : vector<256x256xi1> to vector<256x256xi32>
        %convert_element_type3A_331 = arith.sitofp %convert_element_type3A_330 : vector<256x256xi32> to vector<256x256xf32>
        %mul3A_332 = arith.mulf %exp3A_329, %convert_element_type3A_331 : vector<256x256xf32>
        %get3A_333 = arith.constant 0 : index
        %get3A_334 = arith.constant 0 : index
        %get3A_335 = vector.load %arg13[%get3A_333, %get3A_334] : memref<256x1xf32, #tpu.memory_space<vmem>>, vector<256x1xf32>
        %reduce_sum3A_336 = arith.constant dense<0.000000e+00> : vector<256xf32>
        %reduce_sum3A_337 = vector.multi_reduction <add>, %mul3A_332, %reduce_sum3A_336 [1] : vector<256x256xf32> to vector<256xf32>
        %broadcast_in_dim3A_338 = vector.shape_cast %reduce_sum3A_337 : vector<256xf32> to vector<256x1xf32>
        %add3A_339 = arith.addf %get3A_335, %broadcast_in_dim3A_338 : vector<256x1xf32>
        %swap3A_340 = arith.constant 0 : index
        %swap3A_341 = arith.constant 0 : index
        %swap3A_342 = vector.load %arg13[%swap3A_340, %swap3A_341] : memref<256x1xf32, #tpu.memory_space<vmem>>, vector<256x1xf32>
        tpu.vector_store %arg13[%swap3A_340, %swap3A_341], %add3A_339 {strides = array<i32>} : memref<256x1xf32, #tpu.memory_space<vmem>>, vector<256x1xf32>,
        %get3A_343 = arith.constant 0 : index
        %get3A_344 = arith.constant 0 : index
        %get3A_345 = vector.load %arg12[%get3A_343, %get3A_344] : memref<256x64xf32, #tpu.memory_space<vmem>>, vector<256x64xf32>
        %convert_element_type3A_346 = arith.truncf %mul3A_332 : vector<256x256xf32> to vector<256x256xbf16>
        %dot_general3A_347 = arith.constant dense<0.000000e+00> : vector<256x64xf32>
        %dot_general3A_348 = tpu.matmul %convert_element_type3A_346, %slice3A_287, %dot_general3A_347 {dimension_numbers = #tpu.dot_dimension_numbers<[1], [0], [0], [1], [0, 0, 1, 1], [], []>, transpose_lhs_hint = false} : vector<256x256xbf16>, vector<256x64xbf16>, vector<256x64xf32> -> vector<256x64xf32>
        %add3A_349 = arith.addf %get3A_345, %dot_general3A_348 : vector<256x64xf32>
        %swap3A_350 = arith.constant 0 : index
        %swap3A_351 = arith.constant 0 : index
        %swap3A_352 = vector.load %arg12[%swap3A_350, %swap3A_351] : memref<256x64xf32, #tpu.memory_space<vmem>>, vector<256x64xf32>
        tpu.vector_store %arg12[%swap3A_350, %swap3A_351], %add3A_349 {strides = array<i32>} : memref<256x64xf32, #tpu.memory_space<vmem>>, vector<256x64xf32>,
      } else {
      }
      %gt3A_98 = arith.constant 1536 : i32
      %gt3A_99 = arith.cmpi sgt, %get3A_0, %gt3A_98 : i32
      %convert_element_type3A_100 = arith.extui %gt3A_99 : i1 to i32
      %cond3A_101 = arith.constant 0 : i32
      %cond3A_102 = arith.cmpi ne, %convert_element_type3A_100, %cond3A_101 : i32
      scf.if %cond3A_102 {
        %mul3A_272 = arith.constant 128 : i32
        %mul3A_273 = arith.muli %arg1, %mul3A_272 : i32
        %add3A_274 = arith.constant 1024 : i32
        %add3A_275 = arith.addi %add3A_274, %mul3A_273 : i32
        %get3A_276 = arith.constant 1536 : index
        %get3A_277 = arith.index_cast %add3A_275 : i32 to index
        %get3A_278 = vector.load %arg7[%get3A_276, %get3A_277] : memref<2048x3072xbf16, #tpu.memory_space<vmem>>, vector<256x128xbf16>
        %slice3A_279 = vector.extract_strided_slice %get3A_278 {offsets = [0, 0], sizes = [256, 64], strides = [1, 1]} : vector<256x128xbf16> to vector<256x64xbf16>
        %mul3A_280 = arith.constant 128 : i32
        %mul3A_281 = arith.muli %arg1, %mul3A_280 : i32
        %add3A_282 = arith.constant 2048 : i32
        %add3A_283 = arith.addi %add3A_282, %mul3A_281 : i32
        %get3A_284 = arith.constant 1536 : index
        %get3A_285 = arith.index_cast %add3A_283 : i32 to index
        %get3A_286 = vector.load %arg7[%get3A_284, %get3A_285] : memref<2048x3072xbf16, #tpu.memory_space<vmem>>, vector<256x128xbf16>
        %slice3A_287 = vector.extract_strided_slice %get3A_286 {offsets = [0, 0], sizes = [256, 64], strides = [1, 1]} : vector<256x128xbf16> to vector<256x64xbf16>
        %get3A_288 = arith.constant 0 : index
        %get3A_289 = arith.constant 1536 : index
        %get3A_290 = vector.load %arg4[%get3A_288, %get3A_289] : memref<1x2048xi32, #tpu.memory_space<vmem>>, vector<1x256xi32>
        %get3A_291 = arith.constant 0 : index
        %get3A_292 = arith.constant 1536 : index
        %get3A_293 = vector.load %arg6[%get3A_291, %get3A_292] : memref<1x2048xi32, #tpu.memory_space<vmem>>, vector<1x256xi32>
        %sub3A_294 = vector.broadcast %get3A_30 : vector<256x1xi32> to vector<256x256xi32>
        %sub3A_295 = vector.broadcast %get3A_290 : vector<1x256xi32> to vector<256x256xi32>
        %sub3A_296 = arith.subi %sub3A_294, %sub3A_295 : vector<256x256xi32>
        %ge3A_297 = arith.constant 0 : i32
        %ge3A_298 = vector.broadcast %ge3A_297 : i32 to vector<256x256xi32>
        %ge3A_299 = arith.cmpi sge, %sub3A_296, %ge3A_298 : vector<256x256xi32>
        %le3A = arith.constant 2 : i32
        %le3A_300 = vector.broadcast %le3A : i32 to vector<256x256xi32>
        %le3A_301 = arith.cmpi sle, %sub3A_296, %le3A_300 : vector<256x256xi32>
        %and3A_302 = arith.andi %ge3A_299, %le3A_301 : vector<256x256xi1>
        %eq3A_303 = arith.constant 4 : i32
        %eq3A_304 = vector.broadcast %eq3A_303 : i32 to vector<256x256xi32>
        %eq3A_305 = arith.cmpi eq, %sub3A_296, %eq3A_304 : vector<256x256xi32>
        %or3A = arith.ori %and3A_302, %eq3A_305 : vector<256x256xi1>
        %lt3A_306 = arith.constant 129 : i32
        %lt3A_307 = vector.broadcast %lt3A_306 : i32 to vector<256x1xi32>
        %lt3A_308 = arith.cmpi slt, %get3A_33, %lt3A_307 : vector<256x1xi32>
        %ge3A_309 = arith.constant 0 : i32
        %ge3A_310 = vector.broadcast %ge3A_309 : i32 to vector<256x1xi32>
        %ge3A_311 = arith.cmpi sge, %get3A_30, %ge3A_310 : vector<256x1xi32>
        %and3A_312 = arith.andi %lt3A_308, %ge3A_311 : vector<256x1xi1>
        %ne3A = vector.broadcast %get3A_293 : vector<1x256xi32> to vector<256x256xi32>
        %ne3A_313 = vector.broadcast %get3A_33 : vector<256x1xi32> to vector<256x256xi32>
        %ne3A_314 = arith.cmpi ne, %ne3A, %ne3A_313 : vector<256x256xi32>
        %and3A_315 = vector.broadcast %and3A_312 : vector<256x1xi1> to vector<256x256xi1>
        %and3A_316 = arith.andi %and3A_315, %ne3A_314 : vector<256x256xi1>
        %lt3A_317 = arith.constant 129 : i32
        %lt3A_318 = vector.broadcast %lt3A_317 : i32 to vector<1x256xi32>
        %lt3A_319 = arith.cmpi slt, %get3A_293, %lt3A_318 : vector<1x256xi32>
        %and3A_320 = vector.broadcast %lt3A_319 : vector<1x256xi1> to vector<256x256xi1>
        %and3A_321 = arith.andi %and3A_316, %and3A_320 : vector<256x256xi1>
        %and3A_322 = arith.andi %and3A_321, %or3A : vector<256x256xi1>
        %dot_general3A_323 = arith.constant dense<0.000000e+00> : vector<256x256xf32>
        %dot_general3A_324 = tpu.matmul %slice3A, %slice3A_279, %dot_general3A_323 {dimension_numbers = #tpu.dot_dimension_numbers<[1], [1], [0], [0], [0, 0, 1, 0], [], []>, transpose_lhs_hint = false} : vector<256x64xbf16>, vector<256x64xbf16>, vector<256x256xf32> -> vector<256x256xf32>
        %sub3A_325 = vector.broadcast %broadcast_in_dim3A : vector<256x1xf32> to vector<256x256xf32>
        %sub3A_326 = arith.subf %dot_general3A_324, %sub3A_325 : vector<256x256xf32>
        %min3A = arith.constant 8.000000e+01 : f32
        %min3A_327 = vector.broadcast %min3A : f32 to vector<256x256xf32>
        %min3A_328 = arith.minimumf %sub3A_326, %min3A_327 : vector<256x256xf32>
        %exp3A_329 = math.exp %min3A_328 : vector<256x256xf32>
        %convert_element_type3A_330 = arith.extui %and3A_322 : vector<256x256xi1> to vector<256x256xi32>
        %convert_element_type3A_331 = arith.sitofp %convert_element_type3A_330 : vector<256x256xi32> to vector<256x256xf32>
        %mul3A_332 = arith.mulf %exp3A_329, %convert_element_type3A_331 : vector<256x256xf32>
        %get3A_333 = arith.constant 0 : index
        %get3A_334 = arith.constant 0 : index
        %get3A_335 = vector.load %arg13[%get3A_333, %get3A_334] : memref<256x1xf32, #tpu.memory_space<vmem>>, vector<256x1xf32>
        %reduce_sum3A_336 = arith.constant dense<0.000000e+00> : vector<256xf32>
        %reduce_sum3A_337 = vector.multi_reduction <add>, %mul3A_332, %reduce_sum3A_336 [1] : vector<256x256xf32> to vector<256xf32>
        %broadcast_in_dim3A_338 = vector.shape_cast %reduce_sum3A_337 : vector<256xf32> to vector<256x1xf32>
        %add3A_339 = arith.addf %get3A_335, %broadcast_in_dim3A_338 : vector<256x1xf32>
        %swap3A_340 = arith.constant 0 : index
        %swap3A_341 = arith.constant 0 : index
        %swap3A_342 = vector.load %arg13[%swap3A_340, %swap3A_341] : memref<256x1xf32, #tpu.memory_space<vmem>>, vector<256x1xf32>
        tpu.vector_store %arg13[%swap3A_340, %swap3A_341], %add3A_339 {strides = array<i32>} : memref<256x1xf32, #tpu.memory_space<vmem>>, vector<256x1xf32>,
        %get3A_343 = arith.constant 0 : index
        %get3A_344 = arith.constant 0 : index
        %get3A_345 = vector.load %arg12[%get3A_343, %get3A_344] : memref<256x64xf32, #tpu.memory_space<vmem>>, vector<256x64xf32>
        %convert_element_type3A_346 = arith.truncf %mul3A_332 : vector<256x256xf32> to vector<256x256xbf16>
        %dot_general3A_347 = arith.constant dense<0.000000e+00> : vector<256x64xf32>
        %dot_general3A_348 = tpu.matmul %convert_element_type3A_346, %slice3A_287, %dot_general3A_347 {dimension_numbers = #tpu.dot_dimension_numbers<[1], [0], [0], [1], [0, 0, 1, 1], [], []>, transpose_lhs_hint = false} : vector<256x256xbf16>, vector<256x64xbf16>, vector<256x64xf32> -> vector<256x64xf32>
        %add3A_349 = arith.addf %get3A_345, %dot_general3A_348 : vector<256x64xf32>
        %swap3A_350 = arith.constant 0 : index
        %swap3A_351 = arith.constant 0 : index
        %swap3A_352 = vector.load %arg12[%swap3A_350, %swap3A_351] : memref<256x64xf32, #tpu.memory_space<vmem>>, vector<256x64xf32>
        tpu.vector_store %arg12[%swap3A_350, %swap3A_351], %add3A_349 {strides = array<i32>} : memref<256x64xf32, #tpu.memory_space<vmem>>, vector<256x64xf32>,
      } else {
      }
      %gt3A_103 = arith.constant 1792 : i32
      %gt3A_104 = arith.cmpi sgt, %get3A_0, %gt3A_103 : i32
      %convert_element_type3A_105 = arith.extui %gt3A_104 : i1 to i32
      %cond3A_106 = arith.constant 0 : i32
      %cond3A_107 = arith.cmpi ne, %convert_element_type3A_105, %cond3A_106 : i32
      scf.if %cond3A_107 {
        %mul3A_272 = arith.constant 128 : i32
        %mul3A_273 = arith.muli %arg1, %mul3A_272 : i32
        %add3A_274 = arith.constant 1024 : i32
        %add3A_275 = arith.addi %add3A_274, %mul3A_273 : i32
        %get3A_276 = arith.constant 1792 : index
        %get3A_277 = arith.index_cast %add3A_275 : i32 to index
        %get3A_278 = vector.load %arg7[%get3A_276, %get3A_277] : memref<2048x3072xbf16, #tpu.memory_space<vmem>>, vector<256x128xbf16>
        %slice3A_279 = vector.extract_strided_slice %get3A_278 {offsets = [0, 0], sizes = [256, 64], strides = [1, 1]} : vector<256x128xbf16> to vector<256x64xbf16>
        %mul3A_280 = arith.constant 128 : i32
        %mul3A_281 = arith.muli %arg1, %mul3A_280 : i32
        %add3A_282 = arith.constant 2048 : i32
        %add3A_283 = arith.addi %add3A_282, %mul3A_281 : i32
        %get3A_284 = arith.constant 1792 : index
        %get3A_285 = arith.index_cast %add3A_283 : i32 to index
        %get3A_286 = vector.load %arg7[%get3A_284, %get3A_285] : memref<2048x3072xbf16, #tpu.memory_space<vmem>>, vector<256x128xbf16>
        %slice3A_287 = vector.extract_strided_slice %get3A_286 {offsets = [0, 0], sizes = [256, 64], strides = [1, 1]} : vector<256x128xbf16> to vector<256x64xbf16>
        %get3A_288 = arith.constant 0 : index
        %get3A_289 = arith.constant 1792 : index
        %get3A_290 = vector.load %arg4[%get3A_288, %get3A_289] : memref<1x2048xi32, #tpu.memory_space<vmem>>, vector<1x256xi32>
        %get3A_291 = arith.constant 0 : index
        %get3A_292 = arith.constant 1792 : index
        %get3A_293 = vector.load %arg6[%get3A_291, %get3A_292] : memref<1x2048xi32, #tpu.memory_space<vmem>>, vector<1x256xi32>
        %sub3A_294 = vector.broadcast %get3A_30 : vector<256x1xi32> to vector<256x256xi32>
        %sub3A_295 = vector.broadcast %get3A_290 : vector<1x256xi32> to vector<256x256xi32>
        %sub3A_296 = arith.subi %sub3A_294, %sub3A_295 : vector<256x256xi32>
        %ge3A_297 = arith.constant 0 : i32
        %ge3A_298 = vector.broadcast %ge3A_297 : i32 to vector<256x256xi32>
        %ge3A_299 = arith.cmpi sge, %sub3A_296, %ge3A_298 : vector<256x256xi32>
        %le3A = arith.constant 2 : i32
        %le3A_300 = vector.broadcast %le3A : i32 to vector<256x256xi32>
        %le3A_301 = arith.cmpi sle, %sub3A_296, %le3A_300 : vector<256x256xi32>
        %and3A_302 = arith.andi %ge3A_299, %le3A_301 : vector<256x256xi1>
        %eq3A_303 = arith.constant 4 : i32
        %eq3A_304 = vector.broadcast %eq3A_303 : i32 to vector<256x256xi32>
        %eq3A_305 = arith.cmpi eq, %sub3A_296, %eq3A_304 : vector<256x256xi32>
        %or3A = arith.ori %and3A_302, %eq3A_305 : vector<256x256xi1>
        %lt3A_306 = arith.constant 129 : i32
        %lt3A_307 = vector.broadcast %lt3A_306 : i32 to vector<256x1xi32>
        %lt3A_308 = arith.cmpi slt, %get3A_33, %lt3A_307 : vector<256x1xi32>
        %ge3A_309 = arith.constant 0 : i32
        %ge3A_310 = vector.broadcast %ge3A_309 : i32 to vector<256x1xi32>
        %ge3A_311 = arith.cmpi sge, %get3A_30, %ge3A_310 : vector<256x1xi32>
        %and3A_312 = arith.andi %lt3A_308, %ge3A_311 : vector<256x1xi1>
        %ne3A = vector.broadcast %get3A_293 : vector<1x256xi32> to vector<256x256xi32>
        %ne3A_313 = vector.broadcast %get3A_33 : vector<256x1xi32> to vector<256x256xi32>
        %ne3A_314 = arith.cmpi ne, %ne3A, %ne3A_313 : vector<256x256xi32>
        %and3A_315 = vector.broadcast %and3A_312 : vector<256x1xi1> to vector<256x256xi1>
        %and3A_316 = arith.andi %and3A_315, %ne3A_314 : vector<256x256xi1>
        %lt3A_317 = arith.constant 129 : i32
        %lt3A_318 = vector.broadcast %lt3A_317 : i32 to vector<1x256xi32>
        %lt3A_319 = arith.cmpi slt, %get3A_293, %lt3A_318 : vector<1x256xi32>
        %and3A_320 = vector.broadcast %lt3A_319 : vector<1x256xi1> to vector<256x256xi1>
        %and3A_321 = arith.andi %and3A_316, %and3A_320 : vector<256x256xi1>
        %and3A_322 = arith.andi %and3A_321, %or3A : vector<256x256xi1>
        %dot_general3A_323 = arith.constant dense<0.000000e+00> : vector<256x256xf32>
        %dot_general3A_324 = tpu.matmul %slice3A, %slice3A_279, %dot_general3A_323 {dimension_numbers = #tpu.dot_dimension_numbers<[1], [1], [0], [0], [0, 0, 1, 0], [], []>, transpose_lhs_hint = false} : vector<256x64xbf16>, vector<256x64xbf16>, vector<256x256xf32> -> vector<256x256xf32>
        %sub3A_325 = vector.broadcast %broadcast_in_dim3A : vector<256x1xf32> to vector<256x256xf32>
        %sub3A_326 = arith.subf %dot_general3A_324, %sub3A_325 : vector<256x256xf32>
        %min3A = arith.constant 8.000000e+01 : f32
        %min3A_327 = vector.broadcast %min3A : f32 to vector<256x256xf32>
        %min3A_328 = arith.minimumf %sub3A_326, %min3A_327 : vector<256x256xf32>
        %exp3A_329 = math.exp %min3A_328 : vector<256x256xf32>
        %convert_element_type3A_330 = arith.extui %and3A_322 : vector<256x256xi1> to vector<256x256xi32>
        %convert_element_type3A_331 = arith.sitofp %convert_element_type3A_330 : vector<256x256xi32> to vector<256x256xf32>
        %mul3A_332 = arith.mulf %exp3A_329, %convert_element_type3A_331 : vector<256x256xf32>
        %get3A_333 = arith.constant 0 : index
        %get3A_334 = arith.constant 0 : index
        %get3A_335 = vector.load %arg13[%get3A_333, %get3A_334] : memref<256x1xf32, #tpu.memory_space<vmem>>, vector<256x1xf32>
        %reduce_sum3A_336 = arith.constant dense<0.000000e+00> : vector<256xf32>
        %reduce_sum3A_337 = vector.multi_reduction <add>, %mul3A_332, %reduce_sum3A_336 [1] : vector<256x256xf32> to vector<256xf32>
        %broadcast_in_dim3A_338 = vector.shape_cast %reduce_sum3A_337 : vector<256xf32> to vector<256x1xf32>
        %add3A_339 = arith.addf %get3A_335, %broadcast_in_dim3A_338 : vector<256x1xf32>
        %swap3A_340 = arith.constant 0 : index
        %swap3A_341 = arith.constant 0 : index
        %swap3A_342 = vector.load %arg13[%swap3A_340, %swap3A_341] : memref<256x1xf32, #tpu.memory_space<vmem>>, vector<256x1xf32>
        tpu.vector_store %arg13[%swap3A_340, %swap3A_341], %add3A_339 {strides = array<i32>} : memref<256x1xf32, #tpu.memory_space<vmem>>, vector<256x1xf32>,
        %get3A_343 = arith.constant 0 : index
        %get3A_344 = arith.constant 0 : index
        %get3A_345 = vector.load %arg12[%get3A_343, %get3A_344] : memref<256x64xf32, #tpu.memory_space<vmem>>, vector<256x64xf32>
        %convert_element_type3A_346 = arith.truncf %mul3A_332 : vector<256x256xf32> to vector<256x256xbf16>
        %dot_general3A_347 = arith.constant dense<0.000000e+00> : vector<256x64xf32>
        %dot_general3A_348 = tpu.matmul %convert_element_type3A_346, %slice3A_287, %dot_general3A_347 {dimension_numbers = #tpu.dot_dimension_numbers<[1], [0], [0], [1], [0, 0, 1, 1], [], []>, transpose_lhs_hint = false} : vector<256x256xbf16>, vector<256x64xbf16>, vector<256x64xf32> -> vector<256x64xf32>
        %add3A_349 = arith.addf %get3A_345, %dot_general3A_348 : vector<256x64xf32>
        %swap3A_350 = arith.constant 0 : index
        %swap3A_351 = arith.constant 0 : index
        %swap3A_352 = vector.load %arg12[%swap3A_350, %swap3A_351] : memref<256x64xf32, #tpu.memory_space<vmem>>, vector<256x64xf32>
        tpu.vector_store %arg12[%swap3A_350, %swap3A_351], %add3A_349 {strides = array<i32>} : memref<256x64xf32, #tpu.memory_space<vmem>>, vector<256x64xf32>,
      } else {
      }
      %sub3A = vector.broadcast %broadcast_in_dim3A : vector<256x1xf32> to vector<256x512xf32>
      %sub3A_108 = arith.subf %dot_general3A_68, %sub3A : vector<256x512xf32>
      %exp3A = math.exp %sub3A_108 : vector<256x512xf32>
      %convert_element_type3A_109 = arith.truncf %exp3A : vector<256x512xf32> to vector<256x512xbf16>
      %mul3A_110 = arith.mulf %convert_element_type3A_109, %get3A_59 : vector<256x512xbf16>
      %convert_element_type3A_111 = arith.extf %mul3A_110 : vector<256x512xbf16> to vector<256x512xf32>
      %reduce_sum3A = arith.constant dense<0.000000e+00> : vector<256xf32>
      %reduce_sum3A_112 = vector.multi_reduction <add>, %convert_element_type3A_111, %reduce_sum3A [1] : vector<256x512xf32> to vector<256xf32>
      %broadcast_in_dim3A_113 = vector.shape_cast %reduce_sum3A_112 : vector<256xf32> to vector<256x1xf32>
      %dot_general3A_114 = arith.constant dense<0.000000e+00> : vector<256x64xf32>
      %dot_general3A_115 = tpu.matmul %mul3A_110, %slice3A_67, %dot_general3A_114 {dimension_numbers = #tpu.dot_dimension_numbers<[1], [0], [0], [1], [0, 0, 1, 1], [], []>, transpose_lhs_hint = false} : vector<256x512xbf16>, vector<512x64xbf16>, vector<256x64xf32> -> vector<256x64xf32>
      %eq3A_116 = arith.constant 0.000000e+00 : f32
      %eq3A_117 = vector.broadcast %eq3A_116 : f32 to vector<256x1xf32>
      %eq3A_118 = arith.cmpf oeq, %broadcast_in_dim3A_113, %eq3A_117 : vector<256x1xf32>
      %jit3A = arith.constant 1.000000e+00 : f32
      %broadcast_in_dim3A_119 = vector.broadcast %jit3A : f32 to vector<256x1xf32>
      %select_n3A = arith.select %eq3A_118, %broadcast_in_dim3A_119, %broadcast_in_dim3A_113 : vector<256x1xi1>, vector<256x1xf32>
      %div3A = vector.broadcast %select_n3A : vector<256x1xf32> to vector<256x64xf32>
      %div3A_120 = arith.divf %dot_general3A_115, %div3A : vector<256x64xf32>
      %mul3A_121 = arith.mulf %convert_element_type3A_109, %get3A_62 : vector<256x512xbf16>
      %convert_element_type3A_122 = arith.extf %mul3A_121 : vector<256x512xbf16> to vector<256x512xf32>
      %reduce_sum3A_123 = arith.constant dense<0.000000e+00> : vector<256xf32>
      %reduce_sum3A_124 = vector.multi_reduction <add>, %convert_element_type3A_122, %reduce_sum3A_123 [1] : vector<256x512xf32> to vector<256xf32>
      %broadcast_in_dim3A_125 = vector.shape_cast %reduce_sum3A_124 : vector<256xf32> to vector<256x1xf32>
      %get3A_126 = arith.constant 0 : index
      %get3A_127 = arith.constant 0 : index
      %get3A_128 = vector.load %arg13[%get3A_126, %get3A_127] : memref<256x1xf32, #tpu.memory_space<vmem>>, vector<256x1xf32>
      %add3A_129 = arith.addf %broadcast_in_dim3A_125, %get3A_128 : vector<256x1xf32>
      %dot_general3A_130 = arith.constant dense<0.000000e+00> : vector<256x64xf32>
      %dot_general3A_131 = tpu.matmul %mul3A_121, %slice3A_67, %dot_general3A_130 {dimension_numbers = #tpu.dot_dimension_numbers<[1], [0], [0], [1], [0, 0, 1, 1], [], []>, transpose_lhs_hint = false} : vector<256x512xbf16>, vector<512x64xbf16>, vector<256x64xf32> -> vector<256x64xf32>
      %get3A_132 = arith.constant 0 : index
      %get3A_133 = arith.constant 0 : index
      %get3A_134 = vector.load %arg12[%get3A_132, %get3A_133] : memref<256x64xf32, #tpu.memory_space<vmem>>, vector<256x64xf32>
      %add3A_135 = arith.addf %dot_general3A_131, %get3A_134 : vector<256x64xf32>
      %eq3A_136 = arith.constant 0.000000e+00 : f32
      %eq3A_137 = vector.broadcast %eq3A_136 : f32 to vector<256x1xf32>
      %eq3A_138 = arith.cmpf oeq, %add3A_129, %eq3A_137 : vector<256x1xf32>
      %jit3A_139 = arith.constant 1.000000e+00 : f32
      %broadcast_in_dim3A_140 = vector.broadcast %jit3A_139 : f32 to vector<256x1xf32>
      %select_n3A_141 = arith.select %eq3A_138, %broadcast_in_dim3A_140, %add3A_129 : vector<256x1xi1>, vector<256x1xf32>
      %div3A_142 = vector.broadcast %select_n3A_141 : vector<256x1xf32> to vector<256x64xf32>
      %div3A_143 = arith.divf %add3A_135, %div3A_142 : vector<256x64xf32>
      %add3A_144 = arith.addf %div3A_120, %div3A_143 : vector<256x64xf32>
      %mul3A_145 = arith.mulf %convert_element_type3A_109, %get3A_65 : vector<256x512xbf16>
      %convert_element_type3A_146 = arith.extf %mul3A_145 : vector<256x512xbf16> to vector<256x512xf32>
      %reduce_sum3A_147 = arith.constant dense<0.000000e+00> : vector<256xf32>
      %reduce_sum3A_148 = vector.multi_reduction <add>, %convert_element_type3A_146, %reduce_sum3A_147 [1] : vector<256x512xf32> to vector<256xf32>
      %broadcast_in_dim3A_149 = vector.shape_cast %reduce_sum3A_148 : vector<256xf32> to vector<256x1xf32>
      %dot_general3A_150 = arith.constant dense<0.000000e+00> : vector<256x64xf32>
      %dot_general3A_151 = tpu.matmul %mul3A_145, %slice3A_67, %dot_general3A_150 {dimension_numbers = #tpu.dot_dimension_numbers<[1], [0], [0], [1], [0, 0, 1, 1], [], []>, transpose_lhs_hint = false} : vector<256x512xbf16>, vector<512x64xbf16>, vector<256x64xf32> -> vector<256x64xf32>
      %eq3A_152 = arith.constant 0.000000e+00 : f32
      %eq3A_153 = vector.broadcast %eq3A_152 : f32 to vector<256x1xf32>
      %eq3A_154 = arith.cmpf oeq, %broadcast_in_dim3A_149, %eq3A_153 : vector<256x1xf32>
      %jit3A_155 = arith.constant 1.000000e+00 : f32
      %broadcast_in_dim3A_156 = vector.broadcast %jit3A_155 : f32 to vector<256x1xf32>
      %select_n3A_157 = arith.select %eq3A_154, %broadcast_in_dim3A_156, %broadcast_in_dim3A_149 : vector<256x1xi1>, vector<256x1xf32>
      %div3A_158 = vector.broadcast %select_n3A_157 : vector<256x1xf32> to vector<256x64xf32>
      %div3A_159 = arith.divf %dot_general3A_151, %div3A_158 : vector<256x64xf32>
      %add3A_160 = arith.addf %add3A_144, %div3A_159 : vector<256x64xf32>
      %slice3A_161 = vector.extract_strided_slice %get3A_43 {offsets = [0, 64], sizes = [256, 64], strides = [1, 1]} : vector<256x128xbf16> to vector<256x64xbf16>
      %slice3A_162 = vector.extract_strided_slice %get3A_49 {offsets = [0, 64], sizes = [512, 64], strides = [1, 1]} : vector<512x128xbf16> to vector<512x64xbf16>
      %slice3A_163 = vector.extract_strided_slice %get3A_56 {offsets = [0, 64], sizes = [512, 64], strides = [1, 1]} : vector<512x128xbf16> to vector<512x64xbf16>
      %dot_general3A_164 = arith.constant dense<0.000000e+00> : vector<256x512xf32>
      %dot_general3A_165 = tpu.matmul %slice3A_161, %slice3A_162, %dot_general3A_164 {dimension_numbers = #tpu.dot_dimension_numbers<[1], [1], [0], [0], [0, 0, 1, 0], [], []>, transpose_lhs_hint = false} : vector<256x64xbf16>, vector<512x64xbf16>, vector<256x512xf32> -> vector<256x512xf32>
      %reduce_max3A_166 = arith.constant dense<0xFF800000> : vector<256xf32>
      %reduce_max3A_167 = vector.multi_reduction <maximumf>, %dot_general3A_165, %reduce_max3A_166 [1] : vector<256x512xf32> to vector<256xf32>
      %broadcast_in_dim3A_168 = vector.shape_cast %reduce_max3A_167 : vector<256xf32> to vector<256x1xf32>
      %broadcast_in_dim3A_169 = arith.constant 0.000000e+00 : f32
      %broadcast_in_dim3A_170 = vector.broadcast %broadcast_in_dim3A_169 : f32 to vector<256x64xf32>
      %swap3A_171 = arith.constant 0 : index
      %swap3A_172 = arith.constant 0 : index
      %swap3A_173 = vector.load %arg12[%swap3A_171, %swap3A_172] : memref<256x64xf32, #tpu.memory_space<vmem>>, vector<256x64xf32>
      tpu.vector_store %arg12[%swap3A_171, %swap3A_172], %broadcast_in_dim3A_170 {strides = array<i32>} : memref<256x64xf32, #tpu.memory_space<vmem>>, vector<256x64xf32>,
      %broadcast_in_dim3A_174 = arith.constant 0.000000e+00 : f32
      %broadcast_in_dim3A_175 = vector.broadcast %broadcast_in_dim3A_174 : f32 to vector<256x1xf32>
      %swap3A_176 = arith.constant 0 : index
      %swap3A_177 = arith.constant 0 : index
      %swap3A_178 = vector.load %arg13[%swap3A_176, %swap3A_177] : memref<256x1xf32, #tpu.memory_space<vmem>>, vector<256x1xf32>
      tpu.vector_store %arg13[%swap3A_176, %swap3A_177], %broadcast_in_dim3A_175 {strides = array<i32>} : memref<256x1xf32, #tpu.memory_space<vmem>>, vector<256x1xf32>,
      %gt3A_179 = arith.constant 512 : i32
      %gt3A_180 = arith.cmpi sgt, %get3A_0, %gt3A_179 : i32
      %convert_element_type3A_181 = arith.extui %gt3A_180 : i1 to i32
      %cond3A_182 = arith.constant 0 : i32
      %cond3A_183 = arith.cmpi ne, %convert_element_type3A_181, %cond3A_182 : i32
      scf.if %cond3A_183 {
        %mul3A_272 = arith.constant 128 : i32
        %mul3A_273 = arith.muli %arg1, %mul3A_272 : i32
        %add3A_274 = arith.constant 1024 : i32
        %add3A_275 = arith.addi %add3A_274, %mul3A_273 : i32
        %get3A_276 = arith.constant 512 : index
        %get3A_277 = arith.index_cast %add3A_275 : i32 to index
        %get3A_278 = vector.load %arg7[%get3A_276, %get3A_277] : memref<2048x3072xbf16, #tpu.memory_space<vmem>>, vector<256x128xbf16>
        %slice3A_279 = vector.extract_strided_slice %get3A_278 {offsets = [0, 64], sizes = [256, 64], strides = [1, 1]} : vector<256x128xbf16> to vector<256x64xbf16>
        %mul3A_280 = arith.constant 128 : i32
        %mul3A_281 = arith.muli %arg1, %mul3A_280 : i32
        %add3A_282 = arith.constant 2048 : i32
        %add3A_283 = arith.addi %add3A_282, %mul3A_281 : i32
        %get3A_284 = arith.constant 512 : index
        %get3A_285 = arith.index_cast %add3A_283 : i32 to index
        %get3A_286 = vector.load %arg7[%get3A_284, %get3A_285] : memref<2048x3072xbf16, #tpu.memory_space<vmem>>, vector<256x128xbf16>
        %slice3A_287 = vector.extract_strided_slice %get3A_286 {offsets = [0, 64], sizes = [256, 64], strides = [1, 1]} : vector<256x128xbf16> to vector<256x64xbf16>
        %get3A_288 = arith.constant 0 : index
        %get3A_289 = arith.constant 512 : index
        %get3A_290 = vector.load %arg4[%get3A_288, %get3A_289] : memref<1x2048xi32, #tpu.memory_space<vmem>>, vector<1x256xi32>
        %get3A_291 = arith.constant 0 : index
        %get3A_292 = arith.constant 512 : index
        %get3A_293 = vector.load %arg6[%get3A_291, %get3A_292] : memref<1x2048xi32, #tpu.memory_space<vmem>>, vector<1x256xi32>
        %sub3A_294 = vector.broadcast %get3A_30 : vector<256x1xi32> to vector<256x256xi32>
        %sub3A_295 = vector.broadcast %get3A_290 : vector<1x256xi32> to vector<256x256xi32>
        %sub3A_296 = arith.subi %sub3A_294, %sub3A_295 : vector<256x256xi32>
        %ge3A_297 = arith.constant 0 : i32
        %ge3A_298 = vector.broadcast %ge3A_297 : i32 to vector<256x256xi32>
        %ge3A_299 = arith.cmpi sge, %sub3A_296, %ge3A_298 : vector<256x256xi32>
        %le3A = arith.constant 2 : i32
        %le3A_300 = vector.broadcast %le3A : i32 to vector<256x256xi32>
        %le3A_301 = arith.cmpi sle, %sub3A_296, %le3A_300 : vector<256x256xi32>
        %and3A_302 = arith.andi %ge3A_299, %le3A_301 : vector<256x256xi1>
        %eq3A_303 = arith.constant 4 : i32
        %eq3A_304 = vector.broadcast %eq3A_303 : i32 to vector<256x256xi32>
        %eq3A_305 = arith.cmpi eq, %sub3A_296, %eq3A_304 : vector<256x256xi32>
        %or3A = arith.ori %and3A_302, %eq3A_305 : vector<256x256xi1>
        %lt3A_306 = arith.constant 129 : i32
        %lt3A_307 = vector.broadcast %lt3A_306 : i32 to vector<256x1xi32>
        %lt3A_308 = arith.cmpi slt, %get3A_33, %lt3A_307 : vector<256x1xi32>
        %ge3A_309 = arith.constant 0 : i32
        %ge3A_310 = vector.broadcast %ge3A_309 : i32 to vector<256x1xi32>
        %ge3A_311 = arith.cmpi sge, %get3A_30, %ge3A_310 : vector<256x1xi32>
        %and3A_312 = arith.andi %lt3A_308, %ge3A_311 : vector<256x1xi1>
        %ne3A = vector.broadcast %get3A_293 : vector<1x256xi32> to vector<256x256xi32>
        %ne3A_313 = vector.broadcast %get3A_33 : vector<256x1xi32> to vector<256x256xi32>
        %ne3A_314 = arith.cmpi ne, %ne3A, %ne3A_313 : vector<256x256xi32>
        %and3A_315 = vector.broadcast %and3A_312 : vector<256x1xi1> to vector<256x256xi1>
        %and3A_316 = arith.andi %and3A_315, %ne3A_314 : vector<256x256xi1>
        %lt3A_317 = arith.constant 129 : i32
        %lt3A_318 = vector.broadcast %lt3A_317 : i32 to vector<1x256xi32>
        %lt3A_319 = arith.cmpi slt, %get3A_293, %lt3A_318 : vector<1x256xi32>
        %and3A_320 = vector.broadcast %lt3A_319 : vector<1x256xi1> to vector<256x256xi1>
        %and3A_321 = arith.andi %and3A_316, %and3A_320 : vector<256x256xi1>
        %and3A_322 = arith.andi %and3A_321, %or3A : vector<256x256xi1>
        %dot_general3A_323 = arith.constant dense<0.000000e+00> : vector<256x256xf32>
        %dot_general3A_324 = tpu.matmul %slice3A_161, %slice3A_279, %dot_general3A_323 {dimension_numbers = #tpu.dot_dimension_numbers<[1], [1], [0], [0], [0, 0, 1, 0], [], []>, transpose_lhs_hint = false} : vector<256x64xbf16>, vector<256x64xbf16>, vector<256x256xf32> -> vector<256x256xf32>
        %sub3A_325 = vector.broadcast %broadcast_in_dim3A_168 : vector<256x1xf32> to vector<256x256xf32>
        %sub3A_326 = arith.subf %dot_general3A_324, %sub3A_325 : vector<256x256xf32>
        %min3A = arith.constant 8.000000e+01 : f32
        %min3A_327 = vector.broadcast %min3A : f32 to vector<256x256xf32>
        %min3A_328 = arith.minimumf %sub3A_326, %min3A_327 : vector<256x256xf32>
        %exp3A_329 = math.exp %min3A_328 : vector<256x256xf32>
        %convert_element_type3A_330 = arith.extui %and3A_322 : vector<256x256xi1> to vector<256x256xi32>
        %convert_element_type3A_331 = arith.sitofp %convert_element_type3A_330 : vector<256x256xi32> to vector<256x256xf32>
        %mul3A_332 = arith.mulf %exp3A_329, %convert_element_type3A_331 : vector<256x256xf32>
        %get3A_333 = arith.constant 0 : index
        %get3A_334 = arith.constant 0 : index
        %get3A_335 = vector.load %arg13[%get3A_333, %get3A_334] : memref<256x1xf32, #tpu.memory_space<vmem>>, vector<256x1xf32>
        %reduce_sum3A_336 = arith.constant dense<0.000000e+00> : vector<256xf32>
        %reduce_sum3A_337 = vector.multi_reduction <add>, %mul3A_332, %reduce_sum3A_336 [1] : vector<256x256xf32> to vector<256xf32>
        %broadcast_in_dim3A_338 = vector.shape_cast %reduce_sum3A_337 : vector<256xf32> to vector<256x1xf32>
        %add3A_339 = arith.addf %get3A_335, %broadcast_in_dim3A_338 : vector<256x1xf32>
        %swap3A_340 = arith.constant 0 : index
        %swap3A_341 = arith.constant 0 : index
        %swap3A_342 = vector.load %arg13[%swap3A_340, %swap3A_341] : memref<256x1xf32, #tpu.memory_space<vmem>>, vector<256x1xf32>
        tpu.vector_store %arg13[%swap3A_340, %swap3A_341], %add3A_339 {strides = array<i32>} : memref<256x1xf32, #tpu.memory_space<vmem>>, vector<256x1xf32>,
        %get3A_343 = arith.constant 0 : index
        %get3A_344 = arith.constant 0 : index
        %get3A_345 = vector.load %arg12[%get3A_343, %get3A_344] : memref<256x64xf32, #tpu.memory_space<vmem>>, vector<256x64xf32>
        %convert_element_type3A_346 = arith.truncf %mul3A_332 : vector<256x256xf32> to vector<256x256xbf16>
        %dot_general3A_347 = arith.constant dense<0.000000e+00> : vector<256x64xf32>
        %dot_general3A_348 = tpu.matmul %convert_element_type3A_346, %slice3A_287, %dot_general3A_347 {dimension_numbers = #tpu.dot_dimension_numbers<[1], [0], [0], [1], [0, 0, 1, 1], [], []>, transpose_lhs_hint = false} : vector<256x256xbf16>, vector<256x64xbf16>, vector<256x64xf32> -> vector<256x64xf32>
        %add3A_349 = arith.addf %get3A_345, %dot_general3A_348 : vector<256x64xf32>
        %swap3A_350 = arith.constant 0 : index
        %swap3A_351 = arith.constant 0 : index
        %swap3A_352 = vector.load %arg12[%swap3A_350, %swap3A_351] : memref<256x64xf32, #tpu.memory_space<vmem>>, vector<256x64xf32>
        tpu.vector_store %arg12[%swap3A_350, %swap3A_351], %add3A_349 {strides = array<i32>} : memref<256x64xf32, #tpu.memory_space<vmem>>, vector<256x64xf32>,
      } else {
      }
      %gt3A_184 = arith.constant 768 : i32
      %gt3A_185 = arith.cmpi sgt, %get3A_0, %gt3A_184 : i32
      %convert_element_type3A_186 = arith.extui %gt3A_185 : i1 to i32
      %cond3A_187 = arith.constant 0 : i32
      %cond3A_188 = arith.cmpi ne, %convert_element_type3A_186, %cond3A_187 : i32
      scf.if %cond3A_188 {
        %mul3A_272 = arith.constant 128 : i32
        %mul3A_273 = arith.muli %arg1, %mul3A_272 : i32
        %add3A_274 = arith.constant 1024 : i32
        %add3A_275 = arith.addi %add3A_274, %mul3A_273 : i32
        %get3A_276 = arith.constant 768 : index
        %get3A_277 = arith.index_cast %add3A_275 : i32 to index
        %get3A_278 = vector.load %arg7[%get3A_276, %get3A_277] : memref<2048x3072xbf16, #tpu.memory_space<vmem>>, vector<256x128xbf16>
        %slice3A_279 = vector.extract_strided_slice %get3A_278 {offsets = [0, 64], sizes = [256, 64], strides = [1, 1]} : vector<256x128xbf16> to vector<256x64xbf16>
        %mul3A_280 = arith.constant 128 : i32
        %mul3A_281 = arith.muli %arg1, %mul3A_280 : i32
        %add3A_282 = arith.constant 2048 : i32
        %add3A_283 = arith.addi %add3A_282, %mul3A_281 : i32
        %get3A_284 = arith.constant 768 : index
        %get3A_285 = arith.index_cast %add3A_283 : i32 to index
        %get3A_286 = vector.load %arg7[%get3A_284, %get3A_285] : memref<2048x3072xbf16, #tpu.memory_space<vmem>>, vector<256x128xbf16>
        %slice3A_287 = vector.extract_strided_slice %get3A_286 {offsets = [0, 64], sizes = [256, 64], strides = [1, 1]} : vector<256x128xbf16> to vector<256x64xbf16>
        %get3A_288 = arith.constant 0 : index
        %get3A_289 = arith.constant 768 : index
        %get3A_290 = vector.load %arg4[%get3A_288, %get3A_289] : memref<1x2048xi32, #tpu.memory_space<vmem>>, vector<1x256xi32>
        %get3A_291 = arith.constant 0 : index
        %get3A_292 = arith.constant 768 : index
        %get3A_293 = vector.load %arg6[%get3A_291, %get3A_292] : memref<1x2048xi32, #tpu.memory_space<vmem>>, vector<1x256xi32>
        %sub3A_294 = vector.broadcast %get3A_30 : vector<256x1xi32> to vector<256x256xi32>
        %sub3A_295 = vector.broadcast %get3A_290 : vector<1x256xi32> to vector<256x256xi32>
        %sub3A_296 = arith.subi %sub3A_294, %sub3A_295 : vector<256x256xi32>
        %ge3A_297 = arith.constant 0 : i32
        %ge3A_298 = vector.broadcast %ge3A_297 : i32 to vector<256x256xi32>
        %ge3A_299 = arith.cmpi sge, %sub3A_296, %ge3A_298 : vector<256x256xi32>
        %le3A = arith.constant 2 : i32
        %le3A_300 = vector.broadcast %le3A : i32 to vector<256x256xi32>
        %le3A_301 = arith.cmpi sle, %sub3A_296, %le3A_300 : vector<256x256xi32>
        %and3A_302 = arith.andi %ge3A_299, %le3A_301 : vector<256x256xi1>
        %eq3A_303 = arith.constant 4 : i32
        %eq3A_304 = vector.broadcast %eq3A_303 : i32 to vector<256x256xi32>
        %eq3A_305 = arith.cmpi eq, %sub3A_296, %eq3A_304 : vector<256x256xi32>
        %or3A = arith.ori %and3A_302, %eq3A_305 : vector<256x256xi1>
        %lt3A_306 = arith.constant 129 : i32
        %lt3A_307 = vector.broadcast %lt3A_306 : i32 to vector<256x1xi32>
        %lt3A_308 = arith.cmpi slt, %get3A_33, %lt3A_307 : vector<256x1xi32>
        %ge3A_309 = arith.constant 0 : i32
        %ge3A_310 = vector.broadcast %ge3A_309 : i32 to vector<256x1xi32>
        %ge3A_311 = arith.cmpi sge, %get3A_30, %ge3A_310 : vector<256x1xi32>
        %and3A_312 = arith.andi %lt3A_308, %ge3A_311 : vector<256x1xi1>
        %ne3A = vector.broadcast %get3A_293 : vector<1x256xi32> to vector<256x256xi32>
        %ne3A_313 = vector.broadcast %get3A_33 : vector<256x1xi32> to vector<256x256xi32>
        %ne3A_314 = arith.cmpi ne, %ne3A, %ne3A_313 : vector<256x256xi32>
        %and3A_315 = vector.broadcast %and3A_312 : vector<256x1xi1> to vector<256x256xi1>
        %and3A_316 = arith.andi %and3A_315, %ne3A_314 : vector<256x256xi1>
        %lt3A_317 = arith.constant 129 : i32
        %lt3A_318 = vector.broadcast %lt3A_317 : i32 to vector<1x256xi32>
        %lt3A_319 = arith.cmpi slt, %get3A_293, %lt3A_318 : vector<1x256xi32>
        %and3A_320 = vector.broadcast %lt3A_319 : vector<1x256xi1> to vector<256x256xi1>
        %and3A_321 = arith.andi %and3A_316, %and3A_320 : vector<256x256xi1>
        %and3A_322 = arith.andi %and3A_321, %or3A : vector<256x256xi1>
        %dot_general3A_323 = arith.constant dense<0.000000e+00> : vector<256x256xf32>
        %dot_general3A_324 = tpu.matmul %slice3A_161, %slice3A_279, %dot_general3A_323 {dimension_numbers = #tpu.dot_dimension_numbers<[1], [1], [0], [0], [0, 0, 1, 0], [], []>, transpose_lhs_hint = false} : vector<256x64xbf16>, vector<256x64xbf16>, vector<256x256xf32> -> vector<256x256xf32>
        %sub3A_325 = vector.broadcast %broadcast_in_dim3A_168 : vector<256x1xf32> to vector<256x256xf32>
        %sub3A_326 = arith.subf %dot_general3A_324, %sub3A_325 : vector<256x256xf32>
        %min3A = arith.constant 8.000000e+01 : f32
        %min3A_327 = vector.broadcast %min3A : f32 to vector<256x256xf32>
        %min3A_328 = arith.minimumf %sub3A_326, %min3A_327 : vector<256x256xf32>
        %exp3A_329 = math.exp %min3A_328 : vector<256x256xf32>
        %convert_element_type3A_330 = arith.extui %and3A_322 : vector<256x256xi1> to vector<256x256xi32>
        %convert_element_type3A_331 = arith.sitofp %convert_element_type3A_330 : vector<256x256xi32> to vector<256x256xf32>
        %mul3A_332 = arith.mulf %exp3A_329, %convert_element_type3A_331 : vector<256x256xf32>
        %get3A_333 = arith.constant 0 : index
        %get3A_334 = arith.constant 0 : index
        %get3A_335 = vector.load %arg13[%get3A_333, %get3A_334] : memref<256x1xf32, #tpu.memory_space<vmem>>, vector<256x1xf32>
        %reduce_sum3A_336 = arith.constant dense<0.000000e+00> : vector<256xf32>
        %reduce_sum3A_337 = vector.multi_reduction <add>, %mul3A_332, %reduce_sum3A_336 [1] : vector<256x256xf32> to vector<256xf32>
        %broadcast_in_dim3A_338 = vector.shape_cast %reduce_sum3A_337 : vector<256xf32> to vector<256x1xf32>
        %add3A_339 = arith.addf %get3A_335, %broadcast_in_dim3A_338 : vector<256x1xf32>
        %swap3A_340 = arith.constant 0 : index
        %swap3A_341 = arith.constant 0 : index
        %swap3A_342 = vector.load %arg13[%swap3A_340, %swap3A_341] : memref<256x1xf32, #tpu.memory_space<vmem>>, vector<256x1xf32>
        tpu.vector_store %arg13[%swap3A_340, %swap3A_341], %add3A_339 {strides = array<i32>} : memref<256x1xf32, #tpu.memory_space<vmem>>, vector<256x1xf32>,
        %get3A_343 = arith.constant 0 : index
        %get3A_344 = arith.constant 0 : index
        %get3A_345 = vector.load %arg12[%get3A_343, %get3A_344] : memref<256x64xf32, #tpu.memory_space<vmem>>, vector<256x64xf32>
        %convert_element_type3A_346 = arith.truncf %mul3A_332 : vector<256x256xf32> to vector<256x256xbf16>
        %dot_general3A_347 = arith.constant dense<0.000000e+00> : vector<256x64xf32>
        %dot_general3A_348 = tpu.matmul %convert_element_type3A_346, %slice3A_287, %dot_general3A_347 {dimension_numbers = #tpu.dot_dimension_numbers<[1], [0], [0], [1], [0, 0, 1, 1], [], []>, transpose_lhs_hint = false} : vector<256x256xbf16>, vector<256x64xbf16>, vector<256x64xf32> -> vector<256x64xf32>
        %add3A_349 = arith.addf %get3A_345, %dot_general3A_348 : vector<256x64xf32>
        %swap3A_350 = arith.constant 0 : index
        %swap3A_351 = arith.constant 0 : index
        %swap3A_352 = vector.load %arg12[%swap3A_350, %swap3A_351] : memref<256x64xf32, #tpu.memory_space<vmem>>, vector<256x64xf32>
        tpu.vector_store %arg12[%swap3A_350, %swap3A_351], %add3A_349 {strides = array<i32>} : memref<256x64xf32, #tpu.memory_space<vmem>>, vector<256x64xf32>,
      } else {
      }
      %gt3A_189 = arith.constant 1024 : i32
      %gt3A_190 = arith.cmpi sgt, %get3A_0, %gt3A_189 : i32
      %convert_element_type3A_191 = arith.extui %gt3A_190 : i1 to i32
      %cond3A_192 = arith.constant 0 : i32
      %cond3A_193 = arith.cmpi ne, %convert_element_type3A_191, %cond3A_192 : i32
      scf.if %cond3A_193 {
        %mul3A_272 = arith.constant 128 : i32
        %mul3A_273 = arith.muli %arg1, %mul3A_272 : i32
        %add3A_274 = arith.constant 1024 : i32
        %add3A_275 = arith.addi %add3A_274, %mul3A_273 : i32
        %get3A_276 = arith.constant 1024 : index
        %get3A_277 = arith.index_cast %add3A_275 : i32 to index
        %get3A_278 = vector.load %arg7[%get3A_276, %get3A_277] : memref<2048x3072xbf16, #tpu.memory_space<vmem>>, vector<256x128xbf16>
        %slice3A_279 = vector.extract_strided_slice %get3A_278 {offsets = [0, 64], sizes = [256, 64], strides = [1, 1]} : vector<256x128xbf16> to vector<256x64xbf16>
        %mul3A_280 = arith.constant 128 : i32
        %mul3A_281 = arith.muli %arg1, %mul3A_280 : i32
        %add3A_282 = arith.constant 2048 : i32
        %add3A_283 = arith.addi %add3A_282, %mul3A_281 : i32
        %get3A_284 = arith.constant 1024 : index
        %get3A_285 = arith.index_cast %add3A_283 : i32 to index
        %get3A_286 = vector.load %arg7[%get3A_284, %get3A_285] : memref<2048x3072xbf16, #tpu.memory_space<vmem>>, vector<256x128xbf16>
        %slice3A_287 = vector.extract_strided_slice %get3A_286 {offsets = [0, 64], sizes = [256, 64], strides = [1, 1]} : vector<256x128xbf16> to vector<256x64xbf16>
        %get3A_288 = arith.constant 0 : index
        %get3A_289 = arith.constant 1024 : index
        %get3A_290 = vector.load %arg4[%get3A_288, %get3A_289] : memref<1x2048xi32, #tpu.memory_space<vmem>>, vector<1x256xi32>
        %get3A_291 = arith.constant 0 : index
        %get3A_292 = arith.constant 1024 : index
        %get3A_293 = vector.load %arg6[%get3A_291, %get3A_292] : memref<1x2048xi32, #tpu.memory_space<vmem>>, vector<1x256xi32>
        %sub3A_294 = vector.broadcast %get3A_30 : vector<256x1xi32> to vector<256x256xi32>
        %sub3A_295 = vector.broadcast %get3A_290 : vector<1x256xi32> to vector<256x256xi32>
        %sub3A_296 = arith.subi %sub3A_294, %sub3A_295 : vector<256x256xi32>
        %ge3A_297 = arith.constant 0 : i32
        %ge3A_298 = vector.broadcast %ge3A_297 : i32 to vector<256x256xi32>
        %ge3A_299 = arith.cmpi sge, %sub3A_296, %ge3A_298 : vector<256x256xi32>
        %le3A = arith.constant 2 : i32
        %le3A_300 = vector.broadcast %le3A : i32 to vector<256x256xi32>
        %le3A_301 = arith.cmpi sle, %sub3A_296, %le3A_300 : vector<256x256xi32>
        %and3A_302 = arith.andi %ge3A_299, %le3A_301 : vector<256x256xi1>
        %eq3A_303 = arith.constant 4 : i32
        %eq3A_304 = vector.broadcast %eq3A_303 : i32 to vector<256x256xi32>
        %eq3A_305 = arith.cmpi eq, %sub3A_296, %eq3A_304 : vector<256x256xi32>
        %or3A = arith.ori %and3A_302, %eq3A_305 : vector<256x256xi1>
        %lt3A_306 = arith.constant 129 : i32
        %lt3A_307 = vector.broadcast %lt3A_306 : i32 to vector<256x1xi32>
        %lt3A_308 = arith.cmpi slt, %get3A_33, %lt3A_307 : vector<256x1xi32>
        %ge3A_309 = arith.constant 0 : i32
        %ge3A_310 = vector.broadcast %ge3A_309 : i32 to vector<256x1xi32>
        %ge3A_311 = arith.cmpi sge, %get3A_30, %ge3A_310 : vector<256x1xi32>
        %and3A_312 = arith.andi %lt3A_308, %ge3A_311 : vector<256x1xi1>
        %ne3A = vector.broadcast %get3A_293 : vector<1x256xi32> to vector<256x256xi32>
        %ne3A_313 = vector.broadcast %get3A_33 : vector<256x1xi32> to vector<256x256xi32>
        %ne3A_314 = arith.cmpi ne, %ne3A, %ne3A_313 : vector<256x256xi32>
        %and3A_315 = vector.broadcast %and3A_312 : vector<256x1xi1> to vector<256x256xi1>
        %and3A_316 = arith.andi %and3A_315, %ne3A_314 : vector<256x256xi1>
        %lt3A_317 = arith.constant 129 : i32
        %lt3A_318 = vector.broadcast %lt3A_317 : i32 to vector<1x256xi32>
        %lt3A_319 = arith.cmpi slt, %get3A_293, %lt3A_318 : vector<1x256xi32>
        %and3A_320 = vector.broadcast %lt3A_319 : vector<1x256xi1> to vector<256x256xi1>
        %and3A_321 = arith.andi %and3A_316, %and3A_320 : vector<256x256xi1>
        %and3A_322 = arith.andi %and3A_321, %or3A : vector<256x256xi1>
        %dot_general3A_323 = arith.constant dense<0.000000e+00> : vector<256x256xf32>
        %dot_general3A_324 = tpu.matmul %slice3A_161, %slice3A_279, %dot_general3A_323 {dimension_numbers = #tpu.dot_dimension_numbers<[1], [1], [0], [0], [0, 0, 1, 0], [], []>, transpose_lhs_hint = false} : vector<256x64xbf16>, vector<256x64xbf16>, vector<256x256xf32> -> vector<256x256xf32>
        %sub3A_325 = vector.broadcast %broadcast_in_dim3A_168 : vector<256x1xf32> to vector<256x256xf32>
        %sub3A_326 = arith.subf %dot_general3A_324, %sub3A_325 : vector<256x256xf32>
        %min3A = arith.constant 8.000000e+01 : f32
        %min3A_327 = vector.broadcast %min3A : f32 to vector<256x256xf32>
        %min3A_328 = arith.minimumf %sub3A_326, %min3A_327 : vector<256x256xf32>
        %exp3A_329 = math.exp %min3A_328 : vector<256x256xf32>
        %convert_element_type3A_330 = arith.extui %and3A_322 : vector<256x256xi1> to vector<256x256xi32>
        %convert_element_type3A_331 = arith.sitofp %convert_element_type3A_330 : vector<256x256xi32> to vector<256x256xf32>
        %mul3A_332 = arith.mulf %exp3A_329, %convert_element_type3A_331 : vector<256x256xf32>
        %get3A_333 = arith.constant 0 : index
        %get3A_334 = arith.constant 0 : index
        %get3A_335 = vector.load %arg13[%get3A_333, %get3A_334] : memref<256x1xf32, #tpu.memory_space<vmem>>, vector<256x1xf32>
        %reduce_sum3A_336 = arith.constant dense<0.000000e+00> : vector<256xf32>
        %reduce_sum3A_337 = vector.multi_reduction <add>, %mul3A_332, %reduce_sum3A_336 [1] : vector<256x256xf32> to vector<256xf32>
        %broadcast_in_dim3A_338 = vector.shape_cast %reduce_sum3A_337 : vector<256xf32> to vector<256x1xf32>
        %add3A_339 = arith.addf %get3A_335, %broadcast_in_dim3A_338 : vector<256x1xf32>
        %swap3A_340 = arith.constant 0 : index
        %swap3A_341 = arith.constant 0 : index
        %swap3A_342 = vector.load %arg13[%swap3A_340, %swap3A_341] : memref<256x1xf32, #tpu.memory_space<vmem>>, vector<256x1xf32>
        tpu.vector_store %arg13[%swap3A_340, %swap3A_341], %add3A_339 {strides = array<i32>} : memref<256x1xf32, #tpu.memory_space<vmem>>, vector<256x1xf32>,
        %get3A_343 = arith.constant 0 : index
        %get3A_344 = arith.constant 0 : index
        %get3A_345 = vector.load %arg12[%get3A_343, %get3A_344] : memref<256x64xf32, #tpu.memory_space<vmem>>, vector<256x64xf32>
        %convert_element_type3A_346 = arith.truncf %mul3A_332 : vector<256x256xf32> to vector<256x256xbf16>
        %dot_general3A_347 = arith.constant dense<0.000000e+00> : vector<256x64xf32>
        %dot_general3A_348 = tpu.matmul %convert_element_type3A_346, %slice3A_287, %dot_general3A_347 {dimension_numbers = #tpu.dot_dimension_numbers<[1], [0], [0], [1], [0, 0, 1, 1], [], []>, transpose_lhs_hint = false} : vector<256x256xbf16>, vector<256x64xbf16>, vector<256x64xf32> -> vector<256x64xf32>
        %add3A_349 = arith.addf %get3A_345, %dot_general3A_348 : vector<256x64xf32>
        %swap3A_350 = arith.constant 0 : index
        %swap3A_351 = arith.constant 0 : index
        %swap3A_352 = vector.load %arg12[%swap3A_350, %swap3A_351] : memref<256x64xf32, #tpu.memory_space<vmem>>, vector<256x64xf32>
        tpu.vector_store %arg12[%swap3A_350, %swap3A_351], %add3A_349 {strides = array<i32>} : memref<256x64xf32, #tpu.memory_space<vmem>>, vector<256x64xf32>,
      } else {
      }
      %gt3A_194 = arith.constant 1280 : i32
      %gt3A_195 = arith.cmpi sgt, %get3A_0, %gt3A_194 : i32
      %convert_element_type3A_196 = arith.extui %gt3A_195 : i1 to i32
      %cond3A_197 = arith.constant 0 : i32
      %cond3A_198 = arith.cmpi ne, %convert_element_type3A_196, %cond3A_197 : i32
      scf.if %cond3A_198 {
        %mul3A_272 = arith.constant 128 : i32
        %mul3A_273 = arith.muli %arg1, %mul3A_272 : i32
        %add3A_274 = arith.constant 1024 : i32
        %add3A_275 = arith.addi %add3A_274, %mul3A_273 : i32
        %get3A_276 = arith.constant 1280 : index
        %get3A_277 = arith.index_cast %add3A_275 : i32 to index
        %get3A_278 = vector.load %arg7[%get3A_276, %get3A_277] : memref<2048x3072xbf16, #tpu.memory_space<vmem>>, vector<256x128xbf16>
        %slice3A_279 = vector.extract_strided_slice %get3A_278 {offsets = [0, 64], sizes = [256, 64], strides = [1, 1]} : vector<256x128xbf16> to vector<256x64xbf16>
        %mul3A_280 = arith.constant 128 : i32
        %mul3A_281 = arith.muli %arg1, %mul3A_280 : i32
        %add3A_282 = arith.constant 2048 : i32
        %add3A_283 = arith.addi %add3A_282, %mul3A_281 : i32
        %get3A_284 = arith.constant 1280 : index
        %get3A_285 = arith.index_cast %add3A_283 : i32 to index
        %get3A_286 = vector.load %arg7[%get3A_284, %get3A_285] : memref<2048x3072xbf16, #tpu.memory_space<vmem>>, vector<256x128xbf16>
        %slice3A_287 = vector.extract_strided_slice %get3A_286 {offsets = [0, 64], sizes = [256, 64], strides = [1, 1]} : vector<256x128xbf16> to vector<256x64xbf16>
        %get3A_288 = arith.constant 0 : index
        %get3A_289 = arith.constant 1280 : index
        %get3A_290 = vector.load %arg4[%get3A_288, %get3A_289] : memref<1x2048xi32, #tpu.memory_space<vmem>>, vector<1x256xi32>
        %get3A_291 = arith.constant 0 : index
        %get3A_292 = arith.constant 1280 : index
        %get3A_293 = vector.load %arg6[%get3A_291, %get3A_292] : memref<1x2048xi32, #tpu.memory_space<vmem>>, vector<1x256xi32>
        %sub3A_294 = vector.broadcast %get3A_30 : vector<256x1xi32> to vector<256x256xi32>
        %sub3A_295 = vector.broadcast %get3A_290 : vector<1x256xi32> to vector<256x256xi32>
        %sub3A_296 = arith.subi %sub3A_294, %sub3A_295 : vector<256x256xi32>
        %ge3A_297 = arith.constant 0 : i32
        %ge3A_298 = vector.broadcast %ge3A_297 : i32 to vector<256x256xi32>
        %ge3A_299 = arith.cmpi sge, %sub3A_296, %ge3A_298 : vector<256x256xi32>
        %le3A = arith.constant 2 : i32
        %le3A_300 = vector.broadcast %le3A : i32 to vector<256x256xi32>
        %le3A_301 = arith.cmpi sle, %sub3A_296, %le3A_300 : vector<256x256xi32>
        %and3A_302 = arith.andi %ge3A_299, %le3A_301 : vector<256x256xi1>
        %eq3A_303 = arith.constant 4 : i32
        %eq3A_304 = vector.broadcast %eq3A_303 : i32 to vector<256x256xi32>
        %eq3A_305 = arith.cmpi eq, %sub3A_296, %eq3A_304 : vector<256x256xi32>
        %or3A = arith.ori %and3A_302, %eq3A_305 : vector<256x256xi1>
        %lt3A_306 = arith.constant 129 : i32
        %lt3A_307 = vector.broadcast %lt3A_306 : i32 to vector<256x1xi32>
        %lt3A_308 = arith.cmpi slt, %get3A_33, %lt3A_307 : vector<256x1xi32>
        %ge3A_309 = arith.constant 0 : i32
        %ge3A_310 = vector.broadcast %ge3A_309 : i32 to vector<256x1xi32>
        %ge3A_311 = arith.cmpi sge, %get3A_30, %ge3A_310 : vector<256x1xi32>
        %and3A_312 = arith.andi %lt3A_308, %ge3A_311 : vector<256x1xi1>
        %ne3A = vector.broadcast %get3A_293 : vector<1x256xi32> to vector<256x256xi32>
        %ne3A_313 = vector.broadcast %get3A_33 : vector<256x1xi32> to vector<256x256xi32>
        %ne3A_314 = arith.cmpi ne, %ne3A, %ne3A_313 : vector<256x256xi32>
        %and3A_315 = vector.broadcast %and3A_312 : vector<256x1xi1> to vector<256x256xi1>
        %and3A_316 = arith.andi %and3A_315, %ne3A_314 : vector<256x256xi1>
        %lt3A_317 = arith.constant 129 : i32
        %lt3A_318 = vector.broadcast %lt3A_317 : i32 to vector<1x256xi32>
        %lt3A_319 = arith.cmpi slt, %get3A_293, %lt3A_318 : vector<1x256xi32>
        %and3A_320 = vector.broadcast %lt3A_319 : vector<1x256xi1> to vector<256x256xi1>
        %and3A_321 = arith.andi %and3A_316, %and3A_320 : vector<256x256xi1>
        %and3A_322 = arith.andi %and3A_321, %or3A : vector<256x256xi1>
        %dot_general3A_323 = arith.constant dense<0.000000e+00> : vector<256x256xf32>
        %dot_general3A_324 = tpu.matmul %slice3A_161, %slice3A_279, %dot_general3A_323 {dimension_numbers = #tpu.dot_dimension_numbers<[1], [1], [0], [0], [0, 0, 1, 0], [], []>, transpose_lhs_hint = false} : vector<256x64xbf16>, vector<256x64xbf16>, vector<256x256xf32> -> vector<256x256xf32>
        %sub3A_325 = vector.broadcast %broadcast_in_dim3A_168 : vector<256x1xf32> to vector<256x256xf32>
        %sub3A_326 = arith.subf %dot_general3A_324, %sub3A_325 : vector<256x256xf32>
        %min3A = arith.constant 8.000000e+01 : f32
        %min3A_327 = vector.broadcast %min3A : f32 to vector<256x256xf32>
        %min3A_328 = arith.minimumf %sub3A_326, %min3A_327 : vector<256x256xf32>
        %exp3A_329 = math.exp %min3A_328 : vector<256x256xf32>
        %convert_element_type3A_330 = arith.extui %and3A_322 : vector<256x256xi1> to vector<256x256xi32>
        %convert_element_type3A_331 = arith.sitofp %convert_element_type3A_330 : vector<256x256xi32> to vector<256x256xf32>
        %mul3A_332 = arith.mulf %exp3A_329, %convert_element_type3A_331 : vector<256x256xf32>
        %get3A_333 = arith.constant 0 : index
        %get3A_334 = arith.constant 0 : index
        %get3A_335 = vector.load %arg13[%get3A_333, %get3A_334] : memref<256x1xf32, #tpu.memory_space<vmem>>, vector<256x1xf32>
        %reduce_sum3A_336 = arith.constant dense<0.000000e+00> : vector<256xf32>
        %reduce_sum3A_337 = vector.multi_reduction <add>, %mul3A_332, %reduce_sum3A_336 [1] : vector<256x256xf32> to vector<256xf32>
        %broadcast_in_dim3A_338 = vector.shape_cast %reduce_sum3A_337 : vector<256xf32> to vector<256x1xf32>
        %add3A_339 = arith.addf %get3A_335, %broadcast_in_dim3A_338 : vector<256x1xf32>
        %swap3A_340 = arith.constant 0 : index
        %swap3A_341 = arith.constant 0 : index
        %swap3A_342 = vector.load %arg13[%swap3A_340, %swap3A_341] : memref<256x1xf32, #tpu.memory_space<vmem>>, vector<256x1xf32>
        tpu.vector_store %arg13[%swap3A_340, %swap3A_341], %add3A_339 {strides = array<i32>} : memref<256x1xf32, #tpu.memory_space<vmem>>, vector<256x1xf32>,
        %get3A_343 = arith.constant 0 : index
        %get3A_344 = arith.constant 0 : index
        %get3A_345 = vector.load %arg12[%get3A_343, %get3A_344] : memref<256x64xf32, #tpu.memory_space<vmem>>, vector<256x64xf32>
        %convert_element_type3A_346 = arith.truncf %mul3A_332 : vector<256x256xf32> to vector<256x256xbf16>
        %dot_general3A_347 = arith.constant dense<0.000000e+00> : vector<256x64xf32>
        %dot_general3A_348 = tpu.matmul %convert_element_type3A_346, %slice3A_287, %dot_general3A_347 {dimension_numbers = #tpu.dot_dimension_numbers<[1], [0], [0], [1], [0, 0, 1, 1], [], []>, transpose_lhs_hint = false} : vector<256x256xbf16>, vector<256x64xbf16>, vector<256x64xf32> -> vector<256x64xf32>
        %add3A_349 = arith.addf %get3A_345, %dot_general3A_348 : vector<256x64xf32>
        %swap3A_350 = arith.constant 0 : index
        %swap3A_351 = arith.constant 0 : index
        %swap3A_352 = vector.load %arg12[%swap3A_350, %swap3A_351] : memref<256x64xf32, #tpu.memory_space<vmem>>, vector<256x64xf32>
        tpu.vector_store %arg12[%swap3A_350, %swap3A_351], %add3A_349 {strides = array<i32>} : memref<256x64xf32, #tpu.memory_space<vmem>>, vector<256x64xf32>,
      } else {
      }
      %gt3A_199 = arith.constant 1536 : i32
      %gt3A_200 = arith.cmpi sgt, %get3A_0, %gt3A_199 : i32
      %convert_element_type3A_201 = arith.extui %gt3A_200 : i1 to i32
      %cond3A_202 = arith.constant 0 : i32
      %cond3A_203 = arith.cmpi ne, %convert_element_type3A_201, %cond3A_202 : i32
      scf.if %cond3A_203 {
        %mul3A_272 = arith.constant 128 : i32
        %mul3A_273 = arith.muli %arg1, %mul3A_272 : i32
        %add3A_274 = arith.constant 1024 : i32
        %add3A_275 = arith.addi %add3A_274, %mul3A_273 : i32
        %get3A_276 = arith.constant 1536 : index
        %get3A_277 = arith.index_cast %add3A_275 : i32 to index
        %get3A_278 = vector.load %arg7[%get3A_276, %get3A_277] : memref<2048x3072xbf16, #tpu.memory_space<vmem>>, vector<256x128xbf16>
        %slice3A_279 = vector.extract_strided_slice %get3A_278 {offsets = [0, 64], sizes = [256, 64], strides = [1, 1]} : vector<256x128xbf16> to vector<256x64xbf16>
        %mul3A_280 = arith.constant 128 : i32
        %mul3A_281 = arith.muli %arg1, %mul3A_280 : i32
        %add3A_282 = arith.constant 2048 : i32
        %add3A_283 = arith.addi %add3A_282, %mul3A_281 : i32
        %get3A_284 = arith.constant 1536 : index
        %get3A_285 = arith.index_cast %add3A_283 : i32 to index
        %get3A_286 = vector.load %arg7[%get3A_284, %get3A_285] : memref<2048x3072xbf16, #tpu.memory_space<vmem>>, vector<256x128xbf16>
        %slice3A_287 = vector.extract_strided_slice %get3A_286 {offsets = [0, 64], sizes = [256, 64], strides = [1, 1]} : vector<256x128xbf16> to vector<256x64xbf16>
        %get3A_288 = arith.constant 0 : index
        %get3A_289 = arith.constant 1536 : index
        %get3A_290 = vector.load %arg4[%get3A_288, %get3A_289] : memref<1x2048xi32, #tpu.memory_space<vmem>>, vector<1x256xi32>
        %get3A_291 = arith.constant 0 : index
        %get3A_292 = arith.constant 1536 : index
        %get3A_293 = vector.load %arg6[%get3A_291, %get3A_292] : memref<1x2048xi32, #tpu.memory_space<vmem>>, vector<1x256xi32>
        %sub3A_294 = vector.broadcast %get3A_30 : vector<256x1xi32> to vector<256x256xi32>
        %sub3A_295 = vector.broadcast %get3A_290 : vector<1x256xi32> to vector<256x256xi32>
        %sub3A_296 = arith.subi %sub3A_294, %sub3A_295 : vector<256x256xi32>
        %ge3A_297 = arith.constant 0 : i32
        %ge3A_298 = vector.broadcast %ge3A_297 : i32 to vector<256x256xi32>
        %ge3A_299 = arith.cmpi sge, %sub3A_296, %ge3A_298 : vector<256x256xi32>
        %le3A = arith.constant 2 : i32
        %le3A_300 = vector.broadcast %le3A : i32 to vector<256x256xi32>
        %le3A_301 = arith.cmpi sle, %sub3A_296, %le3A_300 : vector<256x256xi32>
        %and3A_302 = arith.andi %ge3A_299, %le3A_301 : vector<256x256xi1>
        %eq3A_303 = arith.constant 4 : i32
        %eq3A_304 = vector.broadcast %eq3A_303 : i32 to vector<256x256xi32>
        %eq3A_305 = arith.cmpi eq, %sub3A_296, %eq3A_304 : vector<256x256xi32>
        %or3A = arith.ori %and3A_302, %eq3A_305 : vector<256x256xi1>
        %lt3A_306 = arith.constant 129 : i32
        %lt3A_307 = vector.broadcast %lt3A_306 : i32 to vector<256x1xi32>
        %lt3A_308 = arith.cmpi slt, %get3A_33, %lt3A_307 : vector<256x1xi32>
        %ge3A_309 = arith.constant 0 : i32
        %ge3A_310 = vector.broadcast %ge3A_309 : i32 to vector<256x1xi32>
        %ge3A_311 = arith.cmpi sge, %get3A_30, %ge3A_310 : vector<256x1xi32>
        %and3A_312 = arith.andi %lt3A_308, %ge3A_311 : vector<256x1xi1>
        %ne3A = vector.broadcast %get3A_293 : vector<1x256xi32> to vector<256x256xi32>
        %ne3A_313 = vector.broadcast %get3A_33 : vector<256x1xi32> to vector<256x256xi32>
        %ne3A_314 = arith.cmpi ne, %ne3A, %ne3A_313 : vector<256x256xi32>
        %and3A_315 = vector.broadcast %and3A_312 : vector<256x1xi1> to vector<256x256xi1>
        %and3A_316 = arith.andi %and3A_315, %ne3A_314 : vector<256x256xi1>
        %lt3A_317 = arith.constant 129 : i32
        %lt3A_318 = vector.broadcast %lt3A_317 : i32 to vector<1x256xi32>
        %lt3A_319 = arith.cmpi slt, %get3A_293, %lt3A_318 : vector<1x256xi32>
        %and3A_320 = vector.broadcast %lt3A_319 : vector<1x256xi1> to vector<256x256xi1>
        %and3A_321 = arith.andi %and3A_316, %and3A_320 : vector<256x256xi1>
        %and3A_322 = arith.andi %and3A_321, %or3A : vector<256x256xi1>
        %dot_general3A_323 = arith.constant dense<0.000000e+00> : vector<256x256xf32>
        %dot_general3A_324 = tpu.matmul %slice3A_161, %slice3A_279, %dot_general3A_323 {dimension_numbers = #tpu.dot_dimension_numbers<[1], [1], [0], [0], [0, 0, 1, 0], [], []>, transpose_lhs_hint = false} : vector<256x64xbf16>, vector<256x64xbf16>, vector<256x256xf32> -> vector<256x256xf32>
        %sub3A_325 = vector.broadcast %broadcast_in_dim3A_168 : vector<256x1xf32> to vector<256x256xf32>
        %sub3A_326 = arith.subf %dot_general3A_324, %sub3A_325 : vector<256x256xf32>
        %min3A = arith.constant 8.000000e+01 : f32
        %min3A_327 = vector.broadcast %min3A : f32 to vector<256x256xf32>
        %min3A_328 = arith.minimumf %sub3A_326, %min3A_327 : vector<256x256xf32>
        %exp3A_329 = math.exp %min3A_328 : vector<256x256xf32>
        %convert_element_type3A_330 = arith.extui %and3A_322 : vector<256x256xi1> to vector<256x256xi32>
        %convert_element_type3A_331 = arith.sitofp %convert_element_type3A_330 : vector<256x256xi32> to vector<256x256xf32>
        %mul3A_332 = arith.mulf %exp3A_329, %convert_element_type3A_331 : vector<256x256xf32>
        %get3A_333 = arith.constant 0 : index
        %get3A_334 = arith.constant 0 : index
        %get3A_335 = vector.load %arg13[%get3A_333, %get3A_334] : memref<256x1xf32, #tpu.memory_space<vmem>>, vector<256x1xf32>
        %reduce_sum3A_336 = arith.constant dense<0.000000e+00> : vector<256xf32>
        %reduce_sum3A_337 = vector.multi_reduction <add>, %mul3A_332, %reduce_sum3A_336 [1] : vector<256x256xf32> to vector<256xf32>
        %broadcast_in_dim3A_338 = vector.shape_cast %reduce_sum3A_337 : vector<256xf32> to vector<256x1xf32>
        %add3A_339 = arith.addf %get3A_335, %broadcast_in_dim3A_338 : vector<256x1xf32>
        %swap3A_340 = arith.constant 0 : index
        %swap3A_341 = arith.constant 0 : index
        %swap3A_342 = vector.load %arg13[%swap3A_340, %swap3A_341] : memref<256x1xf32, #tpu.memory_space<vmem>>, vector<256x1xf32>
        tpu.vector_store %arg13[%swap3A_340, %swap3A_341], %add3A_339 {strides = array<i32>} : memref<256x1xf32, #tpu.memory_space<vmem>>, vector<256x1xf32>,
        %get3A_343 = arith.constant 0 : index
        %get3A_344 = arith.constant 0 : index
        %get3A_345 = vector.load %arg12[%get3A_343, %get3A_344] : memref<256x64xf32, #tpu.memory_space<vmem>>, vector<256x64xf32>
        %convert_element_type3A_346 = arith.truncf %mul3A_332 : vector<256x256xf32> to vector<256x256xbf16>
        %dot_general3A_347 = arith.constant dense<0.000000e+00> : vector<256x64xf32>
        %dot_general3A_348 = tpu.matmul %convert_element_type3A_346, %slice3A_287, %dot_general3A_347 {dimension_numbers = #tpu.dot_dimension_numbers<[1], [0], [0], [1], [0, 0, 1, 1], [], []>, transpose_lhs_hint = false} : vector<256x256xbf16>, vector<256x64xbf16>, vector<256x64xf32> -> vector<256x64xf32>
        %add3A_349 = arith.addf %get3A_345, %dot_general3A_348 : vector<256x64xf32>
        %swap3A_350 = arith.constant 0 : index
        %swap3A_351 = arith.constant 0 : index
        %swap3A_352 = vector.load %arg12[%swap3A_350, %swap3A_351] : memref<256x64xf32, #tpu.memory_space<vmem>>, vector<256x64xf32>
        tpu.vector_store %arg12[%swap3A_350, %swap3A_351], %add3A_349 {strides = array<i32>} : memref<256x64xf32, #tpu.memory_space<vmem>>, vector<256x64xf32>,
      } else {
      }
      %gt3A_204 = arith.constant 1792 : i32
      %gt3A_205 = arith.cmpi sgt, %get3A_0, %gt3A_204 : i32
      %convert_element_type3A_206 = arith.extui %gt3A_205 : i1 to i32
      %cond3A_207 = arith.constant 0 : i32
      %cond3A_208 = arith.cmpi ne, %convert_element_type3A_206, %cond3A_207 : i32
      scf.if %cond3A_208 {
        %mul3A_272 = arith.constant 128 : i32
        %mul3A_273 = arith.muli %arg1, %mul3A_272 : i32
        %add3A_274 = arith.constant 1024 : i32
        %add3A_275 = arith.addi %add3A_274, %mul3A_273 : i32
        %get3A_276 = arith.constant 1792 : index
        %get3A_277 = arith.index_cast %add3A_275 : i32 to index
        %get3A_278 = vector.load %arg7[%get3A_276, %get3A_277] : memref<2048x3072xbf16, #tpu.memory_space<vmem>>, vector<256x128xbf16>
        %slice3A_279 = vector.extract_strided_slice %get3A_278 {offsets = [0, 64], sizes = [256, 64], strides = [1, 1]} : vector<256x128xbf16> to vector<256x64xbf16>
        %mul3A_280 = arith.constant 128 : i32
        %mul3A_281 = arith.muli %arg1, %mul3A_280 : i32
        %add3A_282 = arith.constant 2048 : i32
        %add3A_283 = arith.addi %add3A_282, %mul3A_281 : i32
        %get3A_284 = arith.constant 1792 : index
        %get3A_285 = arith.index_cast %add3A_283 : i32 to index
        %get3A_286 = vector.load %arg7[%get3A_284, %get3A_285] : memref<2048x3072xbf16, #tpu.memory_space<vmem>>, vector<256x128xbf16>
        %slice3A_287 = vector.extract_strided_slice %get3A_286 {offsets = [0, 64], sizes = [256, 64], strides = [1, 1]} : vector<256x128xbf16> to vector<256x64xbf16>
        %get3A_288 = arith.constant 0 : index
        %get3A_289 = arith.constant 1792 : index
        %get3A_290 = vector.load %arg4[%get3A_288, %get3A_289] : memref<1x2048xi32, #tpu.memory_space<vmem>>, vector<1x256xi32>
        %get3A_291 = arith.constant 0 : index
        %get3A_292 = arith.constant 1792 : index
        %get3A_293 = vector.load %arg6[%get3A_291, %get3A_292] : memref<1x2048xi32, #tpu.memory_space<vmem>>, vector<1x256xi32>
        %sub3A_294 = vector.broadcast %get3A_30 : vector<256x1xi32> to vector<256x256xi32>
        %sub3A_295 = vector.broadcast %get3A_290 : vector<1x256xi32> to vector<256x256xi32>
        %sub3A_296 = arith.subi %sub3A_294, %sub3A_295 : vector<256x256xi32>
        %ge3A_297 = arith.constant 0 : i32
        %ge3A_298 = vector.broadcast %ge3A_297 : i32 to vector<256x256xi32>
        %ge3A_299 = arith.cmpi sge, %sub3A_296, %ge3A_298 : vector<256x256xi32>
        %le3A = arith.constant 2 : i32
        %le3A_300 = vector.broadcast %le3A : i32 to vector<256x256xi32>
        %le3A_301 = arith.cmpi sle, %sub3A_296, %le3A_300 : vector<256x256xi32>
        %and3A_302 = arith.andi %ge3A_299, %le3A_301 : vector<256x256xi1>
        %eq3A_303 = arith.constant 4 : i32
        %eq3A_304 = vector.broadcast %eq3A_303 : i32 to vector<256x256xi32>
        %eq3A_305 = arith.cmpi eq, %sub3A_296, %eq3A_304 : vector<256x256xi32>
        %or3A = arith.ori %and3A_302, %eq3A_305 : vector<256x256xi1>
        %lt3A_306 = arith.constant 129 : i32
        %lt3A_307 = vector.broadcast %lt3A_306 : i32 to vector<256x1xi32>
        %lt3A_308 = arith.cmpi slt, %get3A_33, %lt3A_307 : vector<256x1xi32>
        %ge3A_309 = arith.constant 0 : i32
        %ge3A_310 = vector.broadcast %ge3A_309 : i32 to vector<256x1xi32>
        %ge3A_311 = arith.cmpi sge, %get3A_30, %ge3A_310 : vector<256x1xi32>
        %and3A_312 = arith.andi %lt3A_308, %ge3A_311 : vector<256x1xi1>
        %ne3A = vector.broadcast %get3A_293 : vector<1x256xi32> to vector<256x256xi32>
        %ne3A_313 = vector.broadcast %get3A_33 : vector<256x1xi32> to vector<256x256xi32>
        %ne3A_314 = arith.cmpi ne, %ne3A, %ne3A_313 : vector<256x256xi32>
        %and3A_315 = vector.broadcast %and3A_312 : vector<256x1xi1> to vector<256x256xi1>
        %and3A_316 = arith.andi %and3A_315, %ne3A_314 : vector<256x256xi1>
        %lt3A_317 = arith.constant 129 : i32
        %lt3A_318 = vector.broadcast %lt3A_317 : i32 to vector<1x256xi32>
        %lt3A_319 = arith.cmpi slt, %get3A_293, %lt3A_318 : vector<1x256xi32>
        %and3A_320 = vector.broadcast %lt3A_319 : vector<1x256xi1> to vector<256x256xi1>
        %and3A_321 = arith.andi %and3A_316, %and3A_320 : vector<256x256xi1>
        %and3A_322 = arith.andi %and3A_321, %or3A : vector<256x256xi1>
        %dot_general3A_323 = arith.constant dense<0.000000e+00> : vector<256x256xf32>
        %dot_general3A_324 = tpu.matmul %slice3A_161, %slice3A_279, %dot_general3A_323 {dimension_numbers = #tpu.dot_dimension_numbers<[1], [1], [0], [0], [0, 0, 1, 0], [], []>, transpose_lhs_hint = false} : vector<256x64xbf16>, vector<256x64xbf16>, vector<256x256xf32> -> vector<256x256xf32>
        %sub3A_325 = vector.broadcast %broadcast_in_dim3A_168 : vector<256x1xf32> to vector<256x256xf32>
        %sub3A_326 = arith.subf %dot_general3A_324, %sub3A_325 : vector<256x256xf32>
        %min3A = arith.constant 8.000000e+01 : f32
        %min3A_327 = vector.broadcast %min3A : f32 to vector<256x256xf32>
        %min3A_328 = arith.minimumf %sub3A_326, %min3A_327 : vector<256x256xf32>
        %exp3A_329 = math.exp %min3A_328 : vector<256x256xf32>
        %convert_element_type3A_330 = arith.extui %and3A_322 : vector<256x256xi1> to vector<256x256xi32>
        %convert_element_type3A_331 = arith.sitofp %convert_element_type3A_330 : vector<256x256xi32> to vector<256x256xf32>
        %mul3A_332 = arith.mulf %exp3A_329, %convert_element_type3A_331 : vector<256x256xf32>
        %get3A_333 = arith.constant 0 : index
        %get3A_334 = arith.constant 0 : index
        %get3A_335 = vector.load %arg13[%get3A_333, %get3A_334] : memref<256x1xf32, #tpu.memory_space<vmem>>, vector<256x1xf32>
        %reduce_sum3A_336 = arith.constant dense<0.000000e+00> : vector<256xf32>
        %reduce_sum3A_337 = vector.multi_reduction <add>, %mul3A_332, %reduce_sum3A_336 [1] : vector<256x256xf32> to vector<256xf32>
        %broadcast_in_dim3A_338 = vector.shape_cast %reduce_sum3A_337 : vector<256xf32> to vector<256x1xf32>
        %add3A_339 = arith.addf %get3A_335, %broadcast_in_dim3A_338 : vector<256x1xf32>
        %swap3A_340 = arith.constant 0 : index
        %swap3A_341 = arith.constant 0 : index
        %swap3A_342 = vector.load %arg13[%swap3A_340, %swap3A_341] : memref<256x1xf32, #tpu.memory_space<vmem>>, vector<256x1xf32>
        tpu.vector_store %arg13[%swap3A_340, %swap3A_341], %add3A_339 {strides = array<i32>} : memref<256x1xf32, #tpu.memory_space<vmem>>, vector<256x1xf32>,
        %get3A_343 = arith.constant 0 : index
        %get3A_344 = arith.constant 0 : index
        %get3A_345 = vector.load %arg12[%get3A_343, %get3A_344] : memref<256x64xf32, #tpu.memory_space<vmem>>, vector<256x64xf32>
        %convert_element_type3A_346 = arith.truncf %mul3A_332 : vector<256x256xf32> to vector<256x256xbf16>
        %dot_general3A_347 = arith.constant dense<0.000000e+00> : vector<256x64xf32>
        %dot_general3A_348 = tpu.matmul %convert_element_type3A_346, %slice3A_287, %dot_general3A_347 {dimension_numbers = #tpu.dot_dimension_numbers<[1], [0], [0], [1], [0, 0, 1, 1], [], []>, transpose_lhs_hint = false} : vector<256x256xbf16>, vector<256x64xbf16>, vector<256x64xf32> -> vector<256x64xf32>
        %add3A_349 = arith.addf %get3A_345, %dot_general3A_348 : vector<256x64xf32>
        %swap3A_350 = arith.constant 0 : index
        %swap3A_351 = arith.constant 0 : index
        %swap3A_352 = vector.load %arg12[%swap3A_350, %swap3A_351] : memref<256x64xf32, #tpu.memory_space<vmem>>, vector<256x64xf32>
        tpu.vector_store %arg12[%swap3A_350, %swap3A_351], %add3A_349 {strides = array<i32>} : memref<256x64xf32, #tpu.memory_space<vmem>>, vector<256x64xf32>,
      } else {
      }
      %sub3A_209 = vector.broadcast %broadcast_in_dim3A_168 : vector<256x1xf32> to vector<256x512xf32>
      %sub3A_210 = arith.subf %dot_general3A_165, %sub3A_209 : vector<256x512xf32>
      %exp3A_211 = math.exp %sub3A_210 : vector<256x512xf32>
      %convert_element_type3A_212 = arith.truncf %exp3A_211 : vector<256x512xf32> to vector<256x512xbf16>
      %mul3A_213 = arith.mulf %convert_element_type3A_212, %get3A_59 : vector<256x512xbf16>
      %convert_element_type3A_214 = arith.extf %mul3A_213 : vector<256x512xbf16> to vector<256x512xf32>
      %reduce_sum3A_215 = arith.constant dense<0.000000e+00> : vector<256xf32>
      %reduce_sum3A_216 = vector.multi_reduction <add>, %convert_element_type3A_214, %reduce_sum3A_215 [1] : vector<256x512xf32> to vector<256xf32>
      %broadcast_in_dim3A_217 = vector.shape_cast %reduce_sum3A_216 : vector<256xf32> to vector<256x1xf32>
      %dot_general3A_218 = arith.constant dense<0.000000e+00> : vector<256x64xf32>
      %dot_general3A_219 = tpu.matmul %mul3A_213, %slice3A_163, %dot_general3A_218 {dimension_numbers = #tpu.dot_dimension_numbers<[1], [0], [0], [1], [0, 0, 1, 1], [], []>, transpose_lhs_hint = false} : vector<256x512xbf16>, vector<512x64xbf16>, vector<256x64xf32> -> vector<256x64xf32>
      %eq3A_220 = arith.constant 0.000000e+00 : f32
      %eq3A_221 = vector.broadcast %eq3A_220 : f32 to vector<256x1xf32>
      %eq3A_222 = arith.cmpf oeq, %broadcast_in_dim3A_217, %eq3A_221 : vector<256x1xf32>
      %jit3A_223 = arith.constant 1.000000e+00 : f32
      %broadcast_in_dim3A_224 = vector.broadcast %jit3A_223 : f32 to vector<256x1xf32>
      %select_n3A_225 = arith.select %eq3A_222, %broadcast_in_dim3A_224, %broadcast_in_dim3A_217 : vector<256x1xi1>, vector<256x1xf32>
      %div3A_226 = vector.broadcast %select_n3A_225 : vector<256x1xf32> to vector<256x64xf32>
      %div3A_227 = arith.divf %dot_general3A_219, %div3A_226 : vector<256x64xf32>
      %mul3A_228 = arith.mulf %convert_element_type3A_212, %get3A_62 : vector<256x512xbf16>
      %convert_element_type3A_229 = arith.extf %mul3A_228 : vector<256x512xbf16> to vector<256x512xf32>
      %reduce_sum3A_230 = arith.constant dense<0.000000e+00> : vector<256xf32>
      %reduce_sum3A_231 = vector.multi_reduction <add>, %convert_element_type3A_229, %reduce_sum3A_230 [1] : vector<256x512xf32> to vector<256xf32>
      %broadcast_in_dim3A_232 = vector.shape_cast %reduce_sum3A_231 : vector<256xf32> to vector<256x1xf32>
      %get3A_233 = arith.constant 0 : index
      %get3A_234 = arith.constant 0 : index
      %get3A_235 = vector.load %arg13[%get3A_233, %get3A_234] : memref<256x1xf32, #tpu.memory_space<vmem>>, vector<256x1xf32>
      %add3A_236 = arith.addf %broadcast_in_dim3A_232, %get3A_235 : vector<256x1xf32>
      %dot_general3A_237 = arith.constant dense<0.000000e+00> : vector<256x64xf32>
      %dot_general3A_238 = tpu.matmul %mul3A_228, %slice3A_163, %dot_general3A_237 {dimension_numbers = #tpu.dot_dimension_numbers<[1], [0], [0], [1], [0, 0, 1, 1], [], []>, transpose_lhs_hint = false} : vector<256x512xbf16>, vector<512x64xbf16>, vector<256x64xf32> -> vector<256x64xf32>
      %get3A_239 = arith.constant 0 : index
      %get3A_240 = arith.constant 0 : index
      %get3A_241 = vector.load %arg12[%get3A_239, %get3A_240] : memref<256x64xf32, #tpu.memory_space<vmem>>, vector<256x64xf32>
      %add3A_242 = arith.addf %dot_general3A_238, %get3A_241 : vector<256x64xf32>
      %eq3A_243 = arith.constant 0.000000e+00 : f32
      %eq3A_244 = vector.broadcast %eq3A_243 : f32 to vector<256x1xf32>
      %eq3A_245 = arith.cmpf oeq, %add3A_236, %eq3A_244 : vector<256x1xf32>
      %jit3A_246 = arith.constant 1.000000e+00 : f32
      %broadcast_in_dim3A_247 = vector.broadcast %jit3A_246 : f32 to vector<256x1xf32>
      %select_n3A_248 = arith.select %eq3A_245, %broadcast_in_dim3A_247, %add3A_236 : vector<256x1xi1>, vector<256x1xf32>
      %div3A_249 = vector.broadcast %select_n3A_248 : vector<256x1xf32> to vector<256x64xf32>
      %div3A_250 = arith.divf %add3A_242, %div3A_249 : vector<256x64xf32>
      %add3A_251 = arith.addf %div3A_227, %div3A_250 : vector<256x64xf32>
      %mul3A_252 = arith.mulf %convert_element_type3A_212, %get3A_65 : vector<256x512xbf16>
      %convert_element_type3A_253 = arith.extf %mul3A_252 : vector<256x512xbf16> to vector<256x512xf32>
      %reduce_sum3A_254 = arith.constant dense<0.000000e+00> : vector<256xf32>
      %reduce_sum3A_255 = vector.multi_reduction <add>, %convert_element_type3A_253, %reduce_sum3A_254 [1] : vector<256x512xf32> to vector<256xf32>
      %broadcast_in_dim3A_256 = vector.shape_cast %reduce_sum3A_255 : vector<256xf32> to vector<256x1xf32>
      %dot_general3A_257 = arith.constant dense<0.000000e+00> : vector<256x64xf32>
      %dot_general3A_258 = tpu.matmul %mul3A_252, %slice3A_163, %dot_general3A_257 {dimension_numbers = #tpu.dot_dimension_numbers<[1], [0], [0], [1], [0, 0, 1, 1], [], []>, transpose_lhs_hint = false} : vector<256x512xbf16>, vector<512x64xbf16>, vector<256x64xf32> -> vector<256x64xf32>
      %eq3A_259 = arith.constant 0.000000e+00 : f32
      %eq3A_260 = vector.broadcast %eq3A_259 : f32 to vector<256x1xf32>
      %eq3A_261 = arith.cmpf oeq, %broadcast_in_dim3A_256, %eq3A_260 : vector<256x1xf32>
      %jit3A_262 = arith.constant 1.000000e+00 : f32
      %broadcast_in_dim3A_263 = vector.broadcast %jit3A_262 : f32 to vector<256x1xf32>
      %select_n3A_264 = arith.select %eq3A_261, %broadcast_in_dim3A_263, %broadcast_in_dim3A_256 : vector<256x1xi1>, vector<256x1xf32>
      %div3A_265 = vector.broadcast %select_n3A_264 : vector<256x1xf32> to vector<256x64xf32>
      %div3A_266 = arith.divf %dot_general3A_258, %div3A_265 : vector<256x64xf32>
      %add3A_267 = arith.addf %add3A_251, %div3A_266 : vector<256x64xf32>
      %concatenate3A = tpu.concatenate %add3A_160, %add3A_267 in 1 : vector<256x64xf32>, vector<256x64xf32> -> vector<256x128xf32>
      %convert_element_type3A_268 = arith.truncf %concatenate3A : vector<256x128xf32> to vector<256x128xbf16>
      %swap3A_269 = arith.constant 0 : index
      %swap3A_270 = arith.constant 0 : index
      %swap3A_271 = vector.load %arg8[%swap3A_269, %swap3A_270] : memref<256x128xbf16, #tpu.memory_space<vmem>>, vector<256x128xbf16>
      tpu.vector_store %arg8[%swap3A_269, %swap3A_270], %convert_element_type3A_268 {strides = array<i32>} : memref<256x128xbf16, #tpu.memory_space<vmem>>, vector<256x128xbf16>,
    } else {
    }
    %ge3A_4 = arith.constant 2 : i32
    %ge3A_5 = arith.cmpi sge, %arg0, %ge3A_4 : i32
    %lt3A_6 = arith.constant 4 : i32
    %lt3A_7 = arith.cmpi slt, %arg0, %lt3A_6 : i32
    %and3A_8 = arith.andi %ge3A_5, %lt3A_7 : i1
    %convert_element_type3A_9 = arith.extui %and3A_8 : i1 to i32
    %cond3A_10 = arith.constant 0 : i32
    %cond3A_11 = arith.cmpi ne, %convert_element_type3A_9, %cond3A_10 : i32
    scf.if %cond3A_11 {
      %get3A_28 = arith.constant 0 : index
      %get3A_29 = arith.constant 0 : index
      %get3A_30 = vector.load %arg3[%get3A_28, %get3A_29] : memref<256x1xi32, #tpu.memory_space<vmem>>, vector<256x1xi32>
      %get3A_31 = arith.constant 0 : index
      %get3A_32 = arith.constant 0 : index
      %get3A_33 = vector.load %arg5[%get3A_31, %get3A_32] : memref<256x1xi32, #tpu.memory_space<vmem>>, vector<256x1xi32>
      %eq3A = arith.constant 0 : i32
      %eq3A_34 = arith.cmpi eq, %arg1, %eq3A : i32
      %convert_element_type3A_35 = arith.extui %eq3A_34 : i1 to i32
      %cond3A_36 = arith.constant 0 : i32
      %cond3A_37 = arith.cmpi ne, %convert_element_type3A_35, %cond3A_36 : i32
      scf.if %cond3A_37 {
        %mul3A_252 = arith.constant 256 : i32
        %mul3A_253 = arith.muli %arg0, %mul3A_252 : i32
        %get3A_254 = arith.constant 0 : index
        %get3A_255 = arith.constant 0 : index
        %get3A_256 = vector.load %arg4[%get3A_254, %get3A_255] : memref<1x2048xi32, #tpu.memory_space<vmem>>, vector<1x1024xi32>
        %get3A_257 = arith.constant 0 : index
        %get3A_258 = arith.constant 0 : index
        %get3A_259 = vector.load %arg6[%get3A_257, %get3A_258] : memref<1x2048xi32, #tpu.memory_space<vmem>>, vector<1x1024xi32>
        %iota3A = tpu.iota {dimensions = array<i32: 0>} : vector<256x1024xi32>
        %add3A_260 = vector.broadcast %mul3A_253 : i32 to vector<256x1024xi32>
        %add3A_261 = arith.addi %add3A_260, %iota3A : vector<256x1024xi32>
        %iota3A_262 = tpu.iota {dimensions = array<i32: 1>} : vector<256x1024xi32>
        %add3A_263 = arith.constant 0 : i32
        %add3A_264 = vector.broadcast %add3A_263 : i32 to vector<256x1024xi32>
        %add3A_265 = arith.addi %add3A_264, %iota3A_262 : vector<256x1024xi32>
        %le3A = arith.cmpi sle, %add3A_265, %add3A_261 : vector<256x1024xi32>
        %eq3A_266 = vector.broadcast %get3A_33 : vector<256x1xi32> to vector<256x1024xi32>
        %eq3A_267 = vector.broadcast %get3A_259 : vector<1x1024xi32> to vector<256x1024xi32>
        %eq3A_268 = arith.cmpi eq, %eq3A_266, %eq3A_267 : vector<256x1024xi32>
        %lt3A_269 = arith.constant 129 : i32
        %lt3A_270 = vector.broadcast %lt3A_269 : i32 to vector<256x1xi32>
        %lt3A_271 = arith.cmpi slt, %get3A_33, %lt3A_270 : vector<256x1xi32>
        %and3A_272 = vector.broadcast %lt3A_271 : vector<256x1xi1> to vector<256x1024xi1>
        %and3A_273 = arith.andi %eq3A_268, %and3A_272 : vector<256x1024xi1>
        %and3A_274 = arith.andi %and3A_273, %le3A : vector<256x1024xi1>
        %sub3A_275 = vector.broadcast %get3A_30 : vector<256x1xi32> to vector<256x1024xi32>
        %sub3A_276 = vector.broadcast %get3A_256 : vector<1x1024xi32> to vector<256x1024xi32>
        %sub3A_277 = arith.subi %sub3A_275, %sub3A_276 : vector<256x1024xi32>
        %ge3A_278 = arith.constant 0 : i32
        %ge3A_279 = vector.broadcast %ge3A_278 : i32 to vector<256x1024xi32>
        %ge3A_280 = arith.cmpi sge, %sub3A_277, %ge3A_279 : vector<256x1024xi32>
        %le3A_281 = arith.constant 2 : i32
        %le3A_282 = vector.broadcast %le3A_281 : i32 to vector<256x1024xi32>
        %le3A_283 = arith.cmpi sle, %sub3A_277, %le3A_282 : vector<256x1024xi32>
        %and3A_284 = arith.andi %ge3A_280, %le3A_283 : vector<256x1024xi1>
        %eq3A_285 = arith.constant 4 : i32
        %eq3A_286 = vector.broadcast %eq3A_285 : i32 to vector<256x1024xi32>
        %eq3A_287 = arith.cmpi eq, %sub3A_277, %eq3A_286 : vector<256x1024xi32>
        %or3A = arith.ori %and3A_284, %eq3A_287 : vector<256x1024xi1>
        %lt3A_288 = arith.constant 129 : i32
        %lt3A_289 = vector.broadcast %lt3A_288 : i32 to vector<256x1xi32>
        %lt3A_290 = arith.cmpi slt, %get3A_33, %lt3A_289 : vector<256x1xi32>
        %ge3A_291 = arith.constant 0 : i32
        %ge3A_292 = vector.broadcast %ge3A_291 : i32 to vector<256x1xi32>
        %ge3A_293 = arith.cmpi sge, %get3A_30, %ge3A_292 : vector<256x1xi32>
        %and3A_294 = arith.andi %lt3A_290, %ge3A_293 : vector<256x1xi1>
        %ne3A = vector.broadcast %get3A_259 : vector<1x1024xi32> to vector<256x1024xi32>
        %ne3A_295 = vector.broadcast %get3A_33 : vector<256x1xi32> to vector<256x1024xi32>
        %ne3A_296 = arith.cmpi ne, %ne3A, %ne3A_295 : vector<256x1024xi32>
        %and3A_297 = vector.broadcast %and3A_294 : vector<256x1xi1> to vector<256x1024xi1>
        %and3A_298 = arith.andi %and3A_297, %ne3A_296 : vector<256x1024xi1>
        %lt3A_299 = arith.constant 129 : i32
        %lt3A_300 = vector.broadcast %lt3A_299 : i32 to vector<1x1024xi32>
        %lt3A_301 = arith.cmpi slt, %get3A_259, %lt3A_300 : vector<1x1024xi32>
        %and3A_302 = vector.broadcast %lt3A_301 : vector<1x1024xi1> to vector<256x1024xi1>
        %and3A_303 = arith.andi %and3A_298, %and3A_302 : vector<256x1024xi1>
        %and3A_304 = arith.andi %and3A_303, %or3A : vector<256x1024xi1>
        %eq3A_305 = arith.constant 129 : i32
        %eq3A_306 = vector.broadcast %eq3A_305 : i32 to vector<1x1024xi32>
        %eq3A_307 = arith.cmpi eq, %get3A_259, %eq3A_306 : vector<1x1024xi32>
        %eq3A_308 = arith.constant -1 : i32
        %eq3A_309 = vector.broadcast %eq3A_308 : i32 to vector<1x1024xi32>
        %eq3A_310 = arith.cmpi eq, %get3A_256, %eq3A_309 : vector<1x1024xi32>
        %or3A_311 = arith.ori %eq3A_307, %eq3A_310 : vector<1x1024xi1>
        %and3A_312 = vector.broadcast %or3A_311 : vector<1x1024xi1> to vector<256x1024xi1>
        %and3A_313 = arith.andi %and3A_312, %le3A : vector<256x1024xi1>
        %convert_element_type3A_314 = arith.extui %and3A_274 : vector<256x1024xi1> to vector<256x1024xi32>
        %convert_element_type3A_315 = arith.sitofp %convert_element_type3A_314 : vector<256x1024xi32> to vector<256x1024xf32>
        %convert_element_type3A_316 = arith.truncf %convert_element_type3A_315 : vector<256x1024xf32> to vector<256x1024xbf16>
        %swap3A_317 = arith.constant 0 : index
        %swap3A_318 = arith.constant 0 : index
        %swap3A_319 = vector.load %arg9[%swap3A_317, %swap3A_318] : memref<256x2048xbf16, #tpu.memory_space<vmem>>, vector<256x1024xbf16>
        tpu.vector_store %arg9[%swap3A_317, %swap3A_318], %convert_element_type3A_316 {strides = array<i32>} : memref<256x2048xbf16, #tpu.memory_space<vmem>>, vector<256x1024xbf16>,
        %convert_element_type3A_320 = arith.extui %and3A_304 : vector<256x1024xi1> to vector<256x1024xi32>
        %convert_element_type3A_321 = arith.sitofp %convert_element_type3A_320 : vector<256x1024xi32> to vector<256x1024xf32>
        %convert_element_type3A_322 = arith.truncf %convert_element_type3A_321 : vector<256x1024xf32> to vector<256x1024xbf16>
        %swap3A_323 = arith.constant 0 : index
        %swap3A_324 = arith.constant 0 : index
        %swap3A_325 = vector.load %arg10[%swap3A_323, %swap3A_324] : memref<256x2048xbf16, #tpu.memory_space<vmem>>, vector<256x1024xbf16>
        tpu.vector_store %arg10[%swap3A_323, %swap3A_324], %convert_element_type3A_322 {strides = array<i32>} : memref<256x2048xbf16, #tpu.memory_space<vmem>>, vector<256x1024xbf16>,
        %convert_element_type3A_326 = arith.extui %and3A_313 : vector<256x1024xi1> to vector<256x1024xi32>
        %convert_element_type3A_327 = arith.sitofp %convert_element_type3A_326 : vector<256x1024xi32> to vector<256x1024xf32>
        %convert_element_type3A_328 = arith.truncf %convert_element_type3A_327 : vector<256x1024xf32> to vector<256x1024xbf16>
        %swap3A_329 = arith.constant 0 : index
        %swap3A_330 = arith.constant 0 : index
        %swap3A_331 = vector.load %arg11[%swap3A_329, %swap3A_330] : memref<256x2048xbf16, #tpu.memory_space<vmem>>, vector<256x1024xbf16>
        tpu.vector_store %arg11[%swap3A_329, %swap3A_330], %convert_element_type3A_328 {strides = array<i32>} : memref<256x2048xbf16, #tpu.memory_space<vmem>>, vector<256x1024xbf16>,
      } else {
      }
      %mul3A = arith.constant 256 : i32
      %mul3A_38 = arith.muli %arg0, %mul3A : i32
      %mul3A_39 = arith.constant 128 : i32
      %mul3A_40 = arith.muli %arg1, %mul3A_39 : i32
      %get3A_41 = arith.index_cast %mul3A_38 : i32 to index
      %get3A_42 = arith.index_cast %mul3A_40 : i32 to index
      %get3A_43 = vector.load %arg7[%get3A_41, %get3A_42] : memref<2048x3072xbf16, #tpu.memory_space<vmem>>, vector<256x128xbf16>
      %mul3A_44 = arith.constant 128 : i32
      %mul3A_45 = arith.muli %arg1, %mul3A_44 : i32
      %add3A = arith.constant 1024 : i32
      %add3A_46 = arith.addi %add3A, %mul3A_45 : i32
      %get3A_47 = arith.constant 0 : index
      %get3A_48 = arith.index_cast %add3A_46 : i32 to index
      %get3A_49 = vector.load %arg7[%get3A_47, %get3A_48] : memref<2048x3072xbf16, #tpu.memory_space<vmem>>, vector<1024x128xbf16>
      %mul3A_50 = arith.constant 128 : i32
      %mul3A_51 = arith.muli %arg1, %mul3A_50 : i32
      %add3A_52 = arith.constant 2048 : i32
      %add3A_53 = arith.addi %add3A_52, %mul3A_51 : i32
      %get3A_54 = arith.constant 0 : index
      %get3A_55 = arith.index_cast %add3A_53 : i32 to index
      %get3A_56 = vector.load %arg7[%get3A_54, %get3A_55] : memref<2048x3072xbf16, #tpu.memory_space<vmem>>, vector<1024x128xbf16>
      %get3A_57 = arith.constant 0 : index
      %get3A_58 = arith.constant 0 : index
      %get3A_59 = vector.load %arg9[%get3A_57, %get3A_58] : memref<256x2048xbf16, #tpu.memory_space<vmem>>, vector<256x1024xbf16>
      %get3A_60 = arith.constant 0 : index
      %get3A_61 = arith.constant 0 : index
      %get3A_62 = vector.load %arg10[%get3A_60, %get3A_61] : memref<256x2048xbf16, #tpu.memory_space<vmem>>, vector<256x1024xbf16>
      %get3A_63 = arith.constant 0 : index
      %get3A_64 = arith.constant 0 : index
      %get3A_65 = vector.load %arg11[%get3A_63, %get3A_64] : memref<256x2048xbf16, #tpu.memory_space<vmem>>, vector<256x1024xbf16>
      %slice3A = vector.extract_strided_slice %get3A_43 {offsets = [0, 0], sizes = [256, 64], strides = [1, 1]} : vector<256x128xbf16> to vector<256x64xbf16>
      %slice3A_66 = vector.extract_strided_slice %get3A_49 {offsets = [0, 0], sizes = [1024, 64], strides = [1, 1]} : vector<1024x128xbf16> to vector<1024x64xbf16>
      %slice3A_67 = vector.extract_strided_slice %get3A_56 {offsets = [0, 0], sizes = [1024, 64], strides = [1, 1]} : vector<1024x128xbf16> to vector<1024x64xbf16>
      %dot_general3A = arith.constant dense<0.000000e+00> : vector<256x1024xf32>
      %dot_general3A_68 = tpu.matmul %slice3A, %slice3A_66, %dot_general3A {dimension_numbers = #tpu.dot_dimension_numbers<[1], [1], [0], [0], [0, 0, 1, 0], [], []>, transpose_lhs_hint = false} : vector<256x64xbf16>, vector<1024x64xbf16>, vector<256x1024xf32> -> vector<256x1024xf32>
      %reduce_max3A = arith.constant dense<0xFF800000> : vector<256xf32>
      %reduce_max3A_69 = vector.multi_reduction <maximumf>, %dot_general3A_68, %reduce_max3A [1] : vector<256x1024xf32> to vector<256xf32>
      %broadcast_in_dim3A = vector.shape_cast %reduce_max3A_69 : vector<256xf32> to vector<256x1xf32>
      %broadcast_in_dim3A_70 = arith.constant 0.000000e+00 : f32
      %broadcast_in_dim3A_71 = vector.broadcast %broadcast_in_dim3A_70 : f32 to vector<256x64xf32>
      %swap3A = arith.constant 0 : index
      %swap3A_72 = arith.constant 0 : index
      %swap3A_73 = vector.load %arg12[%swap3A, %swap3A_72] : memref<256x64xf32, #tpu.memory_space<vmem>>, vector<256x64xf32>
      tpu.vector_store %arg12[%swap3A, %swap3A_72], %broadcast_in_dim3A_71 {strides = array<i32>} : memref<256x64xf32, #tpu.memory_space<vmem>>, vector<256x64xf32>,
      %broadcast_in_dim3A_74 = arith.constant 0.000000e+00 : f32
      %broadcast_in_dim3A_75 = vector.broadcast %broadcast_in_dim3A_74 : f32 to vector<256x1xf32>
      %swap3A_76 = arith.constant 0 : index
      %swap3A_77 = arith.constant 0 : index
      %swap3A_78 = vector.load %arg13[%swap3A_76, %swap3A_77] : memref<256x1xf32, #tpu.memory_space<vmem>>, vector<256x1xf32>
      tpu.vector_store %arg13[%swap3A_76, %swap3A_77], %broadcast_in_dim3A_75 {strides = array<i32>} : memref<256x1xf32, #tpu.memory_space<vmem>>, vector<256x1xf32>,
      %gt3A = arith.constant 1024 : i32
      %gt3A_79 = arith.cmpi sgt, %get3A_0, %gt3A : i32
      %convert_element_type3A_80 = arith.extui %gt3A_79 : i1 to i32
      %cond3A_81 = arith.constant 0 : i32
      %cond3A_82 = arith.cmpi ne, %convert_element_type3A_80, %cond3A_81 : i32
      scf.if %cond3A_82 {
        %mul3A_252 = arith.constant 128 : i32
        %mul3A_253 = arith.muli %arg1, %mul3A_252 : i32
        %add3A_254 = arith.constant 1024 : i32
        %add3A_255 = arith.addi %add3A_254, %mul3A_253 : i32
        %get3A_256 = arith.constant 1024 : index
        %get3A_257 = arith.index_cast %add3A_255 : i32 to index
        %get3A_258 = vector.load %arg7[%get3A_256, %get3A_257] : memref<2048x3072xbf16, #tpu.memory_space<vmem>>, vector<256x128xbf16>
        %slice3A_259 = vector.extract_strided_slice %get3A_258 {offsets = [0, 0], sizes = [256, 64], strides = [1, 1]} : vector<256x128xbf16> to vector<256x64xbf16>
        %mul3A_260 = arith.constant 128 : i32
        %mul3A_261 = arith.muli %arg1, %mul3A_260 : i32
        %add3A_262 = arith.constant 2048 : i32
        %add3A_263 = arith.addi %add3A_262, %mul3A_261 : i32
        %get3A_264 = arith.constant 1024 : index
        %get3A_265 = arith.index_cast %add3A_263 : i32 to index
        %get3A_266 = vector.load %arg7[%get3A_264, %get3A_265] : memref<2048x3072xbf16, #tpu.memory_space<vmem>>, vector<256x128xbf16>
        %slice3A_267 = vector.extract_strided_slice %get3A_266 {offsets = [0, 0], sizes = [256, 64], strides = [1, 1]} : vector<256x128xbf16> to vector<256x64xbf16>
        %get3A_268 = arith.constant 0 : index
        %get3A_269 = arith.constant 1024 : index
        %get3A_270 = vector.load %arg4[%get3A_268, %get3A_269] : memref<1x2048xi32, #tpu.memory_space<vmem>>, vector<1x256xi32>
        %get3A_271 = arith.constant 0 : index
        %get3A_272 = arith.constant 1024 : index
        %get3A_273 = vector.load %arg6[%get3A_271, %get3A_272] : memref<1x2048xi32, #tpu.memory_space<vmem>>, vector<1x256xi32>
        %sub3A_274 = vector.broadcast %get3A_30 : vector<256x1xi32> to vector<256x256xi32>
        %sub3A_275 = vector.broadcast %get3A_270 : vector<1x256xi32> to vector<256x256xi32>
        %sub3A_276 = arith.subi %sub3A_274, %sub3A_275 : vector<256x256xi32>
        %ge3A_277 = arith.constant 0 : i32
        %ge3A_278 = vector.broadcast %ge3A_277 : i32 to vector<256x256xi32>
        %ge3A_279 = arith.cmpi sge, %sub3A_276, %ge3A_278 : vector<256x256xi32>
        %le3A = arith.constant 2 : i32
        %le3A_280 = vector.broadcast %le3A : i32 to vector<256x256xi32>
        %le3A_281 = arith.cmpi sle, %sub3A_276, %le3A_280 : vector<256x256xi32>
        %and3A_282 = arith.andi %ge3A_279, %le3A_281 : vector<256x256xi1>
        %eq3A_283 = arith.constant 4 : i32
        %eq3A_284 = vector.broadcast %eq3A_283 : i32 to vector<256x256xi32>
        %eq3A_285 = arith.cmpi eq, %sub3A_276, %eq3A_284 : vector<256x256xi32>
        %or3A = arith.ori %and3A_282, %eq3A_285 : vector<256x256xi1>
        %lt3A_286 = arith.constant 129 : i32
        %lt3A_287 = vector.broadcast %lt3A_286 : i32 to vector<256x1xi32>
        %lt3A_288 = arith.cmpi slt, %get3A_33, %lt3A_287 : vector<256x1xi32>
        %ge3A_289 = arith.constant 0 : i32
        %ge3A_290 = vector.broadcast %ge3A_289 : i32 to vector<256x1xi32>
        %ge3A_291 = arith.cmpi sge, %get3A_30, %ge3A_290 : vector<256x1xi32>
        %and3A_292 = arith.andi %lt3A_288, %ge3A_291 : vector<256x1xi1>
        %ne3A = vector.broadcast %get3A_273 : vector<1x256xi32> to vector<256x256xi32>
        %ne3A_293 = vector.broadcast %get3A_33 : vector<256x1xi32> to vector<256x256xi32>
        %ne3A_294 = arith.cmpi ne, %ne3A, %ne3A_293 : vector<256x256xi32>
        %and3A_295 = vector.broadcast %and3A_292 : vector<256x1xi1> to vector<256x256xi1>
        %and3A_296 = arith.andi %and3A_295, %ne3A_294 : vector<256x256xi1>
        %lt3A_297 = arith.constant 129 : i32
        %lt3A_298 = vector.broadcast %lt3A_297 : i32 to vector<1x256xi32>
        %lt3A_299 = arith.cmpi slt, %get3A_273, %lt3A_298 : vector<1x256xi32>
        %and3A_300 = vector.broadcast %lt3A_299 : vector<1x256xi1> to vector<256x256xi1>
        %and3A_301 = arith.andi %and3A_296, %and3A_300 : vector<256x256xi1>
        %and3A_302 = arith.andi %and3A_301, %or3A : vector<256x256xi1>
        %dot_general3A_303 = arith.constant dense<0.000000e+00> : vector<256x256xf32>
        %dot_general3A_304 = tpu.matmul %slice3A, %slice3A_259, %dot_general3A_303 {dimension_numbers = #tpu.dot_dimension_numbers<[1], [1], [0], [0], [0, 0, 1, 0], [], []>, transpose_lhs_hint = false} : vector<256x64xbf16>, vector<256x64xbf16>, vector<256x256xf32> -> vector<256x256xf32>
        %sub3A_305 = vector.broadcast %broadcast_in_dim3A : vector<256x1xf32> to vector<256x256xf32>
        %sub3A_306 = arith.subf %dot_general3A_304, %sub3A_305 : vector<256x256xf32>
        %min3A = arith.constant 8.000000e+01 : f32
        %min3A_307 = vector.broadcast %min3A : f32 to vector<256x256xf32>
        %min3A_308 = arith.minimumf %sub3A_306, %min3A_307 : vector<256x256xf32>
        %exp3A_309 = math.exp %min3A_308 : vector<256x256xf32>
        %convert_element_type3A_310 = arith.extui %and3A_302 : vector<256x256xi1> to vector<256x256xi32>
        %convert_element_type3A_311 = arith.sitofp %convert_element_type3A_310 : vector<256x256xi32> to vector<256x256xf32>
        %mul3A_312 = arith.mulf %exp3A_309, %convert_element_type3A_311 : vector<256x256xf32>
        %get3A_313 = arith.constant 0 : index
        %get3A_314 = arith.constant 0 : index
        %get3A_315 = vector.load %arg13[%get3A_313, %get3A_314] : memref<256x1xf32, #tpu.memory_space<vmem>>, vector<256x1xf32>
        %reduce_sum3A_316 = arith.constant dense<0.000000e+00> : vector<256xf32>
        %reduce_sum3A_317 = vector.multi_reduction <add>, %mul3A_312, %reduce_sum3A_316 [1] : vector<256x256xf32> to vector<256xf32>
        %broadcast_in_dim3A_318 = vector.shape_cast %reduce_sum3A_317 : vector<256xf32> to vector<256x1xf32>
        %add3A_319 = arith.addf %get3A_315, %broadcast_in_dim3A_318 : vector<256x1xf32>
        %swap3A_320 = arith.constant 0 : index
        %swap3A_321 = arith.constant 0 : index
        %swap3A_322 = vector.load %arg13[%swap3A_320, %swap3A_321] : memref<256x1xf32, #tpu.memory_space<vmem>>, vector<256x1xf32>
        tpu.vector_store %arg13[%swap3A_320, %swap3A_321], %add3A_319 {strides = array<i32>} : memref<256x1xf32, #tpu.memory_space<vmem>>, vector<256x1xf32>,
        %get3A_323 = arith.constant 0 : index
        %get3A_324 = arith.constant 0 : index
        %get3A_325 = vector.load %arg12[%get3A_323, %get3A_324] : memref<256x64xf32, #tpu.memory_space<vmem>>, vector<256x64xf32>
        %convert_element_type3A_326 = arith.truncf %mul3A_312 : vector<256x256xf32> to vector<256x256xbf16>
        %dot_general3A_327 = arith.constant dense<0.000000e+00> : vector<256x64xf32>
        %dot_general3A_328 = tpu.matmul %convert_element_type3A_326, %slice3A_267, %dot_general3A_327 {dimension_numbers = #tpu.dot_dimension_numbers<[1], [0], [0], [1], [0, 0, 1, 1], [], []>, transpose_lhs_hint = false} : vector<256x256xbf16>, vector<256x64xbf16>, vector<256x64xf32> -> vector<256x64xf32>
        %add3A_329 = arith.addf %get3A_325, %dot_general3A_328 : vector<256x64xf32>
        %swap3A_330 = arith.constant 0 : index
        %swap3A_331 = arith.constant 0 : index
        %swap3A_332 = vector.load %arg12[%swap3A_330, %swap3A_331] : memref<256x64xf32, #tpu.memory_space<vmem>>, vector<256x64xf32>
        tpu.vector_store %arg12[%swap3A_330, %swap3A_331], %add3A_329 {strides = array<i32>} : memref<256x64xf32, #tpu.memory_space<vmem>>, vector<256x64xf32>,
      } else {
      }
      %gt3A_83 = arith.constant 1280 : i32
      %gt3A_84 = arith.cmpi sgt, %get3A_0, %gt3A_83 : i32
      %convert_element_type3A_85 = arith.extui %gt3A_84 : i1 to i32
      %cond3A_86 = arith.constant 0 : i32
      %cond3A_87 = arith.cmpi ne, %convert_element_type3A_85, %cond3A_86 : i32
      scf.if %cond3A_87 {
        %mul3A_252 = arith.constant 128 : i32
        %mul3A_253 = arith.muli %arg1, %mul3A_252 : i32
        %add3A_254 = arith.constant 1024 : i32
        %add3A_255 = arith.addi %add3A_254, %mul3A_253 : i32
        %get3A_256 = arith.constant 1280 : index
        %get3A_257 = arith.index_cast %add3A_255 : i32 to index
        %get3A_258 = vector.load %arg7[%get3A_256, %get3A_257] : memref<2048x3072xbf16, #tpu.memory_space<vmem>>, vector<256x128xbf16>
        %slice3A_259 = vector.extract_strided_slice %get3A_258 {offsets = [0, 0], sizes = [256, 64], strides = [1, 1]} : vector<256x128xbf16> to vector<256x64xbf16>
        %mul3A_260 = arith.constant 128 : i32
        %mul3A_261 = arith.muli %arg1, %mul3A_260 : i32
        %add3A_262 = arith.constant 2048 : i32
        %add3A_263 = arith.addi %add3A_262, %mul3A_261 : i32
        %get3A_264 = arith.constant 1280 : index
        %get3A_265 = arith.index_cast %add3A_263 : i32 to index
        %get3A_266 = vector.load %arg7[%get3A_264, %get3A_265] : memref<2048x3072xbf16, #tpu.memory_space<vmem>>, vector<256x128xbf16>
        %slice3A_267 = vector.extract_strided_slice %get3A_266 {offsets = [0, 0], sizes = [256, 64], strides = [1, 1]} : vector<256x128xbf16> to vector<256x64xbf16>
        %get3A_268 = arith.constant 0 : index
        %get3A_269 = arith.constant 1280 : index
        %get3A_270 = vector.load %arg4[%get3A_268, %get3A_269] : memref<1x2048xi32, #tpu.memory_space<vmem>>, vector<1x256xi32>
        %get3A_271 = arith.constant 0 : index
        %get3A_272 = arith.constant 1280 : index
        %get3A_273 = vector.load %arg6[%get3A_271, %get3A_272] : memref<1x2048xi32, #tpu.memory_space<vmem>>, vector<1x256xi32>
        %sub3A_274 = vector.broadcast %get3A_30 : vector<256x1xi32> to vector<256x256xi32>
        %sub3A_275 = vector.broadcast %get3A_270 : vector<1x256xi32> to vector<256x256xi32>
        %sub3A_276 = arith.subi %sub3A_274, %sub3A_275 : vector<256x256xi32>
        %ge3A_277 = arith.constant 0 : i32
        %ge3A_278 = vector.broadcast %ge3A_277 : i32 to vector<256x256xi32>
        %ge3A_279 = arith.cmpi sge, %sub3A_276, %ge3A_278 : vector<256x256xi32>
        %le3A = arith.constant 2 : i32
        %le3A_280 = vector.broadcast %le3A : i32 to vector<256x256xi32>
        %le3A_281 = arith.cmpi sle, %sub3A_276, %le3A_280 : vector<256x256xi32>
        %and3A_282 = arith.andi %ge3A_279, %le3A_281 : vector<256x256xi1>
        %eq3A_283 = arith.constant 4 : i32
        %eq3A_284 = vector.broadcast %eq3A_283 : i32 to vector<256x256xi32>
        %eq3A_285 = arith.cmpi eq, %sub3A_276, %eq3A_284 : vector<256x256xi32>
        %or3A = arith.ori %and3A_282, %eq3A_285 : vector<256x256xi1>
        %lt3A_286 = arith.constant 129 : i32
        %lt3A_287 = vector.broadcast %lt3A_286 : i32 to vector<256x1xi32>
        %lt3A_288 = arith.cmpi slt, %get3A_33, %lt3A_287 : vector<256x1xi32>
        %ge3A_289 = arith.constant 0 : i32
        %ge3A_290 = vector.broadcast %ge3A_289 : i32 to vector<256x1xi32>
        %ge3A_291 = arith.cmpi sge, %get3A_30, %ge3A_290 : vector<256x1xi32>
        %and3A_292 = arith.andi %lt3A_288, %ge3A_291 : vector<256x1xi1>
        %ne3A = vector.broadcast %get3A_273 : vector<1x256xi32> to vector<256x256xi32>
        %ne3A_293 = vector.broadcast %get3A_33 : vector<256x1xi32> to vector<256x256xi32>
        %ne3A_294 = arith.cmpi ne, %ne3A, %ne3A_293 : vector<256x256xi32>
        %and3A_295 = vector.broadcast %and3A_292 : vector<256x1xi1> to vector<256x256xi1>
        %and3A_296 = arith.andi %and3A_295, %ne3A_294 : vector<256x256xi1>
        %lt3A_297 = arith.constant 129 : i32
        %lt3A_298 = vector.broadcast %lt3A_297 : i32 to vector<1x256xi32>
        %lt3A_299 = arith.cmpi slt, %get3A_273, %lt3A_298 : vector<1x256xi32>
        %and3A_300 = vector.broadcast %lt3A_299 : vector<1x256xi1> to vector<256x256xi1>
        %and3A_301 = arith.andi %and3A_296, %and3A_300 : vector<256x256xi1>
        %and3A_302 = arith.andi %and3A_301, %or3A : vector<256x256xi1>
        %dot_general3A_303 = arith.constant dense<0.000000e+00> : vector<256x256xf32>
        %dot_general3A_304 = tpu.matmul %slice3A, %slice3A_259, %dot_general3A_303 {dimension_numbers = #tpu.dot_dimension_numbers<[1], [1], [0], [0], [0, 0, 1, 0], [], []>, transpose_lhs_hint = false} : vector<256x64xbf16>, vector<256x64xbf16>, vector<256x256xf32> -> vector<256x256xf32>
        %sub3A_305 = vector.broadcast %broadcast_in_dim3A : vector<256x1xf32> to vector<256x256xf32>
        %sub3A_306 = arith.subf %dot_general3A_304, %sub3A_305 : vector<256x256xf32>
        %min3A = arith.constant 8.000000e+01 : f32
        %min3A_307 = vector.broadcast %min3A : f32 to vector<256x256xf32>
        %min3A_308 = arith.minimumf %sub3A_306, %min3A_307 : vector<256x256xf32>
        %exp3A_309 = math.exp %min3A_308 : vector<256x256xf32>
        %convert_element_type3A_310 = arith.extui %and3A_302 : vector<256x256xi1> to vector<256x256xi32>
        %convert_element_type3A_311 = arith.sitofp %convert_element_type3A_310 : vector<256x256xi32> to vector<256x256xf32>
        %mul3A_312 = arith.mulf %exp3A_309, %convert_element_type3A_311 : vector<256x256xf32>
        %get3A_313 = arith.constant 0 : index
        %get3A_314 = arith.constant 0 : index
        %get3A_315 = vector.load %arg13[%get3A_313, %get3A_314] : memref<256x1xf32, #tpu.memory_space<vmem>>, vector<256x1xf32>
        %reduce_sum3A_316 = arith.constant dense<0.000000e+00> : vector<256xf32>
        %reduce_sum3A_317 = vector.multi_reduction <add>, %mul3A_312, %reduce_sum3A_316 [1] : vector<256x256xf32> to vector<256xf32>
        %broadcast_in_dim3A_318 = vector.shape_cast %reduce_sum3A_317 : vector<256xf32> to vector<256x1xf32>
        %add3A_319 = arith.addf %get3A_315, %broadcast_in_dim3A_318 : vector<256x1xf32>
        %swap3A_320 = arith.constant 0 : index
        %swap3A_321 = arith.constant 0 : index
        %swap3A_322 = vector.load %arg13[%swap3A_320, %swap3A_321] : memref<256x1xf32, #tpu.memory_space<vmem>>, vector<256x1xf32>
        tpu.vector_store %arg13[%swap3A_320, %swap3A_321], %add3A_319 {strides = array<i32>} : memref<256x1xf32, #tpu.memory_space<vmem>>, vector<256x1xf32>,
        %get3A_323 = arith.constant 0 : index
        %get3A_324 = arith.constant 0 : index
        %get3A_325 = vector.load %arg12[%get3A_323, %get3A_324] : memref<256x64xf32, #tpu.memory_space<vmem>>, vector<256x64xf32>
        %convert_element_type3A_326 = arith.truncf %mul3A_312 : vector<256x256xf32> to vector<256x256xbf16>
        %dot_general3A_327 = arith.constant dense<0.000000e+00> : vector<256x64xf32>
        %dot_general3A_328 = tpu.matmul %convert_element_type3A_326, %slice3A_267, %dot_general3A_327 {dimension_numbers = #tpu.dot_dimension_numbers<[1], [0], [0], [1], [0, 0, 1, 1], [], []>, transpose_lhs_hint = false} : vector<256x256xbf16>, vector<256x64xbf16>, vector<256x64xf32> -> vector<256x64xf32>
        %add3A_329 = arith.addf %get3A_325, %dot_general3A_328 : vector<256x64xf32>
        %swap3A_330 = arith.constant 0 : index
        %swap3A_331 = arith.constant 0 : index
        %swap3A_332 = vector.load %arg12[%swap3A_330, %swap3A_331] : memref<256x64xf32, #tpu.memory_space<vmem>>, vector<256x64xf32>
        tpu.vector_store %arg12[%swap3A_330, %swap3A_331], %add3A_329 {strides = array<i32>} : memref<256x64xf32, #tpu.memory_space<vmem>>, vector<256x64xf32>,
      } else {
      }
      %gt3A_88 = arith.constant 1536 : i32
      %gt3A_89 = arith.cmpi sgt, %get3A_0, %gt3A_88 : i32
      %convert_element_type3A_90 = arith.extui %gt3A_89 : i1 to i32
      %cond3A_91 = arith.constant 0 : i32
      %cond3A_92 = arith.cmpi ne, %convert_element_type3A_90, %cond3A_91 : i32
      scf.if %cond3A_92 {
        %mul3A_252 = arith.constant 128 : i32
        %mul3A_253 = arith.muli %arg1, %mul3A_252 : i32
        %add3A_254 = arith.constant 1024 : i32
        %add3A_255 = arith.addi %add3A_254, %mul3A_253 : i32
        %get3A_256 = arith.constant 1536 : index
        %get3A_257 = arith.index_cast %add3A_255 : i32 to index
        %get3A_258 = vector.load %arg7[%get3A_256, %get3A_257] : memref<2048x3072xbf16, #tpu.memory_space<vmem>>, vector<256x128xbf16>
        %slice3A_259 = vector.extract_strided_slice %get3A_258 {offsets = [0, 0], sizes = [256, 64], strides = [1, 1]} : vector<256x128xbf16> to vector<256x64xbf16>
        %mul3A_260 = arith.constant 128 : i32
        %mul3A_261 = arith.muli %arg1, %mul3A_260 : i32
        %add3A_262 = arith.constant 2048 : i32
        %add3A_263 = arith.addi %add3A_262, %mul3A_261 : i32
        %get3A_264 = arith.constant 1536 : index
        %get3A_265 = arith.index_cast %add3A_263 : i32 to index
        %get3A_266 = vector.load %arg7[%get3A_264, %get3A_265] : memref<2048x3072xbf16, #tpu.memory_space<vmem>>, vector<256x128xbf16>
        %slice3A_267 = vector.extract_strided_slice %get3A_266 {offsets = [0, 0], sizes = [256, 64], strides = [1, 1]} : vector<256x128xbf16> to vector<256x64xbf16>
        %get3A_268 = arith.constant 0 : index
        %get3A_269 = arith.constant 1536 : index
        %get3A_270 = vector.load %arg4[%get3A_268, %get3A_269] : memref<1x2048xi32, #tpu.memory_space<vmem>>, vector<1x256xi32>
        %get3A_271 = arith.constant 0 : index
        %get3A_272 = arith.constant 1536 : index
        %get3A_273 = vector.load %arg6[%get3A_271, %get3A_272] : memref<1x2048xi32, #tpu.memory_space<vmem>>, vector<1x256xi32>
        %sub3A_274 = vector.broadcast %get3A_30 : vector<256x1xi32> to vector<256x256xi32>
        %sub3A_275 = vector.broadcast %get3A_270 : vector<1x256xi32> to vector<256x256xi32>
        %sub3A_276 = arith.subi %sub3A_274, %sub3A_275 : vector<256x256xi32>
        %ge3A_277 = arith.constant 0 : i32
        %ge3A_278 = vector.broadcast %ge3A_277 : i32 to vector<256x256xi32>
        %ge3A_279 = arith.cmpi sge, %sub3A_276, %ge3A_278 : vector<256x256xi32>
        %le3A = arith.constant 2 : i32
        %le3A_280 = vector.broadcast %le3A : i32 to vector<256x256xi32>
        %le3A_281 = arith.cmpi sle, %sub3A_276, %le3A_280 : vector<256x256xi32>
        %and3A_282 = arith.andi %ge3A_279, %le3A_281 : vector<256x256xi1>
        %eq3A_283 = arith.constant 4 : i32
        %eq3A_284 = vector.broadcast %eq3A_283 : i32 to vector<256x256xi32>
        %eq3A_285 = arith.cmpi eq, %sub3A_276, %eq3A_284 : vector<256x256xi32>
        %or3A = arith.ori %and3A_282, %eq3A_285 : vector<256x256xi1>
        %lt3A_286 = arith.constant 129 : i32
        %lt3A_287 = vector.broadcast %lt3A_286 : i32 to vector<256x1xi32>
        %lt3A_288 = arith.cmpi slt, %get3A_33, %lt3A_287 : vector<256x1xi32>
        %ge3A_289 = arith.constant 0 : i32
        %ge3A_290 = vector.broadcast %ge3A_289 : i32 to vector<256x1xi32>
        %ge3A_291 = arith.cmpi sge, %get3A_30, %ge3A_290 : vector<256x1xi32>
        %and3A_292 = arith.andi %lt3A_288, %ge3A_291 : vector<256x1xi1>
        %ne3A = vector.broadcast %get3A_273 : vector<1x256xi32> to vector<256x256xi32>
        %ne3A_293 = vector.broadcast %get3A_33 : vector<256x1xi32> to vector<256x256xi32>
        %ne3A_294 = arith.cmpi ne, %ne3A, %ne3A_293 : vector<256x256xi32>
        %and3A_295 = vector.broadcast %and3A_292 : vector<256x1xi1> to vector<256x256xi1>
        %and3A_296 = arith.andi %and3A_295, %ne3A_294 : vector<256x256xi1>
        %lt3A_297 = arith.constant 129 : i32
        %lt3A_298 = vector.broadcast %lt3A_297 : i32 to vector<1x256xi32>
        %lt3A_299 = arith.cmpi slt, %get3A_273, %lt3A_298 : vector<1x256xi32>
        %and3A_300 = vector.broadcast %lt3A_299 : vector<1x256xi1> to vector<256x256xi1>
        %and3A_301 = arith.andi %and3A_296, %and3A_300 : vector<256x256xi1>
        %and3A_302 = arith.andi %and3A_301, %or3A : vector<256x256xi1>
        %dot_general3A_303 = arith.constant dense<0.000000e+00> : vector<256x256xf32>
        %dot_general3A_304 = tpu.matmul %slice3A, %slice3A_259, %dot_general3A_303 {dimension_numbers = #tpu.dot_dimension_numbers<[1], [1], [0], [0], [0, 0, 1, 0], [], []>, transpose_lhs_hint = false} : vector<256x64xbf16>, vector<256x64xbf16>, vector<256x256xf32> -> vector<256x256xf32>
        %sub3A_305 = vector.broadcast %broadcast_in_dim3A : vector<256x1xf32> to vector<256x256xf32>
        %sub3A_306 = arith.subf %dot_general3A_304, %sub3A_305 : vector<256x256xf32>
        %min3A = arith.constant 8.000000e+01 : f32
        %min3A_307 = vector.broadcast %min3A : f32 to vector<256x256xf32>
        %min3A_308 = arith.minimumf %sub3A_306, %min3A_307 : vector<256x256xf32>
        %exp3A_309 = math.exp %min3A_308 : vector<256x256xf32>
        %convert_element_type3A_310 = arith.extui %and3A_302 : vector<256x256xi1> to vector<256x256xi32>
        %convert_element_type3A_311 = arith.sitofp %convert_element_type3A_310 : vector<256x256xi32> to vector<256x256xf32>
        %mul3A_312 = arith.mulf %exp3A_309, %convert_element_type3A_311 : vector<256x256xf32>
        %get3A_313 = arith.constant 0 : index
        %get3A_314 = arith.constant 0 : index
        %get3A_315 = vector.load %arg13[%get3A_313, %get3A_314] : memref<256x1xf32, #tpu.memory_space<vmem>>, vector<256x1xf32>
        %reduce_sum3A_316 = arith.constant dense<0.000000e+00> : vector<256xf32>
        %reduce_sum3A_317 = vector.multi_reduction <add>, %mul3A_312, %reduce_sum3A_316 [1] : vector<256x256xf32> to vector<256xf32>
        %broadcast_in_dim3A_318 = vector.shape_cast %reduce_sum3A_317 : vector<256xf32> to vector<256x1xf32>
        %add3A_319 = arith.addf %get3A_315, %broadcast_in_dim3A_318 : vector<256x1xf32>
        %swap3A_320 = arith.constant 0 : index
        %swap3A_321 = arith.constant 0 : index
        %swap3A_322 = vector.load %arg13[%swap3A_320, %swap3A_321] : memref<256x1xf32, #tpu.memory_space<vmem>>, vector<256x1xf32>
        tpu.vector_store %arg13[%swap3A_320, %swap3A_321], %add3A_319 {strides = array<i32>} : memref<256x1xf32, #tpu.memory_space<vmem>>, vector<256x1xf32>,
        %get3A_323 = arith.constant 0 : index
        %get3A_324 = arith.constant 0 : index
        %get3A_325 = vector.load %arg12[%get3A_323, %get3A_324] : memref<256x64xf32, #tpu.memory_space<vmem>>, vector<256x64xf32>
        %convert_element_type3A_326 = arith.truncf %mul3A_312 : vector<256x256xf32> to vector<256x256xbf16>
        %dot_general3A_327 = arith.constant dense<0.000000e+00> : vector<256x64xf32>
        %dot_general3A_328 = tpu.matmul %convert_element_type3A_326, %slice3A_267, %dot_general3A_327 {dimension_numbers = #tpu.dot_dimension_numbers<[1], [0], [0], [1], [0, 0, 1, 1], [], []>, transpose_lhs_hint = false} : vector<256x256xbf16>, vector<256x64xbf16>, vector<256x64xf32> -> vector<256x64xf32>
        %add3A_329 = arith.addf %get3A_325, %dot_general3A_328 : vector<256x64xf32>
        %swap3A_330 = arith.constant 0 : index
        %swap3A_331 = arith.constant 0 : index
        %swap3A_332 = vector.load %arg12[%swap3A_330, %swap3A_331] : memref<256x64xf32, #tpu.memory_space<vmem>>, vector<256x64xf32>
        tpu.vector_store %arg12[%swap3A_330, %swap3A_331], %add3A_329 {strides = array<i32>} : memref<256x64xf32, #tpu.memory_space<vmem>>, vector<256x64xf32>,
      } else {
      }
      %gt3A_93 = arith.constant 1792 : i32
      %gt3A_94 = arith.cmpi sgt, %get3A_0, %gt3A_93 : i32
      %convert_element_type3A_95 = arith.extui %gt3A_94 : i1 to i32
      %cond3A_96 = arith.constant 0 : i32
      %cond3A_97 = arith.cmpi ne, %convert_element_type3A_95, %cond3A_96 : i32
      scf.if %cond3A_97 {
        %mul3A_252 = arith.constant 128 : i32
        %mul3A_253 = arith.muli %arg1, %mul3A_252 : i32
        %add3A_254 = arith.constant 1024 : i32
        %add3A_255 = arith.addi %add3A_254, %mul3A_253 : i32
        %get3A_256 = arith.constant 1792 : index
        %get3A_257 = arith.index_cast %add3A_255 : i32 to index
        %get3A_258 = vector.load %arg7[%get3A_256, %get3A_257] : memref<2048x3072xbf16, #tpu.memory_space<vmem>>, vector<256x128xbf16>
        %slice3A_259 = vector.extract_strided_slice %get3A_258 {offsets = [0, 0], sizes = [256, 64], strides = [1, 1]} : vector<256x128xbf16> to vector<256x64xbf16>
        %mul3A_260 = arith.constant 128 : i32
        %mul3A_261 = arith.muli %arg1, %mul3A_260 : i32
        %add3A_262 = arith.constant 2048 : i32
        %add3A_263 = arith.addi %add3A_262, %mul3A_261 : i32
        %get3A_264 = arith.constant 1792 : index
        %get3A_265 = arith.index_cast %add3A_263 : i32 to index
        %get3A_266 = vector.load %arg7[%get3A_264, %get3A_265] : memref<2048x3072xbf16, #tpu.memory_space<vmem>>, vector<256x128xbf16>
        %slice3A_267 = vector.extract_strided_slice %get3A_266 {offsets = [0, 0], sizes = [256, 64], strides = [1, 1]} : vector<256x128xbf16> to vector<256x64xbf16>
        %get3A_268 = arith.constant 0 : index
        %get3A_269 = arith.constant 1792 : index
        %get3A_270 = vector.load %arg4[%get3A_268, %get3A_269] : memref<1x2048xi32, #tpu.memory_space<vmem>>, vector<1x256xi32>
        %get3A_271 = arith.constant 0 : index
        %get3A_272 = arith.constant 1792 : index
        %get3A_273 = vector.load %arg6[%get3A_271, %get3A_272] : memref<1x2048xi32, #tpu.memory_space<vmem>>, vector<1x256xi32>
        %sub3A_274 = vector.broadcast %get3A_30 : vector<256x1xi32> to vector<256x256xi32>
        %sub3A_275 = vector.broadcast %get3A_270 : vector<1x256xi32> to vector<256x256xi32>
        %sub3A_276 = arith.subi %sub3A_274, %sub3A_275 : vector<256x256xi32>
        %ge3A_277 = arith.constant 0 : i32
        %ge3A_278 = vector.broadcast %ge3A_277 : i32 to vector<256x256xi32>
        %ge3A_279 = arith.cmpi sge, %sub3A_276, %ge3A_278 : vector<256x256xi32>
        %le3A = arith.constant 2 : i32
        %le3A_280 = vector.broadcast %le3A : i32 to vector<256x256xi32>
        %le3A_281 = arith.cmpi sle, %sub3A_276, %le3A_280 : vector<256x256xi32>
        %and3A_282 = arith.andi %ge3A_279, %le3A_281 : vector<256x256xi1>
        %eq3A_283 = arith.constant 4 : i32
        %eq3A_284 = vector.broadcast %eq3A_283 : i32 to vector<256x256xi32>
        %eq3A_285 = arith.cmpi eq, %sub3A_276, %eq3A_284 : vector<256x256xi32>
        %or3A = arith.ori %and3A_282, %eq3A_285 : vector<256x256xi1>
        %lt3A_286 = arith.constant 129 : i32
        %lt3A_287 = vector.broadcast %lt3A_286 : i32 to vector<256x1xi32>
        %lt3A_288 = arith.cmpi slt, %get3A_33, %lt3A_287 : vector<256x1xi32>
        %ge3A_289 = arith.constant 0 : i32
        %ge3A_290 = vector.broadcast %ge3A_289 : i32 to vector<256x1xi32>
        %ge3A_291 = arith.cmpi sge, %get3A_30, %ge3A_290 : vector<256x1xi32>
        %and3A_292 = arith.andi %lt3A_288, %ge3A_291 : vector<256x1xi1>
        %ne3A = vector.broadcast %get3A_273 : vector<1x256xi32> to vector<256x256xi32>
        %ne3A_293 = vector.broadcast %get3A_33 : vector<256x1xi32> to vector<256x256xi32>
        %ne3A_294 = arith.cmpi ne, %ne3A, %ne3A_293 : vector<256x256xi32>
        %and3A_295 = vector.broadcast %and3A_292 : vector<256x1xi1> to vector<256x256xi1>
        %and3A_296 = arith.andi %and3A_295, %ne3A_294 : vector<256x256xi1>
        %lt3A_297 = arith.constant 129 : i32
        %lt3A_298 = vector.broadcast %lt3A_297 : i32 to vector<1x256xi32>
        %lt3A_299 = arith.cmpi slt, %get3A_273, %lt3A_298 : vector<1x256xi32>
        %and3A_300 = vector.broadcast %lt3A_299 : vector<1x256xi1> to vector<256x256xi1>
        %and3A_301 = arith.andi %and3A_296, %and3A_300 : vector<256x256xi1>
        %and3A_302 = arith.andi %and3A_301, %or3A : vector<256x256xi1>
        %dot_general3A_303 = arith.constant dense<0.000000e+00> : vector<256x256xf32>
        %dot_general3A_304 = tpu.matmul %slice3A, %slice3A_259, %dot_general3A_303 {dimension_numbers = #tpu.dot_dimension_numbers<[1], [1], [0], [0], [0, 0, 1, 0], [], []>, transpose_lhs_hint = false} : vector<256x64xbf16>, vector<256x64xbf16>, vector<256x256xf32> -> vector<256x256xf32>
        %sub3A_305 = vector.broadcast %broadcast_in_dim3A : vector<256x1xf32> to vector<256x256xf32>
        %sub3A_306 = arith.subf %dot_general3A_304, %sub3A_305 : vector<256x256xf32>
        %min3A = arith.constant 8.000000e+01 : f32
        %min3A_307 = vector.broadcast %min3A : f32 to vector<256x256xf32>
        %min3A_308 = arith.minimumf %sub3A_306, %min3A_307 : vector<256x256xf32>
        %exp3A_309 = math.exp %min3A_308 : vector<256x256xf32>
        %convert_element_type3A_310 = arith.extui %and3A_302 : vector<256x256xi1> to vector<256x256xi32>
        %convert_element_type3A_311 = arith.sitofp %convert_element_type3A_310 : vector<256x256xi32> to vector<256x256xf32>
        %mul3A_312 = arith.mulf %exp3A_309, %convert_element_type3A_311 : vector<256x256xf32>
        %get3A_313 = arith.constant 0 : index
        %get3A_314 = arith.constant 0 : index
        %get3A_315 = vector.load %arg13[%get3A_313, %get3A_314] : memref<256x1xf32, #tpu.memory_space<vmem>>, vector<256x1xf32>
        %reduce_sum3A_316 = arith.constant dense<0.000000e+00> : vector<256xf32>
        %reduce_sum3A_317 = vector.multi_reduction <add>, %mul3A_312, %reduce_sum3A_316 [1] : vector<256x256xf32> to vector<256xf32>
        %broadcast_in_dim3A_318 = vector.shape_cast %reduce_sum3A_317 : vector<256xf32> to vector<256x1xf32>
        %add3A_319 = arith.addf %get3A_315, %broadcast_in_dim3A_318 : vector<256x1xf32>
        %swap3A_320 = arith.constant 0 : index
        %swap3A_321 = arith.constant 0 : index
        %swap3A_322 = vector.load %arg13[%swap3A_320, %swap3A_321] : memref<256x1xf32, #tpu.memory_space<vmem>>, vector<256x1xf32>
        tpu.vector_store %arg13[%swap3A_320, %swap3A_321], %add3A_319 {strides = array<i32>} : memref<256x1xf32, #tpu.memory_space<vmem>>, vector<256x1xf32>,
        %get3A_323 = arith.constant 0 : index
        %get3A_324 = arith.constant 0 : index
        %get3A_325 = vector.load %arg12[%get3A_323, %get3A_324] : memref<256x64xf32, #tpu.memory_space<vmem>>, vector<256x64xf32>
        %convert_element_type3A_326 = arith.truncf %mul3A_312 : vector<256x256xf32> to vector<256x256xbf16>
        %dot_general3A_327 = arith.constant dense<0.000000e+00> : vector<256x64xf32>
        %dot_general3A_328 = tpu.matmul %convert_element_type3A_326, %slice3A_267, %dot_general3A_327 {dimension_numbers = #tpu.dot_dimension_numbers<[1], [0], [0], [1], [0, 0, 1, 1], [], []>, transpose_lhs_hint = false} : vector<256x256xbf16>, vector<256x64xbf16>, vector<256x64xf32> -> vector<256x64xf32>
        %add3A_329 = arith.addf %get3A_325, %dot_general3A_328 : vector<256x64xf32>
        %swap3A_330 = arith.constant 0 : index
        %swap3A_331 = arith.constant 0 : index
        %swap3A_332 = vector.load %arg12[%swap3A_330, %swap3A_331] : memref<256x64xf32, #tpu.memory_space<vmem>>, vector<256x64xf32>
        tpu.vector_store %arg12[%swap3A_330, %swap3A_331], %add3A_329 {strides = array<i32>} : memref<256x64xf32, #tpu.memory_space<vmem>>, vector<256x64xf32>,
      } else {
      }
      %sub3A = vector.broadcast %broadcast_in_dim3A : vector<256x1xf32> to vector<256x1024xf32>
      %sub3A_98 = arith.subf %dot_general3A_68, %sub3A : vector<256x1024xf32>
      %exp3A = math.exp %sub3A_98 : vector<256x1024xf32>
      %convert_element_type3A_99 = arith.truncf %exp3A : vector<256x1024xf32> to vector<256x1024xbf16>
      %mul3A_100 = arith.mulf %convert_element_type3A_99, %get3A_59 : vector<256x1024xbf16>
      %convert_element_type3A_101 = arith.extf %mul3A_100 : vector<256x1024xbf16> to vector<256x1024xf32>
      %reduce_sum3A = arith.constant dense<0.000000e+00> : vector<256xf32>
      %reduce_sum3A_102 = vector.multi_reduction <add>, %convert_element_type3A_101, %reduce_sum3A [1] : vector<256x1024xf32> to vector<256xf32>
      %broadcast_in_dim3A_103 = vector.shape_cast %reduce_sum3A_102 : vector<256xf32> to vector<256x1xf32>
      %dot_general3A_104 = arith.constant dense<0.000000e+00> : vector<256x64xf32>
      %dot_general3A_105 = tpu.matmul %mul3A_100, %slice3A_67, %dot_general3A_104 {dimension_numbers = #tpu.dot_dimension_numbers<[1], [0], [0], [1], [0, 0, 1, 1], [], []>, transpose_lhs_hint = false} : vector<256x1024xbf16>, vector<1024x64xbf16>, vector<256x64xf32> -> vector<256x64xf32>
      %eq3A_106 = arith.constant 0.000000e+00 : f32
      %eq3A_107 = vector.broadcast %eq3A_106 : f32 to vector<256x1xf32>
      %eq3A_108 = arith.cmpf oeq, %broadcast_in_dim3A_103, %eq3A_107 : vector<256x1xf32>
      %jit3A = arith.constant 1.000000e+00 : f32
      %broadcast_in_dim3A_109 = vector.broadcast %jit3A : f32 to vector<256x1xf32>
      %select_n3A = arith.select %eq3A_108, %broadcast_in_dim3A_109, %broadcast_in_dim3A_103 : vector<256x1xi1>, vector<256x1xf32>
      %div3A = vector.broadcast %select_n3A : vector<256x1xf32> to vector<256x64xf32>
      %div3A_110 = arith.divf %dot_general3A_105, %div3A : vector<256x64xf32>
      %mul3A_111 = arith.mulf %convert_element_type3A_99, %get3A_62 : vector<256x1024xbf16>
      %convert_element_type3A_112 = arith.extf %mul3A_111 : vector<256x1024xbf16> to vector<256x1024xf32>
      %reduce_sum3A_113 = arith.constant dense<0.000000e+00> : vector<256xf32>
      %reduce_sum3A_114 = vector.multi_reduction <add>, %convert_element_type3A_112, %reduce_sum3A_113 [1] : vector<256x1024xf32> to vector<256xf32>
      %broadcast_in_dim3A_115 = vector.shape_cast %reduce_sum3A_114 : vector<256xf32> to vector<256x1xf32>
      %get3A_116 = arith.constant 0 : index
      %get3A_117 = arith.constant 0 : index
      %get3A_118 = vector.load %arg13[%get3A_116, %get3A_117] : memref<256x1xf32, #tpu.memory_space<vmem>>, vector<256x1xf32>
      %add3A_119 = arith.addf %broadcast_in_dim3A_115, %get3A_118 : vector<256x1xf32>
      %dot_general3A_120 = arith.constant dense<0.000000e+00> : vector<256x64xf32>
      %dot_general3A_121 = tpu.matmul %mul3A_111, %slice3A_67, %dot_general3A_120 {dimension_numbers = #tpu.dot_dimension_numbers<[1], [0], [0], [1], [0, 0, 1, 1], [], []>, transpose_lhs_hint = false} : vector<256x1024xbf16>, vector<1024x64xbf16>, vector<256x64xf32> -> vector<256x64xf32>
      %get3A_122 = arith.constant 0 : index
      %get3A_123 = arith.constant 0 : index
      %get3A_124 = vector.load %arg12[%get3A_122, %get3A_123] : memref<256x64xf32, #tpu.memory_space<vmem>>, vector<256x64xf32>
      %add3A_125 = arith.addf %dot_general3A_121, %get3A_124 : vector<256x64xf32>
      %eq3A_126 = arith.constant 0.000000e+00 : f32
      %eq3A_127 = vector.broadcast %eq3A_126 : f32 to vector<256x1xf32>
      %eq3A_128 = arith.cmpf oeq, %add3A_119, %eq3A_127 : vector<256x1xf32>
      %jit3A_129 = arith.constant 1.000000e+00 : f32
      %broadcast_in_dim3A_130 = vector.broadcast %jit3A_129 : f32 to vector<256x1xf32>
      %select_n3A_131 = arith.select %eq3A_128, %broadcast_in_dim3A_130, %add3A_119 : vector<256x1xi1>, vector<256x1xf32>
      %div3A_132 = vector.broadcast %select_n3A_131 : vector<256x1xf32> to vector<256x64xf32>
      %div3A_133 = arith.divf %add3A_125, %div3A_132 : vector<256x64xf32>
      %add3A_134 = arith.addf %div3A_110, %div3A_133 : vector<256x64xf32>
      %mul3A_135 = arith.mulf %convert_element_type3A_99, %get3A_65 : vector<256x1024xbf16>
      %convert_element_type3A_136 = arith.extf %mul3A_135 : vector<256x1024xbf16> to vector<256x1024xf32>
      %reduce_sum3A_137 = arith.constant dense<0.000000e+00> : vector<256xf32>
      %reduce_sum3A_138 = vector.multi_reduction <add>, %convert_element_type3A_136, %reduce_sum3A_137 [1] : vector<256x1024xf32> to vector<256xf32>
      %broadcast_in_dim3A_139 = vector.shape_cast %reduce_sum3A_138 : vector<256xf32> to vector<256x1xf32>
      %dot_general3A_140 = arith.constant dense<0.000000e+00> : vector<256x64xf32>
      %dot_general3A_141 = tpu.matmul %mul3A_135, %slice3A_67, %dot_general3A_140 {dimension_numbers = #tpu.dot_dimension_numbers<[1], [0], [0], [1], [0, 0, 1, 1], [], []>, transpose_lhs_hint = false} : vector<256x1024xbf16>, vector<1024x64xbf16>, vector<256x64xf32> -> vector<256x64xf32>
      %eq3A_142 = arith.constant 0.000000e+00 : f32
      %eq3A_143 = vector.broadcast %eq3A_142 : f32 to vector<256x1xf32>
      %eq3A_144 = arith.cmpf oeq, %broadcast_in_dim3A_139, %eq3A_143 : vector<256x1xf32>
      %jit3A_145 = arith.constant 1.000000e+00 : f32
      %broadcast_in_dim3A_146 = vector.broadcast %jit3A_145 : f32 to vector<256x1xf32>
      %select_n3A_147 = arith.select %eq3A_144, %broadcast_in_dim3A_146, %broadcast_in_dim3A_139 : vector<256x1xi1>, vector<256x1xf32>
      %div3A_148 = vector.broadcast %select_n3A_147 : vector<256x1xf32> to vector<256x64xf32>
      %div3A_149 = arith.divf %dot_general3A_141, %div3A_148 : vector<256x64xf32>
      %add3A_150 = arith.addf %add3A_134, %div3A_149 : vector<256x64xf32>
      %slice3A_151 = vector.extract_strided_slice %get3A_43 {offsets = [0, 64], sizes = [256, 64], strides = [1, 1]} : vector<256x128xbf16> to vector<256x64xbf16>
      %slice3A_152 = vector.extract_strided_slice %get3A_49 {offsets = [0, 64], sizes = [1024, 64], strides = [1, 1]} : vector<1024x128xbf16> to vector<1024x64xbf16>
      %slice3A_153 = vector.extract_strided_slice %get3A_56 {offsets = [0, 64], sizes = [1024, 64], strides = [1, 1]} : vector<1024x128xbf16> to vector<1024x64xbf16>
      %dot_general3A_154 = arith.constant dense<0.000000e+00> : vector<256x1024xf32>
      %dot_general3A_155 = tpu.matmul %slice3A_151, %slice3A_152, %dot_general3A_154 {dimension_numbers = #tpu.dot_dimension_numbers<[1], [1], [0], [0], [0, 0, 1, 0], [], []>, transpose_lhs_hint = false} : vector<256x64xbf16>, vector<1024x64xbf16>, vector<256x1024xf32> -> vector<256x1024xf32>
      %reduce_max3A_156 = arith.constant dense<0xFF800000> : vector<256xf32>
      %reduce_max3A_157 = vector.multi_reduction <maximumf>, %dot_general3A_155, %reduce_max3A_156 [1] : vector<256x1024xf32> to vector<256xf32>
      %broadcast_in_dim3A_158 = vector.shape_cast %reduce_max3A_157 : vector<256xf32> to vector<256x1xf32>
      %broadcast_in_dim3A_159 = arith.constant 0.000000e+00 : f32
      %broadcast_in_dim3A_160 = vector.broadcast %broadcast_in_dim3A_159 : f32 to vector<256x64xf32>
      %swap3A_161 = arith.constant 0 : index
      %swap3A_162 = arith.constant 0 : index
      %swap3A_163 = vector.load %arg12[%swap3A_161, %swap3A_162] : memref<256x64xf32, #tpu.memory_space<vmem>>, vector<256x64xf32>
      tpu.vector_store %arg12[%swap3A_161, %swap3A_162], %broadcast_in_dim3A_160 {strides = array<i32>} : memref<256x64xf32, #tpu.memory_space<vmem>>, vector<256x64xf32>,
      %broadcast_in_dim3A_164 = arith.constant 0.000000e+00 : f32
      %broadcast_in_dim3A_165 = vector.broadcast %broadcast_in_dim3A_164 : f32 to vector<256x1xf32>
      %swap3A_166 = arith.constant 0 : index
      %swap3A_167 = arith.constant 0 : index
      %swap3A_168 = vector.load %arg13[%swap3A_166, %swap3A_167] : memref<256x1xf32, #tpu.memory_space<vmem>>, vector<256x1xf32>
      tpu.vector_store %arg13[%swap3A_166, %swap3A_167], %broadcast_in_dim3A_165 {strides = array<i32>} : memref<256x1xf32, #tpu.memory_space<vmem>>, vector<256x1xf32>,
      %gt3A_169 = arith.constant 1024 : i32
      %gt3A_170 = arith.cmpi sgt, %get3A_0, %gt3A_169 : i32
      %convert_element_type3A_171 = arith.extui %gt3A_170 : i1 to i32
      %cond3A_172 = arith.constant 0 : i32
      %cond3A_173 = arith.cmpi ne, %convert_element_type3A_171, %cond3A_172 : i32
      scf.if %cond3A_173 {
        %mul3A_252 = arith.constant 128 : i32
        %mul3A_253 = arith.muli %arg1, %mul3A_252 : i32
        %add3A_254 = arith.constant 1024 : i32
        %add3A_255 = arith.addi %add3A_254, %mul3A_253 : i32
        %get3A_256 = arith.constant 1024 : index
        %get3A_257 = arith.index_cast %add3A_255 : i32 to index
        %get3A_258 = vector.load %arg7[%get3A_256, %get3A_257] : memref<2048x3072xbf16, #tpu.memory_space<vmem>>, vector<256x128xbf16>
        %slice3A_259 = vector.extract_strided_slice %get3A_258 {offsets = [0, 64], sizes = [256, 64], strides = [1, 1]} : vector<256x128xbf16> to vector<256x64xbf16>
        %mul3A_260 = arith.constant 128 : i32
        %mul3A_261 = arith.muli %arg1, %mul3A_260 : i32
        %add3A_262 = arith.constant 2048 : i32
        %add3A_263 = arith.addi %add3A_262, %mul3A_261 : i32
        %get3A_264 = arith.constant 1024 : index
        %get3A_265 = arith.index_cast %add3A_263 : i32 to index
        %get3A_266 = vector.load %arg7[%get3A_264, %get3A_265] : memref<2048x3072xbf16, #tpu.memory_space<vmem>>, vector<256x128xbf16>
        %slice3A_267 = vector.extract_strided_slice %get3A_266 {offsets = [0, 64], sizes = [256, 64], strides = [1, 1]} : vector<256x128xbf16> to vector<256x64xbf16>
        %get3A_268 = arith.constant 0 : index
        %get3A_269 = arith.constant 1024 : index
        %get3A_270 = vector.load %arg4[%get3A_268, %get3A_269] : memref<1x2048xi32, #tpu.memory_space<vmem>>, vector<1x256xi32>
        %get3A_271 = arith.constant 0 : index
        %get3A_272 = arith.constant 1024 : index
        %get3A_273 = vector.load %arg6[%get3A_271, %get3A_272] : memref<1x2048xi32, #tpu.memory_space<vmem>>, vector<1x256xi32>
        %sub3A_274 = vector.broadcast %get3A_30 : vector<256x1xi32> to vector<256x256xi32>
        %sub3A_275 = vector.broadcast %get3A_270 : vector<1x256xi32> to vector<256x256xi32>
        %sub3A_276 = arith.subi %sub3A_274, %sub3A_275 : vector<256x256xi32>
        %ge3A_277 = arith.constant 0 : i32
        %ge3A_278 = vector.broadcast %ge3A_277 : i32 to vector<256x256xi32>
        %ge3A_279 = arith.cmpi sge, %sub3A_276, %ge3A_278 : vector<256x256xi32>
        %le3A = arith.constant 2 : i32
        %le3A_280 = vector.broadcast %le3A : i32 to vector<256x256xi32>
        %le3A_281 = arith.cmpi sle, %sub3A_276, %le3A_280 : vector<256x256xi32>
        %and3A_282 = arith.andi %ge3A_279, %le3A_281 : vector<256x256xi1>
        %eq3A_283 = arith.constant 4 : i32
        %eq3A_284 = vector.broadcast %eq3A_283 : i32 to vector<256x256xi32>
        %eq3A_285 = arith.cmpi eq, %sub3A_276, %eq3A_284 : vector<256x256xi32>
        %or3A = arith.ori %and3A_282, %eq3A_285 : vector<256x256xi1>
        %lt3A_286 = arith.constant 129 : i32
        %lt3A_287 = vector.broadcast %lt3A_286 : i32 to vector<256x1xi32>
        %lt3A_288 = arith.cmpi slt, %get3A_33, %lt3A_287 : vector<256x1xi32>
        %ge3A_289 = arith.constant 0 : i32
        %ge3A_290 = vector.broadcast %ge3A_289 : i32 to vector<256x1xi32>
        %ge3A_291 = arith.cmpi sge, %get3A_30, %ge3A_290 : vector<256x1xi32>
        %and3A_292 = arith.andi %lt3A_288, %ge3A_291 : vector<256x1xi1>
        %ne3A = vector.broadcast %get3A_273 : vector<1x256xi32> to vector<256x256xi32>
        %ne3A_293 = vector.broadcast %get3A_33 : vector<256x1xi32> to vector<256x256xi32>
        %ne3A_294 = arith.cmpi ne, %ne3A, %ne3A_293 : vector<256x256xi32>
        %and3A_295 = vector.broadcast %and3A_292 : vector<256x1xi1> to vector<256x256xi1>
        %and3A_296 = arith.andi %and3A_295, %ne3A_294 : vector<256x256xi1>
        %lt3A_297 = arith.constant 129 : i32
        %lt3A_298 = vector.broadcast %lt3A_297 : i32 to vector<1x256xi32>
        %lt3A_299 = arith.cmpi slt, %get3A_273, %lt3A_298 : vector<1x256xi32>
        %and3A_300 = vector.broadcast %lt3A_299 : vector<1x256xi1> to vector<256x256xi1>
        %and3A_301 = arith.andi %and3A_296, %and3A_300 : vector<256x256xi1>
        %and3A_302 = arith.andi %and3A_301, %or3A : vector<256x256xi1>
        %dot_general3A_303 = arith.constant dense<0.000000e+00> : vector<256x256xf32>
        %dot_general3A_304 = tpu.matmul %slice3A_151, %slice3A_259, %dot_general3A_303 {dimension_numbers = #tpu.dot_dimension_numbers<[1], [1], [0], [0], [0, 0, 1, 0], [], []>, transpose_lhs_hint = false} : vector<256x64xbf16>, vector<256x64xbf16>, vector<256x256xf32> -> vector<256x256xf32>
        %sub3A_305 = vector.broadcast %broadcast_in_dim3A_158 : vector<256x1xf32> to vector<256x256xf32>
        %sub3A_306 = arith.subf %dot_general3A_304, %sub3A_305 : vector<256x256xf32>
        %min3A = arith.constant 8.000000e+01 : f32
        %min3A_307 = vector.broadcast %min3A : f32 to vector<256x256xf32>
        %min3A_308 = arith.minimumf %sub3A_306, %min3A_307 : vector<256x256xf32>
        %exp3A_309 = math.exp %min3A_308 : vector<256x256xf32>
        %convert_element_type3A_310 = arith.extui %and3A_302 : vector<256x256xi1> to vector<256x256xi32>
        %convert_element_type3A_311 = arith.sitofp %convert_element_type3A_310 : vector<256x256xi32> to vector<256x256xf32>
        %mul3A_312 = arith.mulf %exp3A_309, %convert_element_type3A_311 : vector<256x256xf32>
        %get3A_313 = arith.constant 0 : index
        %get3A_314 = arith.constant 0 : index
        %get3A_315 = vector.load %arg13[%get3A_313, %get3A_314] : memref<256x1xf32, #tpu.memory_space<vmem>>, vector<256x1xf32>
        %reduce_sum3A_316 = arith.constant dense<0.000000e+00> : vector<256xf32>
        %reduce_sum3A_317 = vector.multi_reduction <add>, %mul3A_312, %reduce_sum3A_316 [1] : vector<256x256xf32> to vector<256xf32>
        %broadcast_in_dim3A_318 = vector.shape_cast %reduce_sum3A_317 : vector<256xf32> to vector<256x1xf32>
        %add3A_319 = arith.addf %get3A_315, %broadcast_in_dim3A_318 : vector<256x1xf32>
        %swap3A_320 = arith.constant 0 : index
        %swap3A_321 = arith.constant 0 : index
        %swap3A_322 = vector.load %arg13[%swap3A_320, %swap3A_321] : memref<256x1xf32, #tpu.memory_space<vmem>>, vector<256x1xf32>
        tpu.vector_store %arg13[%swap3A_320, %swap3A_321], %add3A_319 {strides = array<i32>} : memref<256x1xf32, #tpu.memory_space<vmem>>, vector<256x1xf32>,
        %get3A_323 = arith.constant 0 : index
        %get3A_324 = arith.constant 0 : index
        %get3A_325 = vector.load %arg12[%get3A_323, %get3A_324] : memref<256x64xf32, #tpu.memory_space<vmem>>, vector<256x64xf32>
        %convert_element_type3A_326 = arith.truncf %mul3A_312 : vector<256x256xf32> to vector<256x256xbf16>
        %dot_general3A_327 = arith.constant dense<0.000000e+00> : vector<256x64xf32>
        %dot_general3A_328 = tpu.matmul %convert_element_type3A_326, %slice3A_267, %dot_general3A_327 {dimension_numbers = #tpu.dot_dimension_numbers<[1], [0], [0], [1], [0, 0, 1, 1], [], []>, transpose_lhs_hint = false} : vector<256x256xbf16>, vector<256x64xbf16>, vector<256x64xf32> -> vector<256x64xf32>
        %add3A_329 = arith.addf %get3A_325, %dot_general3A_328 : vector<256x64xf32>
        %swap3A_330 = arith.constant 0 : index
        %swap3A_331 = arith.constant 0 : index
        %swap3A_332 = vector.load %arg12[%swap3A_330, %swap3A_331] : memref<256x64xf32, #tpu.memory_space<vmem>>, vector<256x64xf32>
        tpu.vector_store %arg12[%swap3A_330, %swap3A_331], %add3A_329 {strides = array<i32>} : memref<256x64xf32, #tpu.memory_space<vmem>>, vector<256x64xf32>,
      } else {
      }
      %gt3A_174 = arith.constant 1280 : i32
      %gt3A_175 = arith.cmpi sgt, %get3A_0, %gt3A_174 : i32
      %convert_element_type3A_176 = arith.extui %gt3A_175 : i1 to i32
      %cond3A_177 = arith.constant 0 : i32
      %cond3A_178 = arith.cmpi ne, %convert_element_type3A_176, %cond3A_177 : i32
      scf.if %cond3A_178 {
        %mul3A_252 = arith.constant 128 : i32
        %mul3A_253 = arith.muli %arg1, %mul3A_252 : i32
        %add3A_254 = arith.constant 1024 : i32
        %add3A_255 = arith.addi %add3A_254, %mul3A_253 : i32
        %get3A_256 = arith.constant 1280 : index
        %get3A_257 = arith.index_cast %add3A_255 : i32 to index
        %get3A_258 = vector.load %arg7[%get3A_256, %get3A_257] : memref<2048x3072xbf16, #tpu.memory_space<vmem>>, vector<256x128xbf16>
        %slice3A_259 = vector.extract_strided_slice %get3A_258 {offsets = [0, 64], sizes = [256, 64], strides = [1, 1]} : vector<256x128xbf16> to vector<256x64xbf16>
        %mul3A_260 = arith.constant 128 : i32
        %mul3A_261 = arith.muli %arg1, %mul3A_260 : i32
        %add3A_262 = arith.constant 2048 : i32
        %add3A_263 = arith.addi %add3A_262, %mul3A_261 : i32
        %get3A_264 = arith.constant 1280 : index
        %get3A_265 = arith.index_cast %add3A_263 : i32 to index
        %get3A_266 = vector.load %arg7[%get3A_264, %get3A_265] : memref<2048x3072xbf16, #tpu.memory_space<vmem>>, vector<256x128xbf16>
        %slice3A_267 = vector.extract_strided_slice %get3A_266 {offsets = [0, 64], sizes = [256, 64], strides = [1, 1]} : vector<256x128xbf16> to vector<256x64xbf16>
        %get3A_268 = arith.constant 0 : index
        %get3A_269 = arith.constant 1280 : index
        %get3A_270 = vector.load %arg4[%get3A_268, %get3A_269] : memref<1x2048xi32, #tpu.memory_space<vmem>>, vector<1x256xi32>
        %get3A_271 = arith.constant 0 : index
        %get3A_272 = arith.constant 1280 : index
        %get3A_273 = vector.load %arg6[%get3A_271, %get3A_272] : memref<1x2048xi32, #tpu.memory_space<vmem>>, vector<1x256xi32>
        %sub3A_274 = vector.broadcast %get3A_30 : vector<256x1xi32> to vector<256x256xi32>
        %sub3A_275 = vector.broadcast %get3A_270 : vector<1x256xi32> to vector<256x256xi32>
        %sub3A_276 = arith.subi %sub3A_274, %sub3A_275 : vector<256x256xi32>
        %ge3A_277 = arith.constant 0 : i32
        %ge3A_278 = vector.broadcast %ge3A_277 : i32 to vector<256x256xi32>
        %ge3A_279 = arith.cmpi sge, %sub3A_276, %ge3A_278 : vector<256x256xi32>
        %le3A = arith.constant 2 : i32
        %le3A_280 = vector.broadcast %le3A : i32 to vector<256x256xi32>
        %le3A_281 = arith.cmpi sle, %sub3A_276, %le3A_280 : vector<256x256xi32>
        %and3A_282 = arith.andi %ge3A_279, %le3A_281 : vector<256x256xi1>
        %eq3A_283 = arith.constant 4 : i32
        %eq3A_284 = vector.broadcast %eq3A_283 : i32 to vector<256x256xi32>
        %eq3A_285 = arith.cmpi eq, %sub3A_276, %eq3A_284 : vector<256x256xi32>
        %or3A = arith.ori %and3A_282, %eq3A_285 : vector<256x256xi1>
        %lt3A_286 = arith.constant 129 : i32
        %lt3A_287 = vector.broadcast %lt3A_286 : i32 to vector<256x1xi32>
        %lt3A_288 = arith.cmpi slt, %get3A_33, %lt3A_287 : vector<256x1xi32>
        %ge3A_289 = arith.constant 0 : i32
        %ge3A_290 = vector.broadcast %ge3A_289 : i32 to vector<256x1xi32>
        %ge3A_291 = arith.cmpi sge, %get3A_30, %ge3A_290 : vector<256x1xi32>
        %and3A_292 = arith.andi %lt3A_288, %ge3A_291 : vector<256x1xi1>
        %ne3A = vector.broadcast %get3A_273 : vector<1x256xi32> to vector<256x256xi32>
        %ne3A_293 = vector.broadcast %get3A_33 : vector<256x1xi32> to vector<256x256xi32>
        %ne3A_294 = arith.cmpi ne, %ne3A, %ne3A_293 : vector<256x256xi32>
        %and3A_295 = vector.broadcast %and3A_292 : vector<256x1xi1> to vector<256x256xi1>
        %and3A_296 = arith.andi %and3A_295, %ne3A_294 : vector<256x256xi1>
        %lt3A_297 = arith.constant 129 : i32
        %lt3A_298 = vector.broadcast %lt3A_297 : i32 to vector<1x256xi32>
        %lt3A_299 = arith.cmpi slt, %get3A_273, %lt3A_298 : vector<1x256xi32>
        %and3A_300 = vector.broadcast %lt3A_299 : vector<1x256xi1> to vector<256x256xi1>
        %and3A_301 = arith.andi %and3A_296, %and3A_300 : vector<256x256xi1>
        %and3A_302 = arith.andi %and3A_301, %or3A : vector<256x256xi1>
        %dot_general3A_303 = arith.constant dense<0.000000e+00> : vector<256x256xf32>
        %dot_general3A_304 = tpu.matmul %slice3A_151, %slice3A_259, %dot_general3A_303 {dimension_numbers = #tpu.dot_dimension_numbers<[1], [1], [0], [0], [0, 0, 1, 0], [], []>, transpose_lhs_hint = false} : vector<256x64xbf16>, vector<256x64xbf16>, vector<256x256xf32> -> vector<256x256xf32>
        %sub3A_305 = vector.broadcast %broadcast_in_dim3A_158 : vector<256x1xf32> to vector<256x256xf32>
        %sub3A_306 = arith.subf %dot_general3A_304, %sub3A_305 : vector<256x256xf32>
        %min3A = arith.constant 8.000000e+01 : f32
        %min3A_307 = vector.broadcast %min3A : f32 to vector<256x256xf32>
        %min3A_308 = arith.minimumf %sub3A_306, %min3A_307 : vector<256x256xf32>
        %exp3A_309 = math.exp %min3A_308 : vector<256x256xf32>
        %convert_element_type3A_310 = arith.extui %and3A_302 : vector<256x256xi1> to vector<256x256xi32>
        %convert_element_type3A_311 = arith.sitofp %convert_element_type3A_310 : vector<256x256xi32> to vector<256x256xf32>
        %mul3A_312 = arith.mulf %exp3A_309, %convert_element_type3A_311 : vector<256x256xf32>
        %get3A_313 = arith.constant 0 : index
        %get3A_314 = arith.constant 0 : index
        %get3A_315 = vector.load %arg13[%get3A_313, %get3A_314] : memref<256x1xf32, #tpu.memory_space<vmem>>, vector<256x1xf32>
        %reduce_sum3A_316 = arith.constant dense<0.000000e+00> : vector<256xf32>
        %reduce_sum3A_317 = vector.multi_reduction <add>, %mul3A_312, %reduce_sum3A_316 [1] : vector<256x256xf32> to vector<256xf32>
        %broadcast_in_dim3A_318 = vector.shape_cast %reduce_sum3A_317 : vector<256xf32> to vector<256x1xf32>
        %add3A_319 = arith.addf %get3A_315, %broadcast_in_dim3A_318 : vector<256x1xf32>
        %swap3A_320 = arith.constant 0 : index
        %swap3A_321 = arith.constant 0 : index
        %swap3A_322 = vector.load %arg13[%swap3A_320, %swap3A_321] : memref<256x1xf32, #tpu.memory_space<vmem>>, vector<256x1xf32>
        tpu.vector_store %arg13[%swap3A_320, %swap3A_321], %add3A_319 {strides = array<i32>} : memref<256x1xf32, #tpu.memory_space<vmem>>, vector<256x1xf32>,
        %get3A_323 = arith.constant 0 : index
        %get3A_324 = arith.constant 0 : index
        %get3A_325 = vector.load %arg12[%get3A_323, %get3A_324] : memref<256x64xf32, #tpu.memory_space<vmem>>, vector<256x64xf32>
        %convert_element_type3A_326 = arith.truncf %mul3A_312 : vector<256x256xf32> to vector<256x256xbf16>
        %dot_general3A_327 = arith.constant dense<0.000000e+00> : vector<256x64xf32>
        %dot_general3A_328 = tpu.matmul %convert_element_type3A_326, %slice3A_267, %dot_general3A_327 {dimension_numbers = #tpu.dot_dimension_numbers<[1], [0], [0], [1], [0, 0, 1, 1], [], []>, transpose_lhs_hint = false} : vector<256x256xbf16>, vector<256x64xbf16>, vector<256x64xf32> -> vector<256x64xf32>
        %add3A_329 = arith.addf %get3A_325, %dot_general3A_328 : vector<256x64xf32>
        %swap3A_330 = arith.constant 0 : index
        %swap3A_331 = arith.constant 0 : index
        %swap3A_332 = vector.load %arg12[%swap3A_330, %swap3A_331] : memref<256x64xf32, #tpu.memory_space<vmem>>, vector<256x64xf32>
        tpu.vector_store %arg12[%swap3A_330, %swap3A_331], %add3A_329 {strides = array<i32>} : memref<256x64xf32, #tpu.memory_space<vmem>>, vector<256x64xf32>,
      } else {
      }
      %gt3A_179 = arith.constant 1536 : i32
      %gt3A_180 = arith.cmpi sgt, %get3A_0, %gt3A_179 : i32
      %convert_element_type3A_181 = arith.extui %gt3A_180 : i1 to i32
      %cond3A_182 = arith.constant 0 : i32
      %cond3A_183 = arith.cmpi ne, %convert_element_type3A_181, %cond3A_182 : i32
      scf.if %cond3A_183 {
        %mul3A_252 = arith.constant 128 : i32
        %mul3A_253 = arith.muli %arg1, %mul3A_252 : i32
        %add3A_254 = arith.constant 1024 : i32
        %add3A_255 = arith.addi %add3A_254, %mul3A_253 : i32
        %get3A_256 = arith.constant 1536 : index
        %get3A_257 = arith.index_cast %add3A_255 : i32 to index
        %get3A_258 = vector.load %arg7[%get3A_256, %get3A_257] : memref<2048x3072xbf16, #tpu.memory_space<vmem>>, vector<256x128xbf16>
        %slice3A_259 = vector.extract_strided_slice %get3A_258 {offsets = [0, 64], sizes = [256, 64], strides = [1, 1]} : vector<256x128xbf16> to vector<256x64xbf16>
        %mul3A_260 = arith.constant 128 : i32
        %mul3A_261 = arith.muli %arg1, %mul3A_260 : i32
        %add3A_262 = arith.constant 2048 : i32
        %add3A_263 = arith.addi %add3A_262, %mul3A_261 : i32
        %get3A_264 = arith.constant 1536 : index
        %get3A_265 = arith.index_cast %add3A_263 : i32 to index
        %get3A_266 = vector.load %arg7[%get3A_264, %get3A_265] : memref<2048x3072xbf16, #tpu.memory_space<vmem>>, vector<256x128xbf16>
        %slice3A_267 = vector.extract_strided_slice %get3A_266 {offsets = [0, 64], sizes = [256, 64], strides = [1, 1]} : vector<256x128xbf16> to vector<256x64xbf16>
        %get3A_268 = arith.constant 0 : index
        %get3A_269 = arith.constant 1536 : index
        %get3A_270 = vector.load %arg4[%get3A_268, %get3A_269] : memref<1x2048xi32, #tpu.memory_space<vmem>>, vector<1x256xi32>
        %get3A_271 = arith.constant 0 : index
        %get3A_272 = arith.constant 1536 : index
        %get3A_273 = vector.load %arg6[%get3A_271, %get3A_272] : memref<1x2048xi32, #tpu.memory_space<vmem>>, vector<1x256xi32>
        %sub3A_274 = vector.broadcast %get3A_30 : vector<256x1xi32> to vector<256x256xi32>
        %sub3A_275 = vector.broadcast %get3A_270 : vector<1x256xi32> to vector<256x256xi32>
        %sub3A_276 = arith.subi %sub3A_274, %sub3A_275 : vector<256x256xi32>
        %ge3A_277 = arith.constant 0 : i32
        %ge3A_278 = vector.broadcast %ge3A_277 : i32 to vector<256x256xi32>
        %ge3A_279 = arith.cmpi sge, %sub3A_276, %ge3A_278 : vector<256x256xi32>
        %le3A = arith.constant 2 : i32
        %le3A_280 = vector.broadcast %le3A : i32 to vector<256x256xi32>
        %le3A_281 = arith.cmpi sle, %sub3A_276, %le3A_280 : vector<256x256xi32>
        %and3A_282 = arith.andi %ge3A_279, %le3A_281 : vector<256x256xi1>
        %eq3A_283 = arith.constant 4 : i32
        %eq3A_284 = vector.broadcast %eq3A_283 : i32 to vector<256x256xi32>
        %eq3A_285 = arith.cmpi eq, %sub3A_276, %eq3A_284 : vector<256x256xi32>
        %or3A = arith.ori %and3A_282, %eq3A_285 : vector<256x256xi1>
        %lt3A_286 = arith.constant 129 : i32
        %lt3A_287 = vector.broadcast %lt3A_286 : i32 to vector<256x1xi32>
        %lt3A_288 = arith.cmpi slt, %get3A_33, %lt3A_287 : vector<256x1xi32>
        %ge3A_289 = arith.constant 0 : i32
        %ge3A_290 = vector.broadcast %ge3A_289 : i32 to vector<256x1xi32>
        %ge3A_291 = arith.cmpi sge, %get3A_30, %ge3A_290 : vector<256x1xi32>
        %and3A_292 = arith.andi %lt3A_288, %ge3A_291 : vector<256x1xi1>
        %ne3A = vector.broadcast %get3A_273 : vector<1x256xi32> to vector<256x256xi32>
        %ne3A_293 = vector.broadcast %get3A_33 : vector<256x1xi32> to vector<256x256xi32>
        %ne3A_294 = arith.cmpi ne, %ne3A, %ne3A_293 : vector<256x256xi32>
        %and3A_295 = vector.broadcast %and3A_292 : vector<256x1xi1> to vector<256x256xi1>
        %and3A_296 = arith.andi %and3A_295, %ne3A_294 : vector<256x256xi1>
        %lt3A_297 = arith.constant 129 : i32
        %lt3A_298 = vector.broadcast %lt3A_297 : i32 to vector<1x256xi32>
        %lt3A_299 = arith.cmpi slt, %get3A_273, %lt3A_298 : vector<1x256xi32>
        %and3A_300 = vector.broadcast %lt3A_299 : vector<1x256xi1> to vector<256x256xi1>
        %and3A_301 = arith.andi %and3A_296, %and3A_300 : vector<256x256xi1>
        %and3A_302 = arith.andi %and3A_301, %or3A : vector<256x256xi1>
        %dot_general3A_303 = arith.constant dense<0.000000e+00> : vector<256x256xf32>
        %dot_general3A_304 = tpu.matmul %slice3A_151, %slice3A_259, %dot_general3A_303 {dimension_numbers = #tpu.dot_dimension_numbers<[1], [1], [0], [0], [0, 0, 1, 0], [], []>, transpose_lhs_hint = false} : vector<256x64xbf16>, vector<256x64xbf16>, vector<256x256xf32> -> vector<256x256xf32>
        %sub3A_305 = vector.broadcast %broadcast_in_dim3A_158 : vector<256x1xf32> to vector<256x256xf32>
        %sub3A_306 = arith.subf %dot_general3A_304, %sub3A_305 : vector<256x256xf32>
        %min3A = arith.constant 8.000000e+01 : f32
        %min3A_307 = vector.broadcast %min3A : f32 to vector<256x256xf32>
        %min3A_308 = arith.minimumf %sub3A_306, %min3A_307 : vector<256x256xf32>
        %exp3A_309 = math.exp %min3A_308 : vector<256x256xf32>
        %convert_element_type3A_310 = arith.extui %and3A_302 : vector<256x256xi1> to vector<256x256xi32>
        %convert_element_type3A_311 = arith.sitofp %convert_element_type3A_310 : vector<256x256xi32> to vector<256x256xf32>
        %mul3A_312 = arith.mulf %exp3A_309, %convert_element_type3A_311 : vector<256x256xf32>
        %get3A_313 = arith.constant 0 : index
        %get3A_314 = arith.constant 0 : index
        %get3A_315 = vector.load %arg13[%get3A_313, %get3A_314] : memref<256x1xf32, #tpu.memory_space<vmem>>, vector<256x1xf32>
        %reduce_sum3A_316 = arith.constant dense<0.000000e+00> : vector<256xf32>
        %reduce_sum3A_317 = vector.multi_reduction <add>, %mul3A_312, %reduce_sum3A_316 [1] : vector<256x256xf32> to vector<256xf32>
        %broadcast_in_dim3A_318 = vector.shape_cast %reduce_sum3A_317 : vector<256xf32> to vector<256x1xf32>
        %add3A_319 = arith.addf %get3A_315, %broadcast_in_dim3A_318 : vector<256x1xf32>
        %swap3A_320 = arith.constant 0 : index
        %swap3A_321 = arith.constant 0 : index
        %swap3A_322 = vector.load %arg13[%swap3A_320, %swap3A_321] : memref<256x1xf32, #tpu.memory_space<vmem>>, vector<256x1xf32>
        tpu.vector_store %arg13[%swap3A_320, %swap3A_321], %add3A_319 {strides = array<i32>} : memref<256x1xf32, #tpu.memory_space<vmem>>, vector<256x1xf32>,
        %get3A_323 = arith.constant 0 : index
        %get3A_324 = arith.constant 0 : index
        %get3A_325 = vector.load %arg12[%get3A_323, %get3A_324] : memref<256x64xf32, #tpu.memory_space<vmem>>, vector<256x64xf32>
        %convert_element_type3A_326 = arith.truncf %mul3A_312 : vector<256x256xf32> to vector<256x256xbf16>
        %dot_general3A_327 = arith.constant dense<0.000000e+00> : vector<256x64xf32>
        %dot_general3A_328 = tpu.matmul %convert_element_type3A_326, %slice3A_267, %dot_general3A_327 {dimension_numbers = #tpu.dot_dimension_numbers<[1], [0], [0], [1], [0, 0, 1, 1], [], []>, transpose_lhs_hint = false} : vector<256x256xbf16>, vector<256x64xbf16>, vector<256x64xf32> -> vector<256x64xf32>
        %add3A_329 = arith.addf %get3A_325, %dot_general3A_328 : vector<256x64xf32>
        %swap3A_330 = arith.constant 0 : index
        %swap3A_331 = arith.constant 0 : index
        %swap3A_332 = vector.load %arg12[%swap3A_330, %swap3A_331] : memref<256x64xf32, #tpu.memory_space<vmem>>, vector<256x64xf32>
        tpu.vector_store %arg12[%swap3A_330, %swap3A_331], %add3A_329 {strides = array<i32>} : memref<256x64xf32, #tpu.memory_space<vmem>>, vector<256x64xf32>,
      } else {
      }
      %gt3A_184 = arith.constant 1792 : i32
      %gt3A_185 = arith.cmpi sgt, %get3A_0, %gt3A_184 : i32
      %convert_element_type3A_186 = arith.extui %gt3A_185 : i1 to i32
      %cond3A_187 = arith.constant 0 : i32
      %cond3A_188 = arith.cmpi ne, %convert_element_type3A_186, %cond3A_187 : i32
      scf.if %cond3A_188 {
        %mul3A_252 = arith.constant 128 : i32
        %mul3A_253 = arith.muli %arg1, %mul3A_252 : i32
        %add3A_254 = arith.constant 1024 : i32
        %add3A_255 = arith.addi %add3A_254, %mul3A_253 : i32
        %get3A_256 = arith.constant 1792 : index
        %get3A_257 = arith.index_cast %add3A_255 : i32 to index
        %get3A_258 = vector.load %arg7[%get3A_256, %get3A_257] : memref<2048x3072xbf16, #tpu.memory_space<vmem>>, vector<256x128xbf16>
        %slice3A_259 = vector.extract_strided_slice %get3A_258 {offsets = [0, 64], sizes = [256, 64], strides = [1, 1]} : vector<256x128xbf16> to vector<256x64xbf16>
        %mul3A_260 = arith.constant 128 : i32
        %mul3A_261 = arith.muli %arg1, %mul3A_260 : i32
        %add3A_262 = arith.constant 2048 : i32
        %add3A_263 = arith.addi %add3A_262, %mul3A_261 : i32
        %get3A_264 = arith.constant 1792 : index
        %get3A_265 = arith.index_cast %add3A_263 : i32 to index
        %get3A_266 = vector.load %arg7[%get3A_264, %get3A_265] : memref<2048x3072xbf16, #tpu.memory_space<vmem>>, vector<256x128xbf16>
        %slice3A_267 = vector.extract_strided_slice %get3A_266 {offsets = [0, 64], sizes = [256, 64], strides = [1, 1]} : vector<256x128xbf16> to vector<256x64xbf16>
        %get3A_268 = arith.constant 0 : index
        %get3A_269 = arith.constant 1792 : index
        %get3A_270 = vector.load %arg4[%get3A_268, %get3A_269] : memref<1x2048xi32, #tpu.memory_space<vmem>>, vector<1x256xi32>
        %get3A_271 = arith.constant 0 : index
        %get3A_272 = arith.constant 1792 : index
        %get3A_273 = vector.load %arg6[%get3A_271, %get3A_272] : memref<1x2048xi32, #tpu.memory_space<vmem>>, vector<1x256xi32>
        %sub3A_274 = vector.broadcast %get3A_30 : vector<256x1xi32> to vector<256x256xi32>
        %sub3A_275 = vector.broadcast %get3A_270 : vector<1x256xi32> to vector<256x256xi32>
        %sub3A_276 = arith.subi %sub3A_274, %sub3A_275 : vector<256x256xi32>
        %ge3A_277 = arith.constant 0 : i32
        %ge3A_278 = vector.broadcast %ge3A_277 : i32 to vector<256x256xi32>
        %ge3A_279 = arith.cmpi sge, %sub3A_276, %ge3A_278 : vector<256x256xi32>
        %le3A = arith.constant 2 : i32
        %le3A_280 = vector.broadcast %le3A : i32 to vector<256x256xi32>
        %le3A_281 = arith.cmpi sle, %sub3A_276, %le3A_280 : vector<256x256xi32>
        %and3A_282 = arith.andi %ge3A_279, %le3A_281 : vector<256x256xi1>
        %eq3A_283 = arith.constant 4 : i32
        %eq3A_284 = vector.broadcast %eq3A_283 : i32 to vector<256x256xi32>
        %eq3A_285 = arith.cmpi eq, %sub3A_276, %eq3A_284 : vector<256x256xi32>
        %or3A = arith.ori %and3A_282, %eq3A_285 : vector<256x256xi1>
        %lt3A_286 = arith.constant 129 : i32
        %lt3A_287 = vector.broadcast %lt3A_286 : i32 to vector<256x1xi32>
        %lt3A_288 = arith.cmpi slt, %get3A_33, %lt3A_287 : vector<256x1xi32>
        %ge3A_289 = arith.constant 0 : i32
        %ge3A_290 = vector.broadcast %ge3A_289 : i32 to vector<256x1xi32>
        %ge3A_291 = arith.cmpi sge, %get3A_30, %ge3A_290 : vector<256x1xi32>
        %and3A_292 = arith.andi %lt3A_288, %ge3A_291 : vector<256x1xi1>
        %ne3A = vector.broadcast %get3A_273 : vector<1x256xi32> to vector<256x256xi32>
        %ne3A_293 = vector.broadcast %get3A_33 : vector<256x1xi32> to vector<256x256xi32>
        %ne3A_294 = arith.cmpi ne, %ne3A, %ne3A_293 : vector<256x256xi32>
        %and3A_295 = vector.broadcast %and3A_292 : vector<256x1xi1> to vector<256x256xi1>
        %and3A_296 = arith.andi %and3A_295, %ne3A_294 : vector<256x256xi1>
        %lt3A_297 = arith.constant 129 : i32
        %lt3A_298 = vector.broadcast %lt3A_297 : i32 to vector<1x256xi32>
        %lt3A_299 = arith.cmpi slt, %get3A_273, %lt3A_298 : vector<1x256xi32>
        %and3A_300 = vector.broadcast %lt3A_299 : vector<1x256xi1> to vector<256x256xi1>
        %and3A_301 = arith.andi %and3A_296, %and3A_300 : vector<256x256xi1>
        %and3A_302 = arith.andi %and3A_301, %or3A : vector<256x256xi1>
        %dot_general3A_303 = arith.constant dense<0.000000e+00> : vector<256x256xf32>
        %dot_general3A_304 = tpu.matmul %slice3A_151, %slice3A_259, %dot_general3A_303 {dimension_numbers = #tpu.dot_dimension_numbers<[1], [1], [0], [0], [0, 0, 1, 0], [], []>, transpose_lhs_hint = false} : vector<256x64xbf16>, vector<256x64xbf16>, vector<256x256xf32> -> vector<256x256xf32>
        %sub3A_305 = vector.broadcast %broadcast_in_dim3A_158 : vector<256x1xf32> to vector<256x256xf32>
        %sub3A_306 = arith.subf %dot_general3A_304, %sub3A_305 : vector<256x256xf32>
        %min3A = arith.constant 8.000000e+01 : f32
        %min3A_307 = vector.broadcast %min3A : f32 to vector<256x256xf32>
        %min3A_308 = arith.minimumf %sub3A_306, %min3A_307 : vector<256x256xf32>
        %exp3A_309 = math.exp %min3A_308 : vector<256x256xf32>
        %convert_element_type3A_310 = arith.extui %and3A_302 : vector<256x256xi1> to vector<256x256xi32>
        %convert_element_type3A_311 = arith.sitofp %convert_element_type3A_310 : vector<256x256xi32> to vector<256x256xf32>
        %mul3A_312 = arith.mulf %exp3A_309, %convert_element_type3A_311 : vector<256x256xf32>
        %get3A_313 = arith.constant 0 : index
        %get3A_314 = arith.constant 0 : index
        %get3A_315 = vector.load %arg13[%get3A_313, %get3A_314] : memref<256x1xf32, #tpu.memory_space<vmem>>, vector<256x1xf32>
        %reduce_sum3A_316 = arith.constant dense<0.000000e+00> : vector<256xf32>
        %reduce_sum3A_317 = vector.multi_reduction <add>, %mul3A_312, %reduce_sum3A_316 [1] : vector<256x256xf32> to vector<256xf32>
        %broadcast_in_dim3A_318 = vector.shape_cast %reduce_sum3A_317 : vector<256xf32> to vector<256x1xf32>
        %add3A_319 = arith.addf %get3A_315, %broadcast_in_dim3A_318 : vector<256x1xf32>
        %swap3A_320 = arith.constant 0 : index
        %swap3A_321 = arith.constant 0 : index
        %swap3A_322 = vector.load %arg13[%swap3A_320, %swap3A_321] : memref<256x1xf32, #tpu.memory_space<vmem>>, vector<256x1xf32>
        tpu.vector_store %arg13[%swap3A_320, %swap3A_321], %add3A_319 {strides = array<i32>} : memref<256x1xf32, #tpu.memory_space<vmem>>, vector<256x1xf32>,
        %get3A_323 = arith.constant 0 : index
        %get3A_324 = arith.constant 0 : index
        %get3A_325 = vector.load %arg12[%get3A_323, %get3A_324] : memref<256x64xf32, #tpu.memory_space<vmem>>, vector<256x64xf32>
        %convert_element_type3A_326 = arith.truncf %mul3A_312 : vector<256x256xf32> to vector<256x256xbf16>
        %dot_general3A_327 = arith.constant dense<0.000000e+00> : vector<256x64xf32>
        %dot_general3A_328 = tpu.matmul %convert_element_type3A_326, %slice3A_267, %dot_general3A_327 {dimension_numbers = #tpu.dot_dimension_numbers<[1], [0], [0], [1], [0, 0, 1, 1], [], []>, transpose_lhs_hint = false} : vector<256x256xbf16>, vector<256x64xbf16>, vector<256x64xf32> -> vector<256x64xf32>
        %add3A_329 = arith.addf %get3A_325, %dot_general3A_328 : vector<256x64xf32>
        %swap3A_330 = arith.constant 0 : index
        %swap3A_331 = arith.constant 0 : index
        %swap3A_332 = vector.load %arg12[%swap3A_330, %swap3A_331] : memref<256x64xf32, #tpu.memory_space<vmem>>, vector<256x64xf32>
        tpu.vector_store %arg12[%swap3A_330, %swap3A_331], %add3A_329 {strides = array<i32>} : memref<256x64xf32, #tpu.memory_space<vmem>>, vector<256x64xf32>,
      } else {
      }
      %sub3A_189 = vector.broadcast %broadcast_in_dim3A_158 : vector<256x1xf32> to vector<256x1024xf32>
      %sub3A_190 = arith.subf %dot_general3A_155, %sub3A_189 : vector<256x1024xf32>
      %exp3A_191 = math.exp %sub3A_190 : vector<256x1024xf32>
      %convert_element_type3A_192 = arith.truncf %exp3A_191 : vector<256x1024xf32> to vector<256x1024xbf16>
      %mul3A_193 = arith.mulf %convert_element_type3A_192, %get3A_59 : vector<256x1024xbf16>
      %convert_element_type3A_194 = arith.extf %mul3A_193 : vector<256x1024xbf16> to vector<256x1024xf32>
      %reduce_sum3A_195 = arith.constant dense<0.000000e+00> : vector<256xf32>
      %reduce_sum3A_196 = vector.multi_reduction <add>, %convert_element_type3A_194, %reduce_sum3A_195 [1] : vector<256x1024xf32> to vector<256xf32>
      %broadcast_in_dim3A_197 = vector.shape_cast %reduce_sum3A_196 : vector<256xf32> to vector<256x1xf32>
      %dot_general3A_198 = arith.constant dense<0.000000e+00> : vector<256x64xf32>
      %dot_general3A_199 = tpu.matmul %mul3A_193, %slice3A_153, %dot_general3A_198 {dimension_numbers = #tpu.dot_dimension_numbers<[1], [0], [0], [1], [0, 0, 1, 1], [], []>, transpose_lhs_hint = false} : vector<256x1024xbf16>, vector<1024x64xbf16>, vector<256x64xf32> -> vector<256x64xf32>
      %eq3A_200 = arith.constant 0.000000e+00 : f32
      %eq3A_201 = vector.broadcast %eq3A_200 : f32 to vector<256x1xf32>
      %eq3A_202 = arith.cmpf oeq, %broadcast_in_dim3A_197, %eq3A_201 : vector<256x1xf32>
      %jit3A_203 = arith.constant 1.000000e+00 : f32
      %broadcast_in_dim3A_204 = vector.broadcast %jit3A_203 : f32 to vector<256x1xf32>
      %select_n3A_205 = arith.select %eq3A_202, %broadcast_in_dim3A_204, %broadcast_in_dim3A_197 : vector<256x1xi1>, vector<256x1xf32>
      %div3A_206 = vector.broadcast %select_n3A_205 : vector<256x1xf32> to vector<256x64xf32>
      %div3A_207 = arith.divf %dot_general3A_199, %div3A_206 : vector<256x64xf32>
      %mul3A_208 = arith.mulf %convert_element_type3A_192, %get3A_62 : vector<256x1024xbf16>
      %convert_element_type3A_209 = arith.extf %mul3A_208 : vector<256x1024xbf16> to vector<256x1024xf32>
      %reduce_sum3A_210 = arith.constant dense<0.000000e+00> : vector<256xf32>
      %reduce_sum3A_211 = vector.multi_reduction <add>, %convert_element_type3A_209, %reduce_sum3A_210 [1] : vector<256x1024xf32> to vector<256xf32>
      %broadcast_in_dim3A_212 = vector.shape_cast %reduce_sum3A_211 : vector<256xf32> to vector<256x1xf32>
      %get3A_213 = arith.constant 0 : index
      %get3A_214 = arith.constant 0 : index
      %get3A_215 = vector.load %arg13[%get3A_213, %get3A_214] : memref<256x1xf32, #tpu.memory_space<vmem>>, vector<256x1xf32>
      %add3A_216 = arith.addf %broadcast_in_dim3A_212, %get3A_215 : vector<256x1xf32>
      %dot_general3A_217 = arith.constant dense<0.000000e+00> : vector<256x64xf32>
      %dot_general3A_218 = tpu.matmul %mul3A_208, %slice3A_153, %dot_general3A_217 {dimension_numbers = #tpu.dot_dimension_numbers<[1], [0], [0], [1], [0, 0, 1, 1], [], []>, transpose_lhs_hint = false} : vector<256x1024xbf16>, vector<1024x64xbf16>, vector<256x64xf32> -> vector<256x64xf32>
      %get3A_219 = arith.constant 0 : index
      %get3A_220 = arith.constant 0 : index
      %get3A_221 = vector.load %arg12[%get3A_219, %get3A_220] : memref<256x64xf32, #tpu.memory_space<vmem>>, vector<256x64xf32>
      %add3A_222 = arith.addf %dot_general3A_218, %get3A_221 : vector<256x64xf32>
      %eq3A_223 = arith.constant 0.000000e+00 : f32
      %eq3A_224 = vector.broadcast %eq3A_223 : f32 to vector<256x1xf32>
      %eq3A_225 = arith.cmpf oeq, %add3A_216, %eq3A_224 : vector<256x1xf32>
      %jit3A_226 = arith.constant 1.000000e+00 : f32
      %broadcast_in_dim3A_227 = vector.broadcast %jit3A_226 : f32 to vector<256x1xf32>
      %select_n3A_228 = arith.select %eq3A_225, %broadcast_in_dim3A_227, %add3A_216 : vector<256x1xi1>, vector<256x1xf32>
      %div3A_229 = vector.broadcast %select_n3A_228 : vector<256x1xf32> to vector<256x64xf32>
      %div3A_230 = arith.divf %add3A_222, %div3A_229 : vector<256x64xf32>
      %add3A_231 = arith.addf %div3A_207, %div3A_230 : vector<256x64xf32>
      %mul3A_232 = arith.mulf %convert_element_type3A_192, %get3A_65 : vector<256x1024xbf16>
      %convert_element_type3A_233 = arith.extf %mul3A_232 : vector<256x1024xbf16> to vector<256x1024xf32>
      %reduce_sum3A_234 = arith.constant dense<0.000000e+00> : vector<256xf32>
      %reduce_sum3A_235 = vector.multi_reduction <add>, %convert_element_type3A_233, %reduce_sum3A_234 [1] : vector<256x1024xf32> to vector<256xf32>
      %broadcast_in_dim3A_236 = vector.shape_cast %reduce_sum3A_235 : vector<256xf32> to vector<256x1xf32>
      %dot_general3A_237 = arith.constant dense<0.000000e+00> : vector<256x64xf32>
      %dot_general3A_238 = tpu.matmul %mul3A_232, %slice3A_153, %dot_general3A_237 {dimension_numbers = #tpu.dot_dimension_numbers<[1], [0], [0], [1], [0, 0, 1, 1], [], []>, transpose_lhs_hint = false} : vector<256x1024xbf16>, vector<1024x64xbf16>, vector<256x64xf32> -> vector<256x64xf32>
      %eq3A_239 = arith.constant 0.000000e+00 : f32
      %eq3A_240 = vector.broadcast %eq3A_239 : f32 to vector<256x1xf32>
      %eq3A_241 = arith.cmpf oeq, %broadcast_in_dim3A_236, %eq3A_240 : vector<256x1xf32>
      %jit3A_242 = arith.constant 1.000000e+00 : f32
      %broadcast_in_dim3A_243 = vector.broadcast %jit3A_242 : f32 to vector<256x1xf32>
      %select_n3A_244 = arith.select %eq3A_241, %broadcast_in_dim3A_243, %broadcast_in_dim3A_236 : vector<256x1xi1>, vector<256x1xf32>
      %div3A_245 = vector.broadcast %select_n3A_244 : vector<256x1xf32> to vector<256x64xf32>
      %div3A_246 = arith.divf %dot_general3A_238, %div3A_245 : vector<256x64xf32>
      %add3A_247 = arith.addf %add3A_231, %div3A_246 : vector<256x64xf32>
      %concatenate3A = tpu.concatenate %add3A_150, %add3A_247 in 1 : vector<256x64xf32>, vector<256x64xf32> -> vector<256x128xf32>
      %convert_element_type3A_248 = arith.truncf %concatenate3A : vector<256x128xf32> to vector<256x128xbf16>
      %swap3A_249 = arith.constant 0 : index
      %swap3A_250 = arith.constant 0 : index
      %swap3A_251 = vector.load %arg8[%swap3A_249, %swap3A_250] : memref<256x128xbf16, #tpu.memory_space<vmem>>, vector<256x128xbf16>
      tpu.vector_store %arg8[%swap3A_249, %swap3A_250], %convert_element_type3A_248 {strides = array<i32>} : memref<256x128xbf16, #tpu.memory_space<vmem>>, vector<256x128xbf16>,
    } else {
    }
    %ge3A_12 = arith.constant 4 : i32
    %ge3A_13 = arith.cmpi sge, %arg0, %ge3A_12 : i32
    %lt3A_14 = arith.constant 6 : i32
    %lt3A_15 = arith.cmpi slt, %arg0, %lt3A_14 : i32
    %and3A_16 = arith.andi %ge3A_13, %lt3A_15 : i1
    %convert_element_type3A_17 = arith.extui %and3A_16 : i1 to i32
    %cond3A_18 = arith.constant 0 : i32
    %cond3A_19 = arith.cmpi ne, %convert_element_type3A_17, %cond3A_18 : i32
    scf.if %cond3A_19 {
      %get3A_28 = arith.constant 0 : index
      %get3A_29 = arith.constant 0 : index
      %get3A_30 = vector.load %arg3[%get3A_28, %get3A_29] : memref<256x1xi32, #tpu.memory_space<vmem>>, vector<256x1xi32>
      %get3A_31 = arith.constant 0 : index
      %get3A_32 = arith.constant 0 : index
      %get3A_33 = vector.load %arg5[%get3A_31, %get3A_32] : memref<256x1xi32, #tpu.memory_space<vmem>>, vector<256x1xi32>
      %eq3A = arith.constant 0 : i32
      %eq3A_34 = arith.cmpi eq, %arg1, %eq3A : i32
      %convert_element_type3A_35 = arith.extui %eq3A_34 : i1 to i32
      %cond3A_36 = arith.constant 0 : i32
      %cond3A_37 = arith.cmpi ne, %convert_element_type3A_35, %cond3A_36 : i32
      scf.if %cond3A_37 {
        %mul3A_232 = arith.constant 256 : i32
        %mul3A_233 = arith.muli %arg0, %mul3A_232 : i32
        %get3A_234 = arith.constant 0 : index
        %get3A_235 = arith.constant 0 : index
        %get3A_236 = vector.load %arg4[%get3A_234, %get3A_235] : memref<1x2048xi32, #tpu.memory_space<vmem>>, vector<1x1536xi32>
        %get3A_237 = arith.constant 0 : index
        %get3A_238 = arith.constant 0 : index
        %get3A_239 = vector.load %arg6[%get3A_237, %get3A_238] : memref<1x2048xi32, #tpu.memory_space<vmem>>, vector<1x1536xi32>
        %iota3A = tpu.iota {dimensions = array<i32: 0>} : vector<256x1536xi32>
        %add3A_240 = vector.broadcast %mul3A_233 : i32 to vector<256x1536xi32>
        %add3A_241 = arith.addi %add3A_240, %iota3A : vector<256x1536xi32>
        %iota3A_242 = tpu.iota {dimensions = array<i32: 1>} : vector<256x1536xi32>
        %add3A_243 = arith.constant 0 : i32
        %add3A_244 = vector.broadcast %add3A_243 : i32 to vector<256x1536xi32>
        %add3A_245 = arith.addi %add3A_244, %iota3A_242 : vector<256x1536xi32>
        %le3A = arith.cmpi sle, %add3A_245, %add3A_241 : vector<256x1536xi32>
        %eq3A_246 = vector.broadcast %get3A_33 : vector<256x1xi32> to vector<256x1536xi32>
        %eq3A_247 = vector.broadcast %get3A_239 : vector<1x1536xi32> to vector<256x1536xi32>
        %eq3A_248 = arith.cmpi eq, %eq3A_246, %eq3A_247 : vector<256x1536xi32>
        %lt3A_249 = arith.constant 129 : i32
        %lt3A_250 = vector.broadcast %lt3A_249 : i32 to vector<256x1xi32>
        %lt3A_251 = arith.cmpi slt, %get3A_33, %lt3A_250 : vector<256x1xi32>
        %and3A_252 = vector.broadcast %lt3A_251 : vector<256x1xi1> to vector<256x1536xi1>
        %and3A_253 = arith.andi %eq3A_248, %and3A_252 : vector<256x1536xi1>
        %and3A_254 = arith.andi %and3A_253, %le3A : vector<256x1536xi1>
        %sub3A_255 = vector.broadcast %get3A_30 : vector<256x1xi32> to vector<256x1536xi32>
        %sub3A_256 = vector.broadcast %get3A_236 : vector<1x1536xi32> to vector<256x1536xi32>
        %sub3A_257 = arith.subi %sub3A_255, %sub3A_256 : vector<256x1536xi32>
        %ge3A_258 = arith.constant 0 : i32
        %ge3A_259 = vector.broadcast %ge3A_258 : i32 to vector<256x1536xi32>
        %ge3A_260 = arith.cmpi sge, %sub3A_257, %ge3A_259 : vector<256x1536xi32>
        %le3A_261 = arith.constant 2 : i32
        %le3A_262 = vector.broadcast %le3A_261 : i32 to vector<256x1536xi32>
        %le3A_263 = arith.cmpi sle, %sub3A_257, %le3A_262 : vector<256x1536xi32>
        %and3A_264 = arith.andi %ge3A_260, %le3A_263 : vector<256x1536xi1>
        %eq3A_265 = arith.constant 4 : i32
        %eq3A_266 = vector.broadcast %eq3A_265 : i32 to vector<256x1536xi32>
        %eq3A_267 = arith.cmpi eq, %sub3A_257, %eq3A_266 : vector<256x1536xi32>
        %or3A = arith.ori %and3A_264, %eq3A_267 : vector<256x1536xi1>
        %lt3A_268 = arith.constant 129 : i32
        %lt3A_269 = vector.broadcast %lt3A_268 : i32 to vector<256x1xi32>
        %lt3A_270 = arith.cmpi slt, %get3A_33, %lt3A_269 : vector<256x1xi32>
        %ge3A_271 = arith.constant 0 : i32
        %ge3A_272 = vector.broadcast %ge3A_271 : i32 to vector<256x1xi32>
        %ge3A_273 = arith.cmpi sge, %get3A_30, %ge3A_272 : vector<256x1xi32>
        %and3A_274 = arith.andi %lt3A_270, %ge3A_273 : vector<256x1xi1>
        %ne3A = vector.broadcast %get3A_239 : vector<1x1536xi32> to vector<256x1536xi32>
        %ne3A_275 = vector.broadcast %get3A_33 : vector<256x1xi32> to vector<256x1536xi32>
        %ne3A_276 = arith.cmpi ne, %ne3A, %ne3A_275 : vector<256x1536xi32>
        %and3A_277 = vector.broadcast %and3A_274 : vector<256x1xi1> to vector<256x1536xi1>
        %and3A_278 = arith.andi %and3A_277, %ne3A_276 : vector<256x1536xi1>
        %lt3A_279 = arith.constant 129 : i32
        %lt3A_280 = vector.broadcast %lt3A_279 : i32 to vector<1x1536xi32>
        %lt3A_281 = arith.cmpi slt, %get3A_239, %lt3A_280 : vector<1x1536xi32>
        %and3A_282 = vector.broadcast %lt3A_281 : vector<1x1536xi1> to vector<256x1536xi1>
        %and3A_283 = arith.andi %and3A_278, %and3A_282 : vector<256x1536xi1>
        %and3A_284 = arith.andi %and3A_283, %or3A : vector<256x1536xi1>
        %eq3A_285 = arith.constant 129 : i32
        %eq3A_286 = vector.broadcast %eq3A_285 : i32 to vector<1x1536xi32>
        %eq3A_287 = arith.cmpi eq, %get3A_239, %eq3A_286 : vector<1x1536xi32>
        %eq3A_288 = arith.constant -1 : i32
        %eq3A_289 = vector.broadcast %eq3A_288 : i32 to vector<1x1536xi32>
        %eq3A_290 = arith.cmpi eq, %get3A_236, %eq3A_289 : vector<1x1536xi32>
        %or3A_291 = arith.ori %eq3A_287, %eq3A_290 : vector<1x1536xi1>
        %and3A_292 = vector.broadcast %or3A_291 : vector<1x1536xi1> to vector<256x1536xi1>
        %and3A_293 = arith.andi %and3A_292, %le3A : vector<256x1536xi1>
        %convert_element_type3A_294 = arith.extui %and3A_254 : vector<256x1536xi1> to vector<256x1536xi32>
        %convert_element_type3A_295 = arith.sitofp %convert_element_type3A_294 : vector<256x1536xi32> to vector<256x1536xf32>
        %convert_element_type3A_296 = arith.truncf %convert_element_type3A_295 : vector<256x1536xf32> to vector<256x1536xbf16>
        %swap3A_297 = arith.constant 0 : index
        %swap3A_298 = arith.constant 0 : index
        %swap3A_299 = vector.load %arg9[%swap3A_297, %swap3A_298] : memref<256x2048xbf16, #tpu.memory_space<vmem>>, vector<256x1536xbf16>
        tpu.vector_store %arg9[%swap3A_297, %swap3A_298], %convert_element_type3A_296 {strides = array<i32>} : memref<256x2048xbf16, #tpu.memory_space<vmem>>, vector<256x1536xbf16>,
        %convert_element_type3A_300 = arith.extui %and3A_284 : vector<256x1536xi1> to vector<256x1536xi32>
        %convert_element_type3A_301 = arith.sitofp %convert_element_type3A_300 : vector<256x1536xi32> to vector<256x1536xf32>
        %convert_element_type3A_302 = arith.truncf %convert_element_type3A_301 : vector<256x1536xf32> to vector<256x1536xbf16>
        %swap3A_303 = arith.constant 0 : index
        %swap3A_304 = arith.constant 0 : index
        %swap3A_305 = vector.load %arg10[%swap3A_303, %swap3A_304] : memref<256x2048xbf16, #tpu.memory_space<vmem>>, vector<256x1536xbf16>
        tpu.vector_store %arg10[%swap3A_303, %swap3A_304], %convert_element_type3A_302 {strides = array<i32>} : memref<256x2048xbf16, #tpu.memory_space<vmem>>, vector<256x1536xbf16>,
        %convert_element_type3A_306 = arith.extui %and3A_293 : vector<256x1536xi1> to vector<256x1536xi32>
        %convert_element_type3A_307 = arith.sitofp %convert_element_type3A_306 : vector<256x1536xi32> to vector<256x1536xf32>
        %convert_element_type3A_308 = arith.truncf %convert_element_type3A_307 : vector<256x1536xf32> to vector<256x1536xbf16>
        %swap3A_309 = arith.constant 0 : index
        %swap3A_310 = arith.constant 0 : index
        %swap3A_311 = vector.load %arg11[%swap3A_309, %swap3A_310] : memref<256x2048xbf16, #tpu.memory_space<vmem>>, vector<256x1536xbf16>
        tpu.vector_store %arg11[%swap3A_309, %swap3A_310], %convert_element_type3A_308 {strides = array<i32>} : memref<256x2048xbf16, #tpu.memory_space<vmem>>, vector<256x1536xbf16>,
      } else {
      }
      %mul3A = arith.constant 256 : i32
      %mul3A_38 = arith.muli %arg0, %mul3A : i32
      %mul3A_39 = arith.constant 128 : i32
      %mul3A_40 = arith.muli %arg1, %mul3A_39 : i32
      %get3A_41 = arith.index_cast %mul3A_38 : i32 to index
      %get3A_42 = arith.index_cast %mul3A_40 : i32 to index
      %get3A_43 = vector.load %arg7[%get3A_41, %get3A_42] : memref<2048x3072xbf16, #tpu.memory_space<vmem>>, vector<256x128xbf16>
      %mul3A_44 = arith.constant 128 : i32
      %mul3A_45 = arith.muli %arg1, %mul3A_44 : i32
      %add3A = arith.constant 1024 : i32
      %add3A_46 = arith.addi %add3A, %mul3A_45 : i32
      %get3A_47 = arith.constant 0 : index
      %get3A_48 = arith.index_cast %add3A_46 : i32 to index
      %get3A_49 = vector.load %arg7[%get3A_47, %get3A_48] : memref<2048x3072xbf16, #tpu.memory_space<vmem>>, vector<1536x128xbf16>
      %mul3A_50 = arith.constant 128 : i32
      %mul3A_51 = arith.muli %arg1, %mul3A_50 : i32
      %add3A_52 = arith.constant 2048 : i32
      %add3A_53 = arith.addi %add3A_52, %mul3A_51 : i32
      %get3A_54 = arith.constant 0 : index
      %get3A_55 = arith.index_cast %add3A_53 : i32 to index
      %get3A_56 = vector.load %arg7[%get3A_54, %get3A_55] : memref<2048x3072xbf16, #tpu.memory_space<vmem>>, vector<1536x128xbf16>
      %get3A_57 = arith.constant 0 : index
      %get3A_58 = arith.constant 0 : index
      %get3A_59 = vector.load %arg9[%get3A_57, %get3A_58] : memref<256x2048xbf16, #tpu.memory_space<vmem>>, vector<256x1536xbf16>
      %get3A_60 = arith.constant 0 : index
      %get3A_61 = arith.constant 0 : index
      %get3A_62 = vector.load %arg10[%get3A_60, %get3A_61] : memref<256x2048xbf16, #tpu.memory_space<vmem>>, vector<256x1536xbf16>
      %get3A_63 = arith.constant 0 : index
      %get3A_64 = arith.constant 0 : index
      %get3A_65 = vector.load %arg11[%get3A_63, %get3A_64] : memref<256x2048xbf16, #tpu.memory_space<vmem>>, vector<256x1536xbf16>
      %slice3A = vector.extract_strided_slice %get3A_43 {offsets = [0, 0], sizes = [256, 64], strides = [1, 1]} : vector<256x128xbf16> to vector<256x64xbf16>
      %slice3A_66 = vector.extract_strided_slice %get3A_49 {offsets = [0, 0], sizes = [1536, 64], strides = [1, 1]} : vector<1536x128xbf16> to vector<1536x64xbf16>
      %slice3A_67 = vector.extract_strided_slice %get3A_56 {offsets = [0, 0], sizes = [1536, 64], strides = [1, 1]} : vector<1536x128xbf16> to vector<1536x64xbf16>
      %dot_general3A = arith.constant dense<0.000000e+00> : vector<256x1536xf32>
      %dot_general3A_68 = tpu.matmul %slice3A, %slice3A_66, %dot_general3A {dimension_numbers = #tpu.dot_dimension_numbers<[1], [1], [0], [0], [0, 0, 1, 0], [], []>, transpose_lhs_hint = false} : vector<256x64xbf16>, vector<1536x64xbf16>, vector<256x1536xf32> -> vector<256x1536xf32>
      %reduce_max3A = arith.constant dense<0xFF800000> : vector<256xf32>
      %reduce_max3A_69 = vector.multi_reduction <maximumf>, %dot_general3A_68, %reduce_max3A [1] : vector<256x1536xf32> to vector<256xf32>
      %broadcast_in_dim3A = vector.shape_cast %reduce_max3A_69 : vector<256xf32> to vector<256x1xf32>
      %broadcast_in_dim3A_70 = arith.constant 0.000000e+00 : f32
      %broadcast_in_dim3A_71 = vector.broadcast %broadcast_in_dim3A_70 : f32 to vector<256x64xf32>
      %swap3A = arith.constant 0 : index
      %swap3A_72 = arith.constant 0 : index
      %swap3A_73 = vector.load %arg12[%swap3A, %swap3A_72] : memref<256x64xf32, #tpu.memory_space<vmem>>, vector<256x64xf32>
      tpu.vector_store %arg12[%swap3A, %swap3A_72], %broadcast_in_dim3A_71 {strides = array<i32>} : memref<256x64xf32, #tpu.memory_space<vmem>>, vector<256x64xf32>,
      %broadcast_in_dim3A_74 = arith.constant 0.000000e+00 : f32
      %broadcast_in_dim3A_75 = vector.broadcast %broadcast_in_dim3A_74 : f32 to vector<256x1xf32>
      %swap3A_76 = arith.constant 0 : index
      %swap3A_77 = arith.constant 0 : index
      %swap3A_78 = vector.load %arg13[%swap3A_76, %swap3A_77] : memref<256x1xf32, #tpu.memory_space<vmem>>, vector<256x1xf32>
      tpu.vector_store %arg13[%swap3A_76, %swap3A_77], %broadcast_in_dim3A_75 {strides = array<i32>} : memref<256x1xf32, #tpu.memory_space<vmem>>, vector<256x1xf32>,
      %gt3A = arith.constant 1536 : i32
      %gt3A_79 = arith.cmpi sgt, %get3A_0, %gt3A : i32
      %convert_element_type3A_80 = arith.extui %gt3A_79 : i1 to i32
      %cond3A_81 = arith.constant 0 : i32
      %cond3A_82 = arith.cmpi ne, %convert_element_type3A_80, %cond3A_81 : i32
      scf.if %cond3A_82 {
        %mul3A_232 = arith.constant 128 : i32
        %mul3A_233 = arith.muli %arg1, %mul3A_232 : i32
        %add3A_234 = arith.constant 1024 : i32
        %add3A_235 = arith.addi %add3A_234, %mul3A_233 : i32
        %get3A_236 = arith.constant 1536 : index
        %get3A_237 = arith.index_cast %add3A_235 : i32 to index
        %get3A_238 = vector.load %arg7[%get3A_236, %get3A_237] : memref<2048x3072xbf16, #tpu.memory_space<vmem>>, vector<256x128xbf16>
        %slice3A_239 = vector.extract_strided_slice %get3A_238 {offsets = [0, 0], sizes = [256, 64], strides = [1, 1]} : vector<256x128xbf16> to vector<256x64xbf16>
        %mul3A_240 = arith.constant 128 : i32
        %mul3A_241 = arith.muli %arg1, %mul3A_240 : i32
        %add3A_242 = arith.constant 2048 : i32
        %add3A_243 = arith.addi %add3A_242, %mul3A_241 : i32
        %get3A_244 = arith.constant 1536 : index
        %get3A_245 = arith.index_cast %add3A_243 : i32 to index
        %get3A_246 = vector.load %arg7[%get3A_244, %get3A_245] : memref<2048x3072xbf16, #tpu.memory_space<vmem>>, vector<256x128xbf16>
        %slice3A_247 = vector.extract_strided_slice %get3A_246 {offsets = [0, 0], sizes = [256, 64], strides = [1, 1]} : vector<256x128xbf16> to vector<256x64xbf16>
        %get3A_248 = arith.constant 0 : index
        %get3A_249 = arith.constant 1536 : index
        %get3A_250 = vector.load %arg4[%get3A_248, %get3A_249] : memref<1x2048xi32, #tpu.memory_space<vmem>>, vector<1x256xi32>
        %get3A_251 = arith.constant 0 : index
        %get3A_252 = arith.constant 1536 : index
        %get3A_253 = vector.load %arg6[%get3A_251, %get3A_252] : memref<1x2048xi32, #tpu.memory_space<vmem>>, vector<1x256xi32>
        %sub3A_254 = vector.broadcast %get3A_30 : vector<256x1xi32> to vector<256x256xi32>
        %sub3A_255 = vector.broadcast %get3A_250 : vector<1x256xi32> to vector<256x256xi32>
        %sub3A_256 = arith.subi %sub3A_254, %sub3A_255 : vector<256x256xi32>
        %ge3A_257 = arith.constant 0 : i32
        %ge3A_258 = vector.broadcast %ge3A_257 : i32 to vector<256x256xi32>
        %ge3A_259 = arith.cmpi sge, %sub3A_256, %ge3A_258 : vector<256x256xi32>
        %le3A = arith.constant 2 : i32
        %le3A_260 = vector.broadcast %le3A : i32 to vector<256x256xi32>
        %le3A_261 = arith.cmpi sle, %sub3A_256, %le3A_260 : vector<256x256xi32>
        %and3A_262 = arith.andi %ge3A_259, %le3A_261 : vector<256x256xi1>
        %eq3A_263 = arith.constant 4 : i32
        %eq3A_264 = vector.broadcast %eq3A_263 : i32 to vector<256x256xi32>
        %eq3A_265 = arith.cmpi eq, %sub3A_256, %eq3A_264 : vector<256x256xi32>
        %or3A = arith.ori %and3A_262, %eq3A_265 : vector<256x256xi1>
        %lt3A_266 = arith.constant 129 : i32
        %lt3A_267 = vector.broadcast %lt3A_266 : i32 to vector<256x1xi32>
        %lt3A_268 = arith.cmpi slt, %get3A_33, %lt3A_267 : vector<256x1xi32>
        %ge3A_269 = arith.constant 0 : i32
        %ge3A_270 = vector.broadcast %ge3A_269 : i32 to vector<256x1xi32>
        %ge3A_271 = arith.cmpi sge, %get3A_30, %ge3A_270 : vector<256x1xi32>
        %and3A_272 = arith.andi %lt3A_268, %ge3A_271 : vector<256x1xi1>
        %ne3A = vector.broadcast %get3A_253 : vector<1x256xi32> to vector<256x256xi32>
        %ne3A_273 = vector.broadcast %get3A_33 : vector<256x1xi32> to vector<256x256xi32>
        %ne3A_274 = arith.cmpi ne, %ne3A, %ne3A_273 : vector<256x256xi32>
        %and3A_275 = vector.broadcast %and3A_272 : vector<256x1xi1> to vector<256x256xi1>
        %and3A_276 = arith.andi %and3A_275, %ne3A_274 : vector<256x256xi1>
        %lt3A_277 = arith.constant 129 : i32
        %lt3A_278 = vector.broadcast %lt3A_277 : i32 to vector<1x256xi32>
        %lt3A_279 = arith.cmpi slt, %get3A_253, %lt3A_278 : vector<1x256xi32>
        %and3A_280 = vector.broadcast %lt3A_279 : vector<1x256xi1> to vector<256x256xi1>
        %and3A_281 = arith.andi %and3A_276, %and3A_280 : vector<256x256xi1>
        %and3A_282 = arith.andi %and3A_281, %or3A : vector<256x256xi1>
        %dot_general3A_283 = arith.constant dense<0.000000e+00> : vector<256x256xf32>
        %dot_general3A_284 = tpu.matmul %slice3A, %slice3A_239, %dot_general3A_283 {dimension_numbers = #tpu.dot_dimension_numbers<[1], [1], [0], [0], [0, 0, 1, 0], [], []>, transpose_lhs_hint = false} : vector<256x64xbf16>, vector<256x64xbf16>, vector<256x256xf32> -> vector<256x256xf32>
        %sub3A_285 = vector.broadcast %broadcast_in_dim3A : vector<256x1xf32> to vector<256x256xf32>
        %sub3A_286 = arith.subf %dot_general3A_284, %sub3A_285 : vector<256x256xf32>
        %min3A = arith.constant 8.000000e+01 : f32
        %min3A_287 = vector.broadcast %min3A : f32 to vector<256x256xf32>
        %min3A_288 = arith.minimumf %sub3A_286, %min3A_287 : vector<256x256xf32>
        %exp3A_289 = math.exp %min3A_288 : vector<256x256xf32>
        %convert_element_type3A_290 = arith.extui %and3A_282 : vector<256x256xi1> to vector<256x256xi32>
        %convert_element_type3A_291 = arith.sitofp %convert_element_type3A_290 : vector<256x256xi32> to vector<256x256xf32>
        %mul3A_292 = arith.mulf %exp3A_289, %convert_element_type3A_291 : vector<256x256xf32>
        %get3A_293 = arith.constant 0 : index
        %get3A_294 = arith.constant 0 : index
        %get3A_295 = vector.load %arg13[%get3A_293, %get3A_294] : memref<256x1xf32, #tpu.memory_space<vmem>>, vector<256x1xf32>
        %reduce_sum3A_296 = arith.constant dense<0.000000e+00> : vector<256xf32>
        %reduce_sum3A_297 = vector.multi_reduction <add>, %mul3A_292, %reduce_sum3A_296 [1] : vector<256x256xf32> to vector<256xf32>
        %broadcast_in_dim3A_298 = vector.shape_cast %reduce_sum3A_297 : vector<256xf32> to vector<256x1xf32>
        %add3A_299 = arith.addf %get3A_295, %broadcast_in_dim3A_298 : vector<256x1xf32>
        %swap3A_300 = arith.constant 0 : index
        %swap3A_301 = arith.constant 0 : index
        %swap3A_302 = vector.load %arg13[%swap3A_300, %swap3A_301] : memref<256x1xf32, #tpu.memory_space<vmem>>, vector<256x1xf32>
        tpu.vector_store %arg13[%swap3A_300, %swap3A_301], %add3A_299 {strides = array<i32>} : memref<256x1xf32, #tpu.memory_space<vmem>>, vector<256x1xf32>,
        %get3A_303 = arith.constant 0 : index
        %get3A_304 = arith.constant 0 : index
        %get3A_305 = vector.load %arg12[%get3A_303, %get3A_304] : memref<256x64xf32, #tpu.memory_space<vmem>>, vector<256x64xf32>
        %convert_element_type3A_306 = arith.truncf %mul3A_292 : vector<256x256xf32> to vector<256x256xbf16>
        %dot_general3A_307 = arith.constant dense<0.000000e+00> : vector<256x64xf32>
        %dot_general3A_308 = tpu.matmul %convert_element_type3A_306, %slice3A_247, %dot_general3A_307 {dimension_numbers = #tpu.dot_dimension_numbers<[1], [0], [0], [1], [0, 0, 1, 1], [], []>, transpose_lhs_hint = false} : vector<256x256xbf16>, vector<256x64xbf16>, vector<256x64xf32> -> vector<256x64xf32>
        %add3A_309 = arith.addf %get3A_305, %dot_general3A_308 : vector<256x64xf32>
        %swap3A_310 = arith.constant 0 : index
        %swap3A_311 = arith.constant 0 : index
        %swap3A_312 = vector.load %arg12[%swap3A_310, %swap3A_311] : memref<256x64xf32, #tpu.memory_space<vmem>>, vector<256x64xf32>
        tpu.vector_store %arg12[%swap3A_310, %swap3A_311], %add3A_309 {strides = array<i32>} : memref<256x64xf32, #tpu.memory_space<vmem>>, vector<256x64xf32>,
      } else {
      }
      %gt3A_83 = arith.constant 1792 : i32
      %gt3A_84 = arith.cmpi sgt, %get3A_0, %gt3A_83 : i32
      %convert_element_type3A_85 = arith.extui %gt3A_84 : i1 to i32
      %cond3A_86 = arith.constant 0 : i32
      %cond3A_87 = arith.cmpi ne, %convert_element_type3A_85, %cond3A_86 : i32
      scf.if %cond3A_87 {
        %mul3A_232 = arith.constant 128 : i32
        %mul3A_233 = arith.muli %arg1, %mul3A_232 : i32
        %add3A_234 = arith.constant 1024 : i32
        %add3A_235 = arith.addi %add3A_234, %mul3A_233 : i32
        %get3A_236 = arith.constant 1792 : index
        %get3A_237 = arith.index_cast %add3A_235 : i32 to index
        %get3A_238 = vector.load %arg7[%get3A_236, %get3A_237] : memref<2048x3072xbf16, #tpu.memory_space<vmem>>, vector<256x128xbf16>
        %slice3A_239 = vector.extract_strided_slice %get3A_238 {offsets = [0, 0], sizes = [256, 64], strides = [1, 1]} : vector<256x128xbf16> to vector<256x64xbf16>
        %mul3A_240 = arith.constant 128 : i32
        %mul3A_241 = arith.muli %arg1, %mul3A_240 : i32
        %add3A_242 = arith.constant 2048 : i32
        %add3A_243 = arith.addi %add3A_242, %mul3A_241 : i32
        %get3A_244 = arith.constant 1792 : index
        %get3A_245 = arith.index_cast %add3A_243 : i32 to index
        %get3A_246 = vector.load %arg7[%get3A_244, %get3A_245] : memref<2048x3072xbf16, #tpu.memory_space<vmem>>, vector<256x128xbf16>
        %slice3A_247 = vector.extract_strided_slice %get3A_246 {offsets = [0, 0], sizes = [256, 64], strides = [1, 1]} : vector<256x128xbf16> to vector<256x64xbf16>
        %get3A_248 = arith.constant 0 : index
        %get3A_249 = arith.constant 1792 : index
        %get3A_250 = vector.load %arg4[%get3A_248, %get3A_249] : memref<1x2048xi32, #tpu.memory_space<vmem>>, vector<1x256xi32>
        %get3A_251 = arith.constant 0 : index
        %get3A_252 = arith.constant 1792 : index
        %get3A_253 = vector.load %arg6[%get3A_251, %get3A_252] : memref<1x2048xi32, #tpu.memory_space<vmem>>, vector<1x256xi32>
        %sub3A_254 = vector.broadcast %get3A_30 : vector<256x1xi32> to vector<256x256xi32>
        %sub3A_255 = vector.broadcast %get3A_250 : vector<1x256xi32> to vector<256x256xi32>
        %sub3A_256 = arith.subi %sub3A_254, %sub3A_255 : vector<256x256xi32>
        %ge3A_257 = arith.constant 0 : i32
        %ge3A_258 = vector.broadcast %ge3A_257 : i32 to vector<256x256xi32>
        %ge3A_259 = arith.cmpi sge, %sub3A_256, %ge3A_258 : vector<256x256xi32>
        %le3A = arith.constant 2 : i32
        %le3A_260 = vector.broadcast %le3A : i32 to vector<256x256xi32>
        %le3A_261 = arith.cmpi sle, %sub3A_256, %le3A_260 : vector<256x256xi32>
        %and3A_262 = arith.andi %ge3A_259, %le3A_261 : vector<256x256xi1>
        %eq3A_263 = arith.constant 4 : i32
        %eq3A_264 = vector.broadcast %eq3A_263 : i32 to vector<256x256xi32>
        %eq3A_265 = arith.cmpi eq, %sub3A_256, %eq3A_264 : vector<256x256xi32>
        %or3A = arith.ori %and3A_262, %eq3A_265 : vector<256x256xi1>
        %lt3A_266 = arith.constant 129 : i32
        %lt3A_267 = vector.broadcast %lt3A_266 : i32 to vector<256x1xi32>
        %lt3A_268 = arith.cmpi slt, %get3A_33, %lt3A_267 : vector<256x1xi32>
        %ge3A_269 = arith.constant 0 : i32
        %ge3A_270 = vector.broadcast %ge3A_269 : i32 to vector<256x1xi32>
        %ge3A_271 = arith.cmpi sge, %get3A_30, %ge3A_270 : vector<256x1xi32>
        %and3A_272 = arith.andi %lt3A_268, %ge3A_271 : vector<256x1xi1>
        %ne3A = vector.broadcast %get3A_253 : vector<1x256xi32> to vector<256x256xi32>
        %ne3A_273 = vector.broadcast %get3A_33 : vector<256x1xi32> to vector<256x256xi32>
        %ne3A_274 = arith.cmpi ne, %ne3A, %ne3A_273 : vector<256x256xi32>
        %and3A_275 = vector.broadcast %and3A_272 : vector<256x1xi1> to vector<256x256xi1>
        %and3A_276 = arith.andi %and3A_275, %ne3A_274 : vector<256x256xi1>
        %lt3A_277 = arith.constant 129 : i32
        %lt3A_278 = vector.broadcast %lt3A_277 : i32 to vector<1x256xi32>
        %lt3A_279 = arith.cmpi slt, %get3A_253, %lt3A_278 : vector<1x256xi32>
        %and3A_280 = vector.broadcast %lt3A_279 : vector<1x256xi1> to vector<256x256xi1>
        %and3A_281 = arith.andi %and3A_276, %and3A_280 : vector<256x256xi1>
        %and3A_282 = arith.andi %and3A_281, %or3A : vector<256x256xi1>
        %dot_general3A_283 = arith.constant dense<0.000000e+00> : vector<256x256xf32>
        %dot_general3A_284 = tpu.matmul %slice3A, %slice3A_239, %dot_general3A_283 {dimension_numbers = #tpu.dot_dimension_numbers<[1], [1], [0], [0], [0, 0, 1, 0], [], []>, transpose_lhs_hint = false} : vector<256x64xbf16>, vector<256x64xbf16>, vector<256x256xf32> -> vector<256x256xf32>
        %sub3A_285 = vector.broadcast %broadcast_in_dim3A : vector<256x1xf32> to vector<256x256xf32>
        %sub3A_286 = arith.subf %dot_general3A_284, %sub3A_285 : vector<256x256xf32>
        %min3A = arith.constant 8.000000e+01 : f32
        %min3A_287 = vector.broadcast %min3A : f32 to vector<256x256xf32>
        %min3A_288 = arith.minimumf %sub3A_286, %min3A_287 : vector<256x256xf32>
        %exp3A_289 = math.exp %min3A_288 : vector<256x256xf32>
        %convert_element_type3A_290 = arith.extui %and3A_282 : vector<256x256xi1> to vector<256x256xi32>
        %convert_element_type3A_291 = arith.sitofp %convert_element_type3A_290 : vector<256x256xi32> to vector<256x256xf32>
        %mul3A_292 = arith.mulf %exp3A_289, %convert_element_type3A_291 : vector<256x256xf32>
        %get3A_293 = arith.constant 0 : index
        %get3A_294 = arith.constant 0 : index
        %get3A_295 = vector.load %arg13[%get3A_293, %get3A_294] : memref<256x1xf32, #tpu.memory_space<vmem>>, vector<256x1xf32>
        %reduce_sum3A_296 = arith.constant dense<0.000000e+00> : vector<256xf32>
        %reduce_sum3A_297 = vector.multi_reduction <add>, %mul3A_292, %reduce_sum3A_296 [1] : vector<256x256xf32> to vector<256xf32>
        %broadcast_in_dim3A_298 = vector.shape_cast %reduce_sum3A_297 : vector<256xf32> to vector<256x1xf32>
        %add3A_299 = arith.addf %get3A_295, %broadcast_in_dim3A_298 : vector<256x1xf32>
        %swap3A_300 = arith.constant 0 : index
        %swap3A_301 = arith.constant 0 : index
        %swap3A_302 = vector.load %arg13[%swap3A_300, %swap3A_301] : memref<256x1xf32, #tpu.memory_space<vmem>>, vector<256x1xf32>
        tpu.vector_store %arg13[%swap3A_300, %swap3A_301], %add3A_299 {strides = array<i32>} : memref<256x1xf32, #tpu.memory_space<vmem>>, vector<256x1xf32>,
        %get3A_303 = arith.constant 0 : index
        %get3A_304 = arith.constant 0 : index
        %get3A_305 = vector.load %arg12[%get3A_303, %get3A_304] : memref<256x64xf32, #tpu.memory_space<vmem>>, vector<256x64xf32>
        %convert_element_type3A_306 = arith.truncf %mul3A_292 : vector<256x256xf32> to vector<256x256xbf16>
        %dot_general3A_307 = arith.constant dense<0.000000e+00> : vector<256x64xf32>
        %dot_general3A_308 = tpu.matmul %convert_element_type3A_306, %slice3A_247, %dot_general3A_307 {dimension_numbers = #tpu.dot_dimension_numbers<[1], [0], [0], [1], [0, 0, 1, 1], [], []>, transpose_lhs_hint = false} : vector<256x256xbf16>, vector<256x64xbf16>, vector<256x64xf32> -> vector<256x64xf32>
        %add3A_309 = arith.addf %get3A_305, %dot_general3A_308 : vector<256x64xf32>
        %swap3A_310 = arith.constant 0 : index
        %swap3A_311 = arith.constant 0 : index
        %swap3A_312 = vector.load %arg12[%swap3A_310, %swap3A_311] : memref<256x64xf32, #tpu.memory_space<vmem>>, vector<256x64xf32>
        tpu.vector_store %arg12[%swap3A_310, %swap3A_311], %add3A_309 {strides = array<i32>} : memref<256x64xf32, #tpu.memory_space<vmem>>, vector<256x64xf32>,
      } else {
      }
      %sub3A = vector.broadcast %broadcast_in_dim3A : vector<256x1xf32> to vector<256x1536xf32>
      %sub3A_88 = arith.subf %dot_general3A_68, %sub3A : vector<256x1536xf32>
      %exp3A = math.exp %sub3A_88 : vector<256x1536xf32>
      %convert_element_type3A_89 = arith.truncf %exp3A : vector<256x1536xf32> to vector<256x1536xbf16>
      %mul3A_90 = arith.mulf %convert_element_type3A_89, %get3A_59 : vector<256x1536xbf16>
      %convert_element_type3A_91 = arith.extf %mul3A_90 : vector<256x1536xbf16> to vector<256x1536xf32>
      %reduce_sum3A = arith.constant dense<0.000000e+00> : vector<256xf32>
      %reduce_sum3A_92 = vector.multi_reduction <add>, %convert_element_type3A_91, %reduce_sum3A [1] : vector<256x1536xf32> to vector<256xf32>
      %broadcast_in_dim3A_93 = vector.shape_cast %reduce_sum3A_92 : vector<256xf32> to vector<256x1xf32>
      %dot_general3A_94 = arith.constant dense<0.000000e+00> : vector<256x64xf32>
      %dot_general3A_95 = tpu.matmul %mul3A_90, %slice3A_67, %dot_general3A_94 {dimension_numbers = #tpu.dot_dimension_numbers<[1], [0], [0], [1], [0, 0, 1, 1], [], []>, transpose_lhs_hint = false} : vector<256x1536xbf16>, vector<1536x64xbf16>, vector<256x64xf32> -> vector<256x64xf32>
      %eq3A_96 = arith.constant 0.000000e+00 : f32
      %eq3A_97 = vector.broadcast %eq3A_96 : f32 to vector<256x1xf32>
      %eq3A_98 = arith.cmpf oeq, %broadcast_in_dim3A_93, %eq3A_97 : vector<256x1xf32>
      %jit3A = arith.constant 1.000000e+00 : f32
      %broadcast_in_dim3A_99 = vector.broadcast %jit3A : f32 to vector<256x1xf32>
      %select_n3A = arith.select %eq3A_98, %broadcast_in_dim3A_99, %broadcast_in_dim3A_93 : vector<256x1xi1>, vector<256x1xf32>
      %div3A = vector.broadcast %select_n3A : vector<256x1xf32> to vector<256x64xf32>
      %div3A_100 = arith.divf %dot_general3A_95, %div3A : vector<256x64xf32>
      %mul3A_101 = arith.mulf %convert_element_type3A_89, %get3A_62 : vector<256x1536xbf16>
      %convert_element_type3A_102 = arith.extf %mul3A_101 : vector<256x1536xbf16> to vector<256x1536xf32>
      %reduce_sum3A_103 = arith.constant dense<0.000000e+00> : vector<256xf32>
      %reduce_sum3A_104 = vector.multi_reduction <add>, %convert_element_type3A_102, %reduce_sum3A_103 [1] : vector<256x1536xf32> to vector<256xf32>
      %broadcast_in_dim3A_105 = vector.shape_cast %reduce_sum3A_104 : vector<256xf32> to vector<256x1xf32>
      %get3A_106 = arith.constant 0 : index
      %get3A_107 = arith.constant 0 : index
      %get3A_108 = vector.load %arg13[%get3A_106, %get3A_107] : memref<256x1xf32, #tpu.memory_space<vmem>>, vector<256x1xf32>
      %add3A_109 = arith.addf %broadcast_in_dim3A_105, %get3A_108 : vector<256x1xf32>
      %dot_general3A_110 = arith.constant dense<0.000000e+00> : vector<256x64xf32>
      %dot_general3A_111 = tpu.matmul %mul3A_101, %slice3A_67, %dot_general3A_110 {dimension_numbers = #tpu.dot_dimension_numbers<[1], [0], [0], [1], [0, 0, 1, 1], [], []>, transpose_lhs_hint = false} : vector<256x1536xbf16>, vector<1536x64xbf16>, vector<256x64xf32> -> vector<256x64xf32>
      %get3A_112 = arith.constant 0 : index
      %get3A_113 = arith.constant 0 : index
      %get3A_114 = vector.load %arg12[%get3A_112, %get3A_113] : memref<256x64xf32, #tpu.memory_space<vmem>>, vector<256x64xf32>
      %add3A_115 = arith.addf %dot_general3A_111, %get3A_114 : vector<256x64xf32>
      %eq3A_116 = arith.constant 0.000000e+00 : f32
      %eq3A_117 = vector.broadcast %eq3A_116 : f32 to vector<256x1xf32>
      %eq3A_118 = arith.cmpf oeq, %add3A_109, %eq3A_117 : vector<256x1xf32>
      %jit3A_119 = arith.constant 1.000000e+00 : f32
      %broadcast_in_dim3A_120 = vector.broadcast %jit3A_119 : f32 to vector<256x1xf32>
      %select_n3A_121 = arith.select %eq3A_118, %broadcast_in_dim3A_120, %add3A_109 : vector<256x1xi1>, vector<256x1xf32>
      %div3A_122 = vector.broadcast %select_n3A_121 : vector<256x1xf32> to vector<256x64xf32>
      %div3A_123 = arith.divf %add3A_115, %div3A_122 : vector<256x64xf32>
      %add3A_124 = arith.addf %div3A_100, %div3A_123 : vector<256x64xf32>
      %mul3A_125 = arith.mulf %convert_element_type3A_89, %get3A_65 : vector<256x1536xbf16>
      %convert_element_type3A_126 = arith.extf %mul3A_125 : vector<256x1536xbf16> to vector<256x1536xf32>
      %reduce_sum3A_127 = arith.constant dense<0.000000e+00> : vector<256xf32>
      %reduce_sum3A_128 = vector.multi_reduction <add>, %convert_element_type3A_126, %reduce_sum3A_127 [1] : vector<256x1536xf32> to vector<256xf32>
      %broadcast_in_dim3A_129 = vector.shape_cast %reduce_sum3A_128 : vector<256xf32> to vector<256x1xf32>
      %dot_general3A_130 = arith.constant dense<0.000000e+00> : vector<256x64xf32>
      %dot_general3A_131 = tpu.matmul %mul3A_125, %slice3A_67, %dot_general3A_130 {dimension_numbers = #tpu.dot_dimension_numbers<[1], [0], [0], [1], [0, 0, 1, 1], [], []>, transpose_lhs_hint = false} : vector<256x1536xbf16>, vector<1536x64xbf16>, vector<256x64xf32> -> vector<256x64xf32>
      %eq3A_132 = arith.constant 0.000000e+00 : f32
      %eq3A_133 = vector.broadcast %eq3A_132 : f32 to vector<256x1xf32>
      %eq3A_134 = arith.cmpf oeq, %broadcast_in_dim3A_129, %eq3A_133 : vector<256x1xf32>
      %jit3A_135 = arith.constant 1.000000e+00 : f32
      %broadcast_in_dim3A_136 = vector.broadcast %jit3A_135 : f32 to vector<256x1xf32>
      %select_n3A_137 = arith.select %eq3A_134, %broadcast_in_dim3A_136, %broadcast_in_dim3A_129 : vector<256x1xi1>, vector<256x1xf32>
      %div3A_138 = vector.broadcast %select_n3A_137 : vector<256x1xf32> to vector<256x64xf32>
      %div3A_139 = arith.divf %dot_general3A_131, %div3A_138 : vector<256x64xf32>
      %add3A_140 = arith.addf %add3A_124, %div3A_139 : vector<256x64xf32>
      %slice3A_141 = vector.extract_strided_slice %get3A_43 {offsets = [0, 64], sizes = [256, 64], strides = [1, 1]} : vector<256x128xbf16> to vector<256x64xbf16>
      %slice3A_142 = vector.extract_strided_slice %get3A_49 {offsets = [0, 64], sizes = [1536, 64], strides = [1, 1]} : vector<1536x128xbf16> to vector<1536x64xbf16>
      %slice3A_143 = vector.extract_strided_slice %get3A_56 {offsets = [0, 64], sizes = [1536, 64], strides = [1, 1]} : vector<1536x128xbf16> to vector<1536x64xbf16>
      %dot_general3A_144 = arith.constant dense<0.000000e+00> : vector<256x1536xf32>
      %dot_general3A_145 = tpu.matmul %slice3A_141, %slice3A_142, %dot_general3A_144 {dimension_numbers = #tpu.dot_dimension_numbers<[1], [1], [0], [0], [0, 0, 1, 0], [], []>, transpose_lhs_hint = false} : vector<256x64xbf16>, vector<1536x64xbf16>, vector<256x1536xf32> -> vector<256x1536xf32>
      %reduce_max3A_146 = arith.constant dense<0xFF800000> : vector<256xf32>
      %reduce_max3A_147 = vector.multi_reduction <maximumf>, %dot_general3A_145, %reduce_max3A_146 [1] : vector<256x1536xf32> to vector<256xf32>
      %broadcast_in_dim3A_148 = vector.shape_cast %reduce_max3A_147 : vector<256xf32> to vector<256x1xf32>
      %broadcast_in_dim3A_149 = arith.constant 0.000000e+00 : f32
      %broadcast_in_dim3A_150 = vector.broadcast %broadcast_in_dim3A_149 : f32 to vector<256x64xf32>
      %swap3A_151 = arith.constant 0 : index
      %swap3A_152 = arith.constant 0 : index
      %swap3A_153 = vector.load %arg12[%swap3A_151, %swap3A_152] : memref<256x64xf32, #tpu.memory_space<vmem>>, vector<256x64xf32>
      tpu.vector_store %arg12[%swap3A_151, %swap3A_152], %broadcast_in_dim3A_150 {strides = array<i32>} : memref<256x64xf32, #tpu.memory_space<vmem>>, vector<256x64xf32>,
      %broadcast_in_dim3A_154 = arith.constant 0.000000e+00 : f32
      %broadcast_in_dim3A_155 = vector.broadcast %broadcast_in_dim3A_154 : f32 to vector<256x1xf32>
      %swap3A_156 = arith.constant 0 : index
      %swap3A_157 = arith.constant 0 : index
      %swap3A_158 = vector.load %arg13[%swap3A_156, %swap3A_157] : memref<256x1xf32, #tpu.memory_space<vmem>>, vector<256x1xf32>
      tpu.vector_store %arg13[%swap3A_156, %swap3A_157], %broadcast_in_dim3A_155 {strides = array<i32>} : memref<256x1xf32, #tpu.memory_space<vmem>>, vector<256x1xf32>,
      %gt3A_159 = arith.constant 1536 : i32
      %gt3A_160 = arith.cmpi sgt, %get3A_0, %gt3A_159 : i32
      %convert_element_type3A_161 = arith.extui %gt3A_160 : i1 to i32
      %cond3A_162 = arith.constant 0 : i32
      %cond3A_163 = arith.cmpi ne, %convert_element_type3A_161, %cond3A_162 : i32
      scf.if %cond3A_163 {
        %mul3A_232 = arith.constant 128 : i32
        %mul3A_233 = arith.muli %arg1, %mul3A_232 : i32
        %add3A_234 = arith.constant 1024 : i32
        %add3A_235 = arith.addi %add3A_234, %mul3A_233 : i32
        %get3A_236 = arith.constant 1536 : index
        %get3A_237 = arith.index_cast %add3A_235 : i32 to index
        %get3A_238 = vector.load %arg7[%get3A_236, %get3A_237] : memref<2048x3072xbf16, #tpu.memory_space<vmem>>, vector<256x128xbf16>
        %slice3A_239 = vector.extract_strided_slice %get3A_238 {offsets = [0, 64], sizes = [256, 64], strides = [1, 1]} : vector<256x128xbf16> to vector<256x64xbf16>
        %mul3A_240 = arith.constant 128 : i32
        %mul3A_241 = arith.muli %arg1, %mul3A_240 : i32
        %add3A_242 = arith.constant 2048 : i32
        %add3A_243 = arith.addi %add3A_242, %mul3A_241 : i32
        %get3A_244 = arith.constant 1536 : index
        %get3A_245 = arith.index_cast %add3A_243 : i32 to index
        %get3A_246 = vector.load %arg7[%get3A_244, %get3A_245] : memref<2048x3072xbf16, #tpu.memory_space<vmem>>, vector<256x128xbf16>
        %slice3A_247 = vector.extract_strided_slice %get3A_246 {offsets = [0, 64], sizes = [256, 64], strides = [1, 1]} : vector<256x128xbf16> to vector<256x64xbf16>
        %get3A_248 = arith.constant 0 : index
        %get3A_249 = arith.constant 1536 : index
        %get3A_250 = vector.load %arg4[%get3A_248, %get3A_249] : memref<1x2048xi32, #tpu.memory_space<vmem>>, vector<1x256xi32>
        %get3A_251 = arith.constant 0 : index
        %get3A_252 = arith.constant 1536 : index
        %get3A_253 = vector.load %arg6[%get3A_251, %get3A_252] : memref<1x2048xi32, #tpu.memory_space<vmem>>, vector<1x256xi32>
        %sub3A_254 = vector.broadcast %get3A_30 : vector<256x1xi32> to vector<256x256xi32>
        %sub3A_255 = vector.broadcast %get3A_250 : vector<1x256xi32> to vector<256x256xi32>
        %sub3A_256 = arith.subi %sub3A_254, %sub3A_255 : vector<256x256xi32>
        %ge3A_257 = arith.constant 0 : i32
        %ge3A_258 = vector.broadcast %ge3A_257 : i32 to vector<256x256xi32>
        %ge3A_259 = arith.cmpi sge, %sub3A_256, %ge3A_258 : vector<256x256xi32>
        %le3A = arith.constant 2 : i32
        %le3A_260 = vector.broadcast %le3A : i32 to vector<256x256xi32>
        %le3A_261 = arith.cmpi sle, %sub3A_256, %le3A_260 : vector<256x256xi32>
        %and3A_262 = arith.andi %ge3A_259, %le3A_261 : vector<256x256xi1>
        %eq3A_263 = arith.constant 4 : i32
        %eq3A_264 = vector.broadcast %eq3A_263 : i32 to vector<256x256xi32>
        %eq3A_265 = arith.cmpi eq, %sub3A_256, %eq3A_264 : vector<256x256xi32>
        %or3A = arith.ori %and3A_262, %eq3A_265 : vector<256x256xi1>
        %lt3A_266 = arith.constant 129 : i32
        %lt3A_267 = vector.broadcast %lt3A_266 : i32 to vector<256x1xi32>
        %lt3A_268 = arith.cmpi slt, %get3A_33, %lt3A_267 : vector<256x1xi32>
        %ge3A_269 = arith.constant 0 : i32
        %ge3A_270 = vector.broadcast %ge3A_269 : i32 to vector<256x1xi32>
        %ge3A_271 = arith.cmpi sge, %get3A_30, %ge3A_270 : vector<256x1xi32>
        %and3A_272 = arith.andi %lt3A_268, %ge3A_271 : vector<256x1xi1>
        %ne3A = vector.broadcast %get3A_253 : vector<1x256xi32> to vector<256x256xi32>
        %ne3A_273 = vector.broadcast %get3A_33 : vector<256x1xi32> to vector<256x256xi32>
        %ne3A_274 = arith.cmpi ne, %ne3A, %ne3A_273 : vector<256x256xi32>
        %and3A_275 = vector.broadcast %and3A_272 : vector<256x1xi1> to vector<256x256xi1>
        %and3A_276 = arith.andi %and3A_275, %ne3A_274 : vector<256x256xi1>
        %lt3A_277 = arith.constant 129 : i32
        %lt3A_278 = vector.broadcast %lt3A_277 : i32 to vector<1x256xi32>
        %lt3A_279 = arith.cmpi slt, %get3A_253, %lt3A_278 : vector<1x256xi32>
        %and3A_280 = vector.broadcast %lt3A_279 : vector<1x256xi1> to vector<256x256xi1>
        %and3A_281 = arith.andi %and3A_276, %and3A_280 : vector<256x256xi1>
        %and3A_282 = arith.andi %and3A_281, %or3A : vector<256x256xi1>
        %dot_general3A_283 = arith.constant dense<0.000000e+00> : vector<256x256xf32>
        %dot_general3A_284 = tpu.matmul %slice3A_141, %slice3A_239, %dot_general3A_283 {dimension_numbers = #tpu.dot_dimension_numbers<[1], [1], [0], [0], [0, 0, 1, 0], [], []>, transpose_lhs_hint = false} : vector<256x64xbf16>, vector<256x64xbf16>, vector<256x256xf32> -> vector<256x256xf32>
        %sub3A_285 = vector.broadcast %broadcast_in_dim3A_148 : vector<256x1xf32> to vector<256x256xf32>
        %sub3A_286 = arith.subf %dot_general3A_284, %sub3A_285 : vector<256x256xf32>
        %min3A = arith.constant 8.000000e+01 : f32
        %min3A_287 = vector.broadcast %min3A : f32 to vector<256x256xf32>
        %min3A_288 = arith.minimumf %sub3A_286, %min3A_287 : vector<256x256xf32>
        %exp3A_289 = math.exp %min3A_288 : vector<256x256xf32>
        %convert_element_type3A_290 = arith.extui %and3A_282 : vector<256x256xi1> to vector<256x256xi32>
        %convert_element_type3A_291 = arith.sitofp %convert_element_type3A_290 : vector<256x256xi32> to vector<256x256xf32>
        %mul3A_292 = arith.mulf %exp3A_289, %convert_element_type3A_291 : vector<256x256xf32>
        %get3A_293 = arith.constant 0 : index
        %get3A_294 = arith.constant 0 : index
        %get3A_295 = vector.load %arg13[%get3A_293, %get3A_294] : memref<256x1xf32, #tpu.memory_space<vmem>>, vector<256x1xf32>
        %reduce_sum3A_296 = arith.constant dense<0.000000e+00> : vector<256xf32>
        %reduce_sum3A_297 = vector.multi_reduction <add>, %mul3A_292, %reduce_sum3A_296 [1] : vector<256x256xf32> to vector<256xf32>
        %broadcast_in_dim3A_298 = vector.shape_cast %reduce_sum3A_297 : vector<256xf32> to vector<256x1xf32>
        %add3A_299 = arith.addf %get3A_295, %broadcast_in_dim3A_298 : vector<256x1xf32>
        %swap3A_300 = arith.constant 0 : index
        %swap3A_301 = arith.constant 0 : index
        %swap3A_302 = vector.load %arg13[%swap3A_300, %swap3A_301] : memref<256x1xf32, #tpu.memory_space<vmem>>, vector<256x1xf32>
        tpu.vector_store %arg13[%swap3A_300, %swap3A_301], %add3A_299 {strides = array<i32>} : memref<256x1xf32, #tpu.memory_space<vmem>>, vector<256x1xf32>,
        %get3A_303 = arith.constant 0 : index
        %get3A_304 = arith.constant 0 : index
        %get3A_305 = vector.load %arg12[%get3A_303, %get3A_304] : memref<256x64xf32, #tpu.memory_space<vmem>>, vector<256x64xf32>
        %convert_element_type3A_306 = arith.truncf %mul3A_292 : vector<256x256xf32> to vector<256x256xbf16>
        %dot_general3A_307 = arith.constant dense<0.000000e+00> : vector<256x64xf32>
        %dot_general3A_308 = tpu.matmul %convert_element_type3A_306, %slice3A_247, %dot_general3A_307 {dimension_numbers = #tpu.dot_dimension_numbers<[1], [0], [0], [1], [0, 0, 1, 1], [], []>, transpose_lhs_hint = false} : vector<256x256xbf16>, vector<256x64xbf16>, vector<256x64xf32> -> vector<256x64xf32>
        %add3A_309 = arith.addf %get3A_305, %dot_general3A_308 : vector<256x64xf32>
        %swap3A_310 = arith.constant 0 : index
        %swap3A_311 = arith.constant 0 : index
        %swap3A_312 = vector.load %arg12[%swap3A_310, %swap3A_311] : memref<256x64xf32, #tpu.memory_space<vmem>>, vector<256x64xf32>
        tpu.vector_store %arg12[%swap3A_310, %swap3A_311], %add3A_309 {strides = array<i32>} : memref<256x64xf32, #tpu.memory_space<vmem>>, vector<256x64xf32>,
      } else {
      }
      %gt3A_164 = arith.constant 1792 : i32
      %gt3A_165 = arith.cmpi sgt, %get3A_0, %gt3A_164 : i32
      %convert_element_type3A_166 = arith.extui %gt3A_165 : i1 to i32
      %cond3A_167 = arith.constant 0 : i32
      %cond3A_168 = arith.cmpi ne, %convert_element_type3A_166, %cond3A_167 : i32
      scf.if %cond3A_168 {
        %mul3A_232 = arith.constant 128 : i32
        %mul3A_233 = arith.muli %arg1, %mul3A_232 : i32
        %add3A_234 = arith.constant 1024 : i32
        %add3A_235 = arith.addi %add3A_234, %mul3A_233 : i32
        %get3A_236 = arith.constant 1792 : index
        %get3A_237 = arith.index_cast %add3A_235 : i32 to index
        %get3A_238 = vector.load %arg7[%get3A_236, %get3A_237] : memref<2048x3072xbf16, #tpu.memory_space<vmem>>, vector<256x128xbf16>
        %slice3A_239 = vector.extract_strided_slice %get3A_238 {offsets = [0, 64], sizes = [256, 64], strides = [1, 1]} : vector<256x128xbf16> to vector<256x64xbf16>
        %mul3A_240 = arith.constant 128 : i32
        %mul3A_241 = arith.muli %arg1, %mul3A_240 : i32
        %add3A_242 = arith.constant 2048 : i32
        %add3A_243 = arith.addi %add3A_242, %mul3A_241 : i32
        %get3A_244 = arith.constant 1792 : index
        %get3A_245 = arith.index_cast %add3A_243 : i32 to index
        %get3A_246 = vector.load %arg7[%get3A_244, %get3A_245] : memref<2048x3072xbf16, #tpu.memory_space<vmem>>, vector<256x128xbf16>
        %slice3A_247 = vector.extract_strided_slice %get3A_246 {offsets = [0, 64], sizes = [256, 64], strides = [1, 1]} : vector<256x128xbf16> to vector<256x64xbf16>
        %get3A_248 = arith.constant 0 : index
        %get3A_249 = arith.constant 1792 : index
        %get3A_250 = vector.load %arg4[%get3A_248, %get3A_249] : memref<1x2048xi32, #tpu.memory_space<vmem>>, vector<1x256xi32>
        %get3A_251 = arith.constant 0 : index
        %get3A_252 = arith.constant 1792 : index
        %get3A_253 = vector.load %arg6[%get3A_251, %get3A_252] : memref<1x2048xi32, #tpu.memory_space<vmem>>, vector<1x256xi32>
        %sub3A_254 = vector.broadcast %get3A_30 : vector<256x1xi32> to vector<256x256xi32>
        %sub3A_255 = vector.broadcast %get3A_250 : vector<1x256xi32> to vector<256x256xi32>
        %sub3A_256 = arith.subi %sub3A_254, %sub3A_255 : vector<256x256xi32>
        %ge3A_257 = arith.constant 0 : i32
        %ge3A_258 = vector.broadcast %ge3A_257 : i32 to vector<256x256xi32>
        %ge3A_259 = arith.cmpi sge, %sub3A_256, %ge3A_258 : vector<256x256xi32>
        %le3A = arith.constant 2 : i32
        %le3A_260 = vector.broadcast %le3A : i32 to vector<256x256xi32>
        %le3A_261 = arith.cmpi sle, %sub3A_256, %le3A_260 : vector<256x256xi32>
        %and3A_262 = arith.andi %ge3A_259, %le3A_261 : vector<256x256xi1>
        %eq3A_263 = arith.constant 4 : i32
        %eq3A_264 = vector.broadcast %eq3A_263 : i32 to vector<256x256xi32>
        %eq3A_265 = arith.cmpi eq, %sub3A_256, %eq3A_264 : vector<256x256xi32>
        %or3A = arith.ori %and3A_262, %eq3A_265 : vector<256x256xi1>
        %lt3A_266 = arith.constant 129 : i32
        %lt3A_267 = vector.broadcast %lt3A_266 : i32 to vector<256x1xi32>
        %lt3A_268 = arith.cmpi slt, %get3A_33, %lt3A_267 : vector<256x1xi32>
        %ge3A_269 = arith.constant 0 : i32
        %ge3A_270 = vector.broadcast %ge3A_269 : i32 to vector<256x1xi32>
        %ge3A_271 = arith.cmpi sge, %get3A_30, %ge3A_270 : vector<256x1xi32>
        %and3A_272 = arith.andi %lt3A_268, %ge3A_271 : vector<256x1xi1>
        %ne3A = vector.broadcast %get3A_253 : vector<1x256xi32> to vector<256x256xi32>
        %ne3A_273 = vector.broadcast %get3A_33 : vector<256x1xi32> to vector<256x256xi32>
        %ne3A_274 = arith.cmpi ne, %ne3A, %ne3A_273 : vector<256x256xi32>
        %and3A_275 = vector.broadcast %and3A_272 : vector<256x1xi1> to vector<256x256xi1>
        %and3A_276 = arith.andi %and3A_275, %ne3A_274 : vector<256x256xi1>
        %lt3A_277 = arith.constant 129 : i32
        %lt3A_278 = vector.broadcast %lt3A_277 : i32 to vector<1x256xi32>
        %lt3A_279 = arith.cmpi slt, %get3A_253, %lt3A_278 : vector<1x256xi32>
        %and3A_280 = vector.broadcast %lt3A_279 : vector<1x256xi1> to vector<256x256xi1>
        %and3A_281 = arith.andi %and3A_276, %and3A_280 : vector<256x256xi1>
        %and3A_282 = arith.andi %and3A_281, %or3A : vector<256x256xi1>
        %dot_general3A_283 = arith.constant dense<0.000000e+00> : vector<256x256xf32>
        %dot_general3A_284 = tpu.matmul %slice3A_141, %slice3A_239, %dot_general3A_283 {dimension_numbers = #tpu.dot_dimension_numbers<[1], [1], [0], [0], [0, 0, 1, 0], [], []>, transpose_lhs_hint = false} : vector<256x64xbf16>, vector<256x64xbf16>, vector<256x256xf32> -> vector<256x256xf32>
        %sub3A_285 = vector.broadcast %broadcast_in_dim3A_148 : vector<256x1xf32> to vector<256x256xf32>
        %sub3A_286 = arith.subf %dot_general3A_284, %sub3A_285 : vector<256x256xf32>
        %min3A = arith.constant 8.000000e+01 : f32
        %min3A_287 = vector.broadcast %min3A : f32 to vector<256x256xf32>
        %min3A_288 = arith.minimumf %sub3A_286, %min3A_287 : vector<256x256xf32>
        %exp3A_289 = math.exp %min3A_288 : vector<256x256xf32>
        %convert_element_type3A_290 = arith.extui %and3A_282 : vector<256x256xi1> to vector<256x256xi32>
        %convert_element_type3A_291 = arith.sitofp %convert_element_type3A_290 : vector<256x256xi32> to vector<256x256xf32>
        %mul3A_292 = arith.mulf %exp3A_289, %convert_element_type3A_291 : vector<256x256xf32>
        %get3A_293 = arith.constant 0 : index
        %get3A_294 = arith.constant 0 : index
        %get3A_295 = vector.load %arg13[%get3A_293, %get3A_294] : memref<256x1xf32, #tpu.memory_space<vmem>>, vector<256x1xf32>
        %reduce_sum3A_296 = arith.constant dense<0.000000e+00> : vector<256xf32>
        %reduce_sum3A_297 = vector.multi_reduction <add>, %mul3A_292, %reduce_sum3A_296 [1] : vector<256x256xf32> to vector<256xf32>
        %broadcast_in_dim3A_298 = vector.shape_cast %reduce_sum3A_297 : vector<256xf32> to vector<256x1xf32>
        %add3A_299 = arith.addf %get3A_295, %broadcast_in_dim3A_298 : vector<256x1xf32>
        %swap3A_300 = arith.constant 0 : index
        %swap3A_301 = arith.constant 0 : index
        %swap3A_302 = vector.load %arg13[%swap3A_300, %swap3A_301] : memref<256x1xf32, #tpu.memory_space<vmem>>, vector<256x1xf32>
        tpu.vector_store %arg13[%swap3A_300, %swap3A_301], %add3A_299 {strides = array<i32>} : memref<256x1xf32, #tpu.memory_space<vmem>>, vector<256x1xf32>,
        %get3A_303 = arith.constant 0 : index
        %get3A_304 = arith.constant 0 : index
        %get3A_305 = vector.load %arg12[%get3A_303, %get3A_304] : memref<256x64xf32, #tpu.memory_space<vmem>>, vector<256x64xf32>
        %convert_element_type3A_306 = arith.truncf %mul3A_292 : vector<256x256xf32> to vector<256x256xbf16>
        %dot_general3A_307 = arith.constant dense<0.000000e+00> : vector<256x64xf32>
        %dot_general3A_308 = tpu.matmul %convert_element_type3A_306, %slice3A_247, %dot_general3A_307 {dimension_numbers = #tpu.dot_dimension_numbers<[1], [0], [0], [1], [0, 0, 1, 1], [], []>, transpose_lhs_hint = false} : vector<256x256xbf16>, vector<256x64xbf16>, vector<256x64xf32> -> vector<256x64xf32>
        %add3A_309 = arith.addf %get3A_305, %dot_general3A_308 : vector<256x64xf32>
        %swap3A_310 = arith.constant 0 : index
        %swap3A_311 = arith.constant 0 : index
        %swap3A_312 = vector.load %arg12[%swap3A_310, %swap3A_311] : memref<256x64xf32, #tpu.memory_space<vmem>>, vector<256x64xf32>
        tpu.vector_store %arg12[%swap3A_310, %swap3A_311], %add3A_309 {strides = array<i32>} : memref<256x64xf32, #tpu.memory_space<vmem>>, vector<256x64xf32>,
      } else {
      }
      %sub3A_169 = vector.broadcast %broadcast_in_dim3A_148 : vector<256x1xf32> to vector<256x1536xf32>
      %sub3A_170 = arith.subf %dot_general3A_145, %sub3A_169 : vector<256x1536xf32>
      %exp3A_171 = math.exp %sub3A_170 : vector<256x1536xf32>
      %convert_element_type3A_172 = arith.truncf %exp3A_171 : vector<256x1536xf32> to vector<256x1536xbf16>
      %mul3A_173 = arith.mulf %convert_element_type3A_172, %get3A_59 : vector<256x1536xbf16>
      %convert_element_type3A_174 = arith.extf %mul3A_173 : vector<256x1536xbf16> to vector<256x1536xf32>
      %reduce_sum3A_175 = arith.constant dense<0.000000e+00> : vector<256xf32>
      %reduce_sum3A_176 = vector.multi_reduction <add>, %convert_element_type3A_174, %reduce_sum3A_175 [1] : vector<256x1536xf32> to vector<256xf32>
      %broadcast_in_dim3A_177 = vector.shape_cast %reduce_sum3A_176 : vector<256xf32> to vector<256x1xf32>
      %dot_general3A_178 = arith.constant dense<0.000000e+00> : vector<256x64xf32>
      %dot_general3A_179 = tpu.matmul %mul3A_173, %slice3A_143, %dot_general3A_178 {dimension_numbers = #tpu.dot_dimension_numbers<[1], [0], [0], [1], [0, 0, 1, 1], [], []>, transpose_lhs_hint = false} : vector<256x1536xbf16>, vector<1536x64xbf16>, vector<256x64xf32> -> vector<256x64xf32>
      %eq3A_180 = arith.constant 0.000000e+00 : f32
      %eq3A_181 = vector.broadcast %eq3A_180 : f32 to vector<256x1xf32>
      %eq3A_182 = arith.cmpf oeq, %broadcast_in_dim3A_177, %eq3A_181 : vector<256x1xf32>
      %jit3A_183 = arith.constant 1.000000e+00 : f32
      %broadcast_in_dim3A_184 = vector.broadcast %jit3A_183 : f32 to vector<256x1xf32>
      %select_n3A_185 = arith.select %eq3A_182, %broadcast_in_dim3A_184, %broadcast_in_dim3A_177 : vector<256x1xi1>, vector<256x1xf32>
      %div3A_186 = vector.broadcast %select_n3A_185 : vector<256x1xf32> to vector<256x64xf32>
      %div3A_187 = arith.divf %dot_general3A_179, %div3A_186 : vector<256x64xf32>
      %mul3A_188 = arith.mulf %convert_element_type3A_172, %get3A_62 : vector<256x1536xbf16>
      %convert_element_type3A_189 = arith.extf %mul3A_188 : vector<256x1536xbf16> to vector<256x1536xf32>
      %reduce_sum3A_190 = arith.constant dense<0.000000e+00> : vector<256xf32>
      %reduce_sum3A_191 = vector.multi_reduction <add>, %convert_element_type3A_189, %reduce_sum3A_190 [1] : vector<256x1536xf32> to vector<256xf32>
      %broadcast_in_dim3A_192 = vector.shape_cast %reduce_sum3A_191 : vector<256xf32> to vector<256x1xf32>
      %get3A_193 = arith.constant 0 : index
      %get3A_194 = arith.constant 0 : index
      %get3A_195 = vector.load %arg13[%get3A_193, %get3A_194] : memref<256x1xf32, #tpu.memory_space<vmem>>, vector<256x1xf32>
      %add3A_196 = arith.addf %broadcast_in_dim3A_192, %get3A_195 : vector<256x1xf32>
      %dot_general3A_197 = arith.constant dense<0.000000e+00> : vector<256x64xf32>
      %dot_general3A_198 = tpu.matmul %mul3A_188, %slice3A_143, %dot_general3A_197 {dimension_numbers = #tpu.dot_dimension_numbers<[1], [0], [0], [1], [0, 0, 1, 1], [], []>, transpose_lhs_hint = false} : vector<256x1536xbf16>, vector<1536x64xbf16>, vector<256x64xf32> -> vector<256x64xf32>
      %get3A_199 = arith.constant 0 : index
      %get3A_200 = arith.constant 0 : index
      %get3A_201 = vector.load %arg12[%get3A_199, %get3A_200] : memref<256x64xf32, #tpu.memory_space<vmem>>, vector<256x64xf32>
      %add3A_202 = arith.addf %dot_general3A_198, %get3A_201 : vector<256x64xf32>
      %eq3A_203 = arith.constant 0.000000e+00 : f32
      %eq3A_204 = vector.broadcast %eq3A_203 : f32 to vector<256x1xf32>
      %eq3A_205 = arith.cmpf oeq, %add3A_196, %eq3A_204 : vector<256x1xf32>
      %jit3A_206 = arith.constant 1.000000e+00 : f32
      %broadcast_in_dim3A_207 = vector.broadcast %jit3A_206 : f32 to vector<256x1xf32>
      %select_n3A_208 = arith.select %eq3A_205, %broadcast_in_dim3A_207, %add3A_196 : vector<256x1xi1>, vector<256x1xf32>
      %div3A_209 = vector.broadcast %select_n3A_208 : vector<256x1xf32> to vector<256x64xf32>
      %div3A_210 = arith.divf %add3A_202, %div3A_209 : vector<256x64xf32>
      %add3A_211 = arith.addf %div3A_187, %div3A_210 : vector<256x64xf32>
      %mul3A_212 = arith.mulf %convert_element_type3A_172, %get3A_65 : vector<256x1536xbf16>
      %convert_element_type3A_213 = arith.extf %mul3A_212 : vector<256x1536xbf16> to vector<256x1536xf32>
      %reduce_sum3A_214 = arith.constant dense<0.000000e+00> : vector<256xf32>
      %reduce_sum3A_215 = vector.multi_reduction <add>, %convert_element_type3A_213, %reduce_sum3A_214 [1] : vector<256x1536xf32> to vector<256xf32>
      %broadcast_in_dim3A_216 = vector.shape_cast %reduce_sum3A_215 : vector<256xf32> to vector<256x1xf32>
      %dot_general3A_217 = arith.constant dense<0.000000e+00> : vector<256x64xf32>
      %dot_general3A_218 = tpu.matmul %mul3A_212, %slice3A_143, %dot_general3A_217 {dimension_numbers = #tpu.dot_dimension_numbers<[1], [0], [0], [1], [0, 0, 1, 1], [], []>, transpose_lhs_hint = false} : vector<256x1536xbf16>, vector<1536x64xbf16>, vector<256x64xf32> -> vector<256x64xf32>
      %eq3A_219 = arith.constant 0.000000e+00 : f32
      %eq3A_220 = vector.broadcast %eq3A_219 : f32 to vector<256x1xf32>
      %eq3A_221 = arith.cmpf oeq, %broadcast_in_dim3A_216, %eq3A_220 : vector<256x1xf32>
      %jit3A_222 = arith.constant 1.000000e+00 : f32
      %broadcast_in_dim3A_223 = vector.broadcast %jit3A_222 : f32 to vector<256x1xf32>
      %select_n3A_224 = arith.select %eq3A_221, %broadcast_in_dim3A_223, %broadcast_in_dim3A_216 : vector<256x1xi1>, vector<256x1xf32>
      %div3A_225 = vector.broadcast %select_n3A_224 : vector<256x1xf32> to vector<256x64xf32>
      %div3A_226 = arith.divf %dot_general3A_218, %div3A_225 : vector<256x64xf32>
      %add3A_227 = arith.addf %add3A_211, %div3A_226 : vector<256x64xf32>
      %concatenate3A = tpu.concatenate %add3A_140, %add3A_227 in 1 : vector<256x64xf32>, vector<256x64xf32> -> vector<256x128xf32>
      %convert_element_type3A_228 = arith.truncf %concatenate3A : vector<256x128xf32> to vector<256x128xbf16>
      %swap3A_229 = arith.constant 0 : index
      %swap3A_230 = arith.constant 0 : index
      %swap3A_231 = vector.load %arg8[%swap3A_229, %swap3A_230] : memref<256x128xbf16, #tpu.memory_space<vmem>>, vector<256x128xbf16>
      tpu.vector_store %arg8[%swap3A_229, %swap3A_230], %convert_element_type3A_228 {strides = array<i32>} : memref<256x128xbf16, #tpu.memory_space<vmem>>, vector<256x128xbf16>,
    } else {
    }
    %ge3A_20 = arith.constant 6 : i32
    %ge3A_21 = arith.cmpi sge, %arg0, %ge3A_20 : i32
    %lt3A_22 = arith.constant 8 : i32
    %lt3A_23 = arith.cmpi slt, %arg0, %lt3A_22 : i32
    %and3A_24 = arith.andi %ge3A_21, %lt3A_23 : i1
    %convert_element_type3A_25 = arith.extui %and3A_24 : i1 to i32
    %cond3A_26 = arith.constant 0 : i32
    %cond3A_27 = arith.cmpi ne, %convert_element_type3A_25, %cond3A_26 : i32
    scf.if %cond3A_27 {
      %get3A_28 = arith.constant 0 : index
      %get3A_29 = arith.constant 0 : index
      %get3A_30 = vector.load %arg3[%get3A_28, %get3A_29] : memref<256x1xi32, #tpu.memory_space<vmem>>, vector<256x1xi32>
      %get3A_31 = arith.constant 0 : index
      %get3A_32 = arith.constant 0 : index
      %get3A_33 = vector.load %arg5[%get3A_31, %get3A_32] : memref<256x1xi32, #tpu.memory_space<vmem>>, vector<256x1xi32>
      %eq3A = arith.constant 0 : i32
      %eq3A_34 = arith.cmpi eq, %arg1, %eq3A : i32
      %convert_element_type3A_35 = arith.extui %eq3A_34 : i1 to i32
      %cond3A_36 = arith.constant 0 : i32
      %cond3A_37 = arith.cmpi ne, %convert_element_type3A_35, %cond3A_36 : i32
      scf.if %cond3A_37 {
        %mul3A_177 = arith.constant 256 : i32
        %mul3A_178 = arith.muli %arg0, %mul3A_177 : i32
        %get3A_179 = arith.constant 0 : index
        %get3A_180 = arith.constant 0 : index
        %get3A_181 = vector.load %arg4[%get3A_179, %get3A_180] : memref<1x2048xi32, #tpu.memory_space<vmem>>, vector<1x2048xi32>
        %get3A_182 = arith.constant 0 : index
        %get3A_183 = arith.constant 0 : index
        %get3A_184 = vector.load %arg6[%get3A_182, %get3A_183] : memref<1x2048xi32, #tpu.memory_space<vmem>>, vector<1x2048xi32>
        %iota3A = tpu.iota {dimensions = array<i32: 0>} : vector<256x2048xi32>
        %add3A_185 = vector.broadcast %mul3A_178 : i32 to vector<256x2048xi32>
        %add3A_186 = arith.addi %add3A_185, %iota3A : vector<256x2048xi32>
        %iota3A_187 = tpu.iota {dimensions = array<i32: 1>} : vector<256x2048xi32>
        %add3A_188 = arith.constant 0 : i32
        %add3A_189 = vector.broadcast %add3A_188 : i32 to vector<256x2048xi32>
        %add3A_190 = arith.addi %add3A_189, %iota3A_187 : vector<256x2048xi32>
        %le3A = arith.cmpi sle, %add3A_190, %add3A_186 : vector<256x2048xi32>
        %eq3A_191 = vector.broadcast %get3A_33 : vector<256x1xi32> to vector<256x2048xi32>
        %eq3A_192 = vector.broadcast %get3A_184 : vector<1x2048xi32> to vector<256x2048xi32>
        %eq3A_193 = arith.cmpi eq, %eq3A_191, %eq3A_192 : vector<256x2048xi32>
        %lt3A_194 = arith.constant 129 : i32
        %lt3A_195 = vector.broadcast %lt3A_194 : i32 to vector<256x1xi32>
        %lt3A_196 = arith.cmpi slt, %get3A_33, %lt3A_195 : vector<256x1xi32>
        %and3A_197 = vector.broadcast %lt3A_196 : vector<256x1xi1> to vector<256x2048xi1>
        %and3A_198 = arith.andi %eq3A_193, %and3A_197 : vector<256x2048xi1>
        %and3A_199 = arith.andi %and3A_198, %le3A : vector<256x2048xi1>
        %sub3A_200 = vector.broadcast %get3A_30 : vector<256x1xi32> to vector<256x2048xi32>
        %sub3A_201 = vector.broadcast %get3A_181 : vector<1x2048xi32> to vector<256x2048xi32>
        %sub3A_202 = arith.subi %sub3A_200, %sub3A_201 : vector<256x2048xi32>
        %ge3A_203 = arith.constant 0 : i32
        %ge3A_204 = vector.broadcast %ge3A_203 : i32 to vector<256x2048xi32>
        %ge3A_205 = arith.cmpi sge, %sub3A_202, %ge3A_204 : vector<256x2048xi32>
        %le3A_206 = arith.constant 2 : i32
        %le3A_207 = vector.broadcast %le3A_206 : i32 to vector<256x2048xi32>
        %le3A_208 = arith.cmpi sle, %sub3A_202, %le3A_207 : vector<256x2048xi32>
        %and3A_209 = arith.andi %ge3A_205, %le3A_208 : vector<256x2048xi1>
        %eq3A_210 = arith.constant 4 : i32
        %eq3A_211 = vector.broadcast %eq3A_210 : i32 to vector<256x2048xi32>
        %eq3A_212 = arith.cmpi eq, %sub3A_202, %eq3A_211 : vector<256x2048xi32>
        %or3A = arith.ori %and3A_209, %eq3A_212 : vector<256x2048xi1>
        %lt3A_213 = arith.constant 129 : i32
        %lt3A_214 = vector.broadcast %lt3A_213 : i32 to vector<256x1xi32>
        %lt3A_215 = arith.cmpi slt, %get3A_33, %lt3A_214 : vector<256x1xi32>
        %ge3A_216 = arith.constant 0 : i32
        %ge3A_217 = vector.broadcast %ge3A_216 : i32 to vector<256x1xi32>
        %ge3A_218 = arith.cmpi sge, %get3A_30, %ge3A_217 : vector<256x1xi32>
        %and3A_219 = arith.andi %lt3A_215, %ge3A_218 : vector<256x1xi1>
        %ne3A = vector.broadcast %get3A_184 : vector<1x2048xi32> to vector<256x2048xi32>
        %ne3A_220 = vector.broadcast %get3A_33 : vector<256x1xi32> to vector<256x2048xi32>
        %ne3A_221 = arith.cmpi ne, %ne3A, %ne3A_220 : vector<256x2048xi32>
        %and3A_222 = vector.broadcast %and3A_219 : vector<256x1xi1> to vector<256x2048xi1>
        %and3A_223 = arith.andi %and3A_222, %ne3A_221 : vector<256x2048xi1>
        %lt3A_224 = arith.constant 129 : i32
        %lt3A_225 = vector.broadcast %lt3A_224 : i32 to vector<1x2048xi32>
        %lt3A_226 = arith.cmpi slt, %get3A_184, %lt3A_225 : vector<1x2048xi32>
        %and3A_227 = vector.broadcast %lt3A_226 : vector<1x2048xi1> to vector<256x2048xi1>
        %and3A_228 = arith.andi %and3A_223, %and3A_227 : vector<256x2048xi1>
        %and3A_229 = arith.andi %and3A_228, %or3A : vector<256x2048xi1>
        %eq3A_230 = arith.constant 129 : i32
        %eq3A_231 = vector.broadcast %eq3A_230 : i32 to vector<1x2048xi32>
        %eq3A_232 = arith.cmpi eq, %get3A_184, %eq3A_231 : vector<1x2048xi32>
        %eq3A_233 = arith.constant -1 : i32
        %eq3A_234 = vector.broadcast %eq3A_233 : i32 to vector<1x2048xi32>
        %eq3A_235 = arith.cmpi eq, %get3A_181, %eq3A_234 : vector<1x2048xi32>
        %or3A_236 = arith.ori %eq3A_232, %eq3A_235 : vector<1x2048xi1>
        %and3A_237 = vector.broadcast %or3A_236 : vector<1x2048xi1> to vector<256x2048xi1>
        %and3A_238 = arith.andi %and3A_237, %le3A : vector<256x2048xi1>
        %convert_element_type3A_239 = arith.extui %and3A_199 : vector<256x2048xi1> to vector<256x2048xi32>
        %convert_element_type3A_240 = arith.sitofp %convert_element_type3A_239 : vector<256x2048xi32> to vector<256x2048xf32>
        %convert_element_type3A_241 = arith.truncf %convert_element_type3A_240 : vector<256x2048xf32> to vector<256x2048xbf16>
        %swap3A_242 = arith.constant 0 : index
        %swap3A_243 = arith.constant 0 : index
        %swap3A_244 = vector.load %arg9[%swap3A_242, %swap3A_243] : memref<256x2048xbf16, #tpu.memory_space<vmem>>, vector<256x2048xbf16>
        tpu.vector_store %arg9[%swap3A_242, %swap3A_243], %convert_element_type3A_241 {strides = array<i32>} : memref<256x2048xbf16, #tpu.memory_space<vmem>>, vector<256x2048xbf16>,
        %convert_element_type3A_245 = arith.extui %and3A_229 : vector<256x2048xi1> to vector<256x2048xi32>
        %convert_element_type3A_246 = arith.sitofp %convert_element_type3A_245 : vector<256x2048xi32> to vector<256x2048xf32>
        %convert_element_type3A_247 = arith.truncf %convert_element_type3A_246 : vector<256x2048xf32> to vector<256x2048xbf16>
        %swap3A_248 = arith.constant 0 : index
        %swap3A_249 = arith.constant 0 : index
        %swap3A_250 = vector.load %arg10[%swap3A_248, %swap3A_249] : memref<256x2048xbf16, #tpu.memory_space<vmem>>, vector<256x2048xbf16>
        tpu.vector_store %arg10[%swap3A_248, %swap3A_249], %convert_element_type3A_247 {strides = array<i32>} : memref<256x2048xbf16, #tpu.memory_space<vmem>>, vector<256x2048xbf16>,
        %convert_element_type3A_251 = arith.extui %and3A_238 : vector<256x2048xi1> to vector<256x2048xi32>
        %convert_element_type3A_252 = arith.sitofp %convert_element_type3A_251 : vector<256x2048xi32> to vector<256x2048xf32>
        %convert_element_type3A_253 = arith.truncf %convert_element_type3A_252 : vector<256x2048xf32> to vector<256x2048xbf16>
        %swap3A_254 = arith.constant 0 : index
        %swap3A_255 = arith.constant 0 : index
        %swap3A_256 = vector.load %arg11[%swap3A_254, %swap3A_255] : memref<256x2048xbf16, #tpu.memory_space<vmem>>, vector<256x2048xbf16>
        tpu.vector_store %arg11[%swap3A_254, %swap3A_255], %convert_element_type3A_253 {strides = array<i32>} : memref<256x2048xbf16, #tpu.memory_space<vmem>>, vector<256x2048xbf16>,
      } else {
      }
      %mul3A = arith.constant 256 : i32
      %mul3A_38 = arith.muli %arg0, %mul3A : i32
      %mul3A_39 = arith.constant 128 : i32
      %mul3A_40 = arith.muli %arg1, %mul3A_39 : i32
      %get3A_41 = arith.index_cast %mul3A_38 : i32 to index
      %get3A_42 = arith.index_cast %mul3A_40 : i32 to index
      %get3A_43 = vector.load %arg7[%get3A_41, %get3A_42] : memref<2048x3072xbf16, #tpu.memory_space<vmem>>, vector<256x128xbf16>
      %mul3A_44 = arith.constant 128 : i32
      %mul3A_45 = arith.muli %arg1, %mul3A_44 : i32
      %add3A = arith.constant 1024 : i32
      %add3A_46 = arith.addi %add3A, %mul3A_45 : i32
      %get3A_47 = arith.constant 0 : index
      %get3A_48 = arith.index_cast %add3A_46 : i32 to index
      %get3A_49 = vector.load %arg7[%get3A_47, %get3A_48] : memref<2048x3072xbf16, #tpu.memory_space<vmem>>, vector<2048x128xbf16>
      %mul3A_50 = arith.constant 128 : i32
      %mul3A_51 = arith.muli %arg1, %mul3A_50 : i32
      %add3A_52 = arith.constant 2048 : i32
      %add3A_53 = arith.addi %add3A_52, %mul3A_51 : i32
      %get3A_54 = arith.constant 0 : index
      %get3A_55 = arith.index_cast %add3A_53 : i32 to index
      %get3A_56 = vector.load %arg7[%get3A_54, %get3A_55] : memref<2048x3072xbf16, #tpu.memory_space<vmem>>, vector<2048x128xbf16>
      %get3A_57 = arith.constant 0 : index
      %get3A_58 = arith.constant 0 : index
      %get3A_59 = vector.load %arg9[%get3A_57, %get3A_58] : memref<256x2048xbf16, #tpu.memory_space<vmem>>, vector<256x2048xbf16>
      %get3A_60 = arith.constant 0 : index
      %get3A_61 = arith.constant 0 : index
      %get3A_62 = vector.load %arg10[%get3A_60, %get3A_61] : memref<256x2048xbf16, #tpu.memory_space<vmem>>, vector<256x2048xbf16>
      %get3A_63 = arith.constant 0 : index
      %get3A_64 = arith.constant 0 : index
      %get3A_65 = vector.load %arg11[%get3A_63, %get3A_64] : memref<256x2048xbf16, #tpu.memory_space<vmem>>, vector<256x2048xbf16>
      %slice3A = vector.extract_strided_slice %get3A_43 {offsets = [0, 0], sizes = [256, 64], strides = [1, 1]} : vector<256x128xbf16> to vector<256x64xbf16>
      %slice3A_66 = vector.extract_strided_slice %get3A_49 {offsets = [0, 0], sizes = [2048, 64], strides = [1, 1]} : vector<2048x128xbf16> to vector<2048x64xbf16>
      %slice3A_67 = vector.extract_strided_slice %get3A_56 {offsets = [0, 0], sizes = [2048, 64], strides = [1, 1]} : vector<2048x128xbf16> to vector<2048x64xbf16>
      %dot_general3A = arith.constant dense<0.000000e+00> : vector<256x2048xf32>
      %dot_general3A_68 = tpu.matmul %slice3A, %slice3A_66, %dot_general3A {dimension_numbers = #tpu.dot_dimension_numbers<[1], [1], [0], [0], [0, 0, 1, 0], [], []>, transpose_lhs_hint = false} : vector<256x64xbf16>, vector<2048x64xbf16>, vector<256x2048xf32> -> vector<256x2048xf32>
      %reduce_max3A = arith.constant dense<0xFF800000> : vector<256xf32>
      %reduce_max3A_69 = vector.multi_reduction <maximumf>, %dot_general3A_68, %reduce_max3A [1] : vector<256x2048xf32> to vector<256xf32>
      %broadcast_in_dim3A = vector.shape_cast %reduce_max3A_69 : vector<256xf32> to vector<256x1xf32>
      %sub3A = vector.broadcast %broadcast_in_dim3A : vector<256x1xf32> to vector<256x2048xf32>
      %sub3A_70 = arith.subf %dot_general3A_68, %sub3A : vector<256x2048xf32>
      %exp3A = math.exp %sub3A_70 : vector<256x2048xf32>
      %convert_element_type3A_71 = arith.truncf %exp3A : vector<256x2048xf32> to vector<256x2048xbf16>
      %mul3A_72 = arith.mulf %convert_element_type3A_71, %get3A_59 : vector<256x2048xbf16>
      %convert_element_type3A_73 = arith.extf %mul3A_72 : vector<256x2048xbf16> to vector<256x2048xf32>
      %reduce_sum3A = arith.constant dense<0.000000e+00> : vector<256xf32>
      %reduce_sum3A_74 = vector.multi_reduction <add>, %convert_element_type3A_73, %reduce_sum3A [1] : vector<256x2048xf32> to vector<256xf32>
      %broadcast_in_dim3A_75 = vector.shape_cast %reduce_sum3A_74 : vector<256xf32> to vector<256x1xf32>
      %dot_general3A_76 = arith.constant dense<0.000000e+00> : vector<256x64xf32>
      %dot_general3A_77 = tpu.matmul %mul3A_72, %slice3A_67, %dot_general3A_76 {dimension_numbers = #tpu.dot_dimension_numbers<[1], [0], [0], [1], [0, 0, 1, 1], [], []>, transpose_lhs_hint = false} : vector<256x2048xbf16>, vector<2048x64xbf16>, vector<256x64xf32> -> vector<256x64xf32>
      %eq3A_78 = arith.constant 0.000000e+00 : f32
      %eq3A_79 = vector.broadcast %eq3A_78 : f32 to vector<256x1xf32>
      %eq3A_80 = arith.cmpf oeq, %broadcast_in_dim3A_75, %eq3A_79 : vector<256x1xf32>
      %jit3A = arith.constant 1.000000e+00 : f32
      %broadcast_in_dim3A_81 = vector.broadcast %jit3A : f32 to vector<256x1xf32>
      %select_n3A = arith.select %eq3A_80, %broadcast_in_dim3A_81, %broadcast_in_dim3A_75 : vector<256x1xi1>, vector<256x1xf32>
      %div3A = vector.broadcast %select_n3A : vector<256x1xf32> to vector<256x64xf32>
      %div3A_82 = arith.divf %dot_general3A_77, %div3A : vector<256x64xf32>
      %mul3A_83 = arith.mulf %convert_element_type3A_71, %get3A_62 : vector<256x2048xbf16>
      %convert_element_type3A_84 = arith.extf %mul3A_83 : vector<256x2048xbf16> to vector<256x2048xf32>
      %reduce_sum3A_85 = arith.constant dense<0.000000e+00> : vector<256xf32>
      %reduce_sum3A_86 = vector.multi_reduction <add>, %convert_element_type3A_84, %reduce_sum3A_85 [1] : vector<256x2048xf32> to vector<256xf32>
      %broadcast_in_dim3A_87 = vector.shape_cast %reduce_sum3A_86 : vector<256xf32> to vector<256x1xf32>
      %dot_general3A_88 = arith.constant dense<0.000000e+00> : vector<256x64xf32>
      %dot_general3A_89 = tpu.matmul %mul3A_83, %slice3A_67, %dot_general3A_88 {dimension_numbers = #tpu.dot_dimension_numbers<[1], [0], [0], [1], [0, 0, 1, 1], [], []>, transpose_lhs_hint = false} : vector<256x2048xbf16>, vector<2048x64xbf16>, vector<256x64xf32> -> vector<256x64xf32>
      %eq3A_90 = arith.constant 0.000000e+00 : f32
      %eq3A_91 = vector.broadcast %eq3A_90 : f32 to vector<256x1xf32>
      %eq3A_92 = arith.cmpf oeq, %broadcast_in_dim3A_87, %eq3A_91 : vector<256x1xf32>
      %jit3A_93 = arith.constant 1.000000e+00 : f32
      %broadcast_in_dim3A_94 = vector.broadcast %jit3A_93 : f32 to vector<256x1xf32>
      %select_n3A_95 = arith.select %eq3A_92, %broadcast_in_dim3A_94, %broadcast_in_dim3A_87 : vector<256x1xi1>, vector<256x1xf32>
      %div3A_96 = vector.broadcast %select_n3A_95 : vector<256x1xf32> to vector<256x64xf32>
      %div3A_97 = arith.divf %dot_general3A_89, %div3A_96 : vector<256x64xf32>
      %add3A_98 = arith.addf %div3A_82, %div3A_97 : vector<256x64xf32>
      %mul3A_99 = arith.mulf %convert_element_type3A_71, %get3A_65 : vector<256x2048xbf16>
      %convert_element_type3A_100 = arith.extf %mul3A_99 : vector<256x2048xbf16> to vector<256x2048xf32>
      %reduce_sum3A_101 = arith.constant dense<0.000000e+00> : vector<256xf32>
      %reduce_sum3A_102 = vector.multi_reduction <add>, %convert_element_type3A_100, %reduce_sum3A_101 [1] : vector<256x2048xf32> to vector<256xf32>
      %broadcast_in_dim3A_103 = vector.shape_cast %reduce_sum3A_102 : vector<256xf32> to vector<256x1xf32>
      %dot_general3A_104 = arith.constant dense<0.000000e+00> : vector<256x64xf32>
      %dot_general3A_105 = tpu.matmul %mul3A_99, %slice3A_67, %dot_general3A_104 {dimension_numbers = #tpu.dot_dimension_numbers<[1], [0], [0], [1], [0, 0, 1, 1], [], []>, transpose_lhs_hint = false} : vector<256x2048xbf16>, vector<2048x64xbf16>, vector<256x64xf32> -> vector<256x64xf32>
      %eq3A_106 = arith.constant 0.000000e+00 : f32
      %eq3A_107 = vector.broadcast %eq3A_106 : f32 to vector<256x1xf32>
      %eq3A_108 = arith.cmpf oeq, %broadcast_in_dim3A_103, %eq3A_107 : vector<256x1xf32>
      %jit3A_109 = arith.constant 1.000000e+00 : f32
      %broadcast_in_dim3A_110 = vector.broadcast %jit3A_109 : f32 to vector<256x1xf32>
      %select_n3A_111 = arith.select %eq3A_108, %broadcast_in_dim3A_110, %broadcast_in_dim3A_103 : vector<256x1xi1>, vector<256x1xf32>
      %div3A_112 = vector.broadcast %select_n3A_111 : vector<256x1xf32> to vector<256x64xf32>
      %div3A_113 = arith.divf %dot_general3A_105, %div3A_112 : vector<256x64xf32>
      %add3A_114 = arith.addf %add3A_98, %div3A_113 : vector<256x64xf32>
      %slice3A_115 = vector.extract_strided_slice %get3A_43 {offsets = [0, 64], sizes = [256, 64], strides = [1, 1]} : vector<256x128xbf16> to vector<256x64xbf16>
      %slice3A_116 = vector.extract_strided_slice %get3A_49 {offsets = [0, 64], sizes = [2048, 64], strides = [1, 1]} : vector<2048x128xbf16> to vector<2048x64xbf16>
      %slice3A_117 = vector.extract_strided_slice %get3A_56 {offsets = [0, 64], sizes = [2048, 64], strides = [1, 1]} : vector<2048x128xbf16> to vector<2048x64xbf16>
      %dot_general3A_118 = arith.constant dense<0.000000e+00> : vector<256x2048xf32>
      %dot_general3A_119 = tpu.matmul %slice3A_115, %slice3A_116, %dot_general3A_118 {dimension_numbers = #tpu.dot_dimension_numbers<[1], [1], [0], [0], [0, 0, 1, 0], [], []>, transpose_lhs_hint = false} : vector<256x64xbf16>, vector<2048x64xbf16>, vector<256x2048xf32> -> vector<256x2048xf32>
      %reduce_max3A_120 = arith.constant dense<0xFF800000> : vector<256xf32>
      %reduce_max3A_121 = vector.multi_reduction <maximumf>, %dot_general3A_119, %reduce_max3A_120 [1] : vector<256x2048xf32> to vector<256xf32>
      %broadcast_in_dim3A_122 = vector.shape_cast %reduce_max3A_121 : vector<256xf32> to vector<256x1xf32>
      %sub3A_123 = vector.broadcast %broadcast_in_dim3A_122 : vector<256x1xf32> to vector<256x2048xf32>
      %sub3A_124 = arith.subf %dot_general3A_119, %sub3A_123 : vector<256x2048xf32>
      %exp3A_125 = math.exp %sub3A_124 : vector<256x2048xf32>
      %convert_element_type3A_126 = arith.truncf %exp3A_125 : vector<256x2048xf32> to vector<256x2048xbf16>
      %mul3A_127 = arith.mulf %convert_element_type3A_126, %get3A_59 : vector<256x2048xbf16>
      %convert_element_type3A_128 = arith.extf %mul3A_127 : vector<256x2048xbf16> to vector<256x2048xf32>
      %reduce_sum3A_129 = arith.constant dense<0.000000e+00> : vector<256xf32>
      %reduce_sum3A_130 = vector.multi_reduction <add>, %convert_element_type3A_128, %reduce_sum3A_129 [1] : vector<256x2048xf32> to vector<256xf32>
      %broadcast_in_dim3A_131 = vector.shape_cast %reduce_sum3A_130 : vector<256xf32> to vector<256x1xf32>
      %dot_general3A_132 = arith.constant dense<0.000000e+00> : vector<256x64xf32>
      %dot_general3A_133 = tpu.matmul %mul3A_127, %slice3A_117, %dot_general3A_132 {dimension_numbers = #tpu.dot_dimension_numbers<[1], [0], [0], [1], [0, 0, 1, 1], [], []>, transpose_lhs_hint = false} : vector<256x2048xbf16>, vector<2048x64xbf16>, vector<256x64xf32> -> vector<256x64xf32>
      %eq3A_134 = arith.constant 0.000000e+00 : f32
      %eq3A_135 = vector.broadcast %eq3A_134 : f32 to vector<256x1xf32>
      %eq3A_136 = arith.cmpf oeq, %broadcast_in_dim3A_131, %eq3A_135 : vector<256x1xf32>
      %jit3A_137 = arith.constant 1.000000e+00 : f32
      %broadcast_in_dim3A_138 = vector.broadcast %jit3A_137 : f32 to vector<256x1xf32>
      %select_n3A_139 = arith.select %eq3A_136, %broadcast_in_dim3A_138, %broadcast_in_dim3A_131 : vector<256x1xi1>, vector<256x1xf32>
      %div3A_140 = vector.broadcast %select_n3A_139 : vector<256x1xf32> to vector<256x64xf32>
      %div3A_141 = arith.divf %dot_general3A_133, %div3A_140 : vector<256x64xf32>
      %mul3A_142 = arith.mulf %convert_element_type3A_126, %get3A_62 : vector<256x2048xbf16>
      %convert_element_type3A_143 = arith.extf %mul3A_142 : vector<256x2048xbf16> to vector<256x2048xf32>
      %reduce_sum3A_144 = arith.constant dense<0.000000e+00> : vector<256xf32>
      %reduce_sum3A_145 = vector.multi_reduction <add>, %convert_element_type3A_143, %reduce_sum3A_144 [1] : vector<256x2048xf32> to vector<256xf32>
      %broadcast_in_dim3A_146 = vector.shape_cast %reduce_sum3A_145 : vector<256xf32> to vector<256x1xf32>
      %dot_general3A_147 = arith.constant dense<0.000000e+00> : vector<256x64xf32>
      %dot_general3A_148 = tpu.matmul %mul3A_142, %slice3A_117, %dot_general3A_147 {dimension_numbers = #tpu.dot_dimension_numbers<[1], [0], [0], [1], [0, 0, 1, 1], [], []>, transpose_lhs_hint = false} : vector<256x2048xbf16>, vector<2048x64xbf16>, vector<256x64xf32> -> vector<256x64xf32>
      %eq3A_149 = arith.constant 0.000000e+00 : f32
      %eq3A_150 = vector.broadcast %eq3A_149 : f32 to vector<256x1xf32>
      %eq3A_151 = arith.cmpf oeq, %broadcast_in_dim3A_146, %eq3A_150 : vector<256x1xf32>
      %jit3A_152 = arith.constant 1.000000e+00 : f32
      %broadcast_in_dim3A_153 = vector.broadcast %jit3A_152 : f32 to vector<256x1xf32>
      %select_n3A_154 = arith.select %eq3A_151, %broadcast_in_dim3A_153, %broadcast_in_dim3A_146 : vector<256x1xi1>, vector<256x1xf32>
      %div3A_155 = vector.broadcast %select_n3A_154 : vector<256x1xf32> to vector<256x64xf32>
      %div3A_156 = arith.divf %dot_general3A_148, %div3A_155 : vector<256x64xf32>
      %add3A_157 = arith.addf %div3A_141, %div3A_156 : vector<256x64xf32>
      %mul3A_158 = arith.mulf %convert_element_type3A_126, %get3A_65 : vector<256x2048xbf16>
      %convert_element_type3A_159 = arith.extf %mul3A_158 : vector<256x2048xbf16> to vector<256x2048xf32>
      %reduce_sum3A_160 = arith.constant dense<0.000000e+00> : vector<256xf32>
      %reduce_sum3A_161 = vector.multi_reduction <add>, %convert_element_type3A_159, %reduce_sum3A_160 [1] : vector<256x2048xf32> to vector<256xf32>
      %broadcast_in_dim3A_162 = vector.shape_cast %reduce_sum3A_161 : vector<256xf32> to vector<256x1xf32>
      %dot_general3A_163 = arith.constant dense<0.000000e+00> : vector<256x64xf32>
      %dot_general3A_164 = tpu.matmul %mul3A_158, %slice3A_117, %dot_general3A_163 {dimension_numbers = #tpu.dot_dimension_numbers<[1], [0], [0], [1], [0, 0, 1, 1], [], []>, transpose_lhs_hint = false} : vector<256x2048xbf16>, vector<2048x64xbf16>, vector<256x64xf32> -> vector<256x64xf32>
      %eq3A_165 = arith.constant 0.000000e+00 : f32
      %eq3A_166 = vector.broadcast %eq3A_165 : f32 to vector<256x1xf32>
      %eq3A_167 = arith.cmpf oeq, %broadcast_in_dim3A_162, %eq3A_166 : vector<256x1xf32>
      %jit3A_168 = arith.constant 1.000000e+00 : f32
      %broadcast_in_dim3A_169 = vector.broadcast %jit3A_168 : f32 to vector<256x1xf32>
      %select_n3A_170 = arith.select %eq3A_167, %broadcast_in_dim3A_169, %broadcast_in_dim3A_162 : vector<256x1xi1>, vector<256x1xf32>
      %div3A_171 = vector.broadcast %select_n3A_170 : vector<256x1xf32> to vector<256x64xf32>
      %div3A_172 = arith.divf %dot_general3A_164, %div3A_171 : vector<256x64xf32>
      %add3A_173 = arith.addf %add3A_157, %div3A_172 : vector<256x64xf32>
      %concatenate3A = tpu.concatenate %add3A_114, %add3A_173 in 1 : vector<256x64xf32>, vector<256x64xf32> -> vector<256x128xf32>
      %convert_element_type3A_174 = arith.truncf %concatenate3A : vector<256x128xf32> to vector<256x128xbf16>
      %swap3A = arith.constant 0 : index
      %swap3A_175 = arith.constant 0 : index
      %swap3A_176 = vector.load %arg8[%swap3A, %swap3A_175] : memref<256x128xbf16, #tpu.memory_space<vmem>>, vector<256x128xbf16>
      tpu.vector_store %arg8[%swap3A, %swap3A_175], %convert_element_type3A_174 {strides = array<i32>} : memref<256x128xbf16, #tpu.memory_space<vmem>>, vector<256x128xbf16>,
    } else {
    }
    return
  }
  func.func @transform_0(%arg0: i32, %arg1: i32) -> i32 {
    %c0_i32 = arith.constant 0 : i32
    %c0_i32_0 = arith.constant 0 : i32
    return %c0_i32 : i32
  }
  func.func @transform_1(%arg0: i32, %arg1: i32) -> (i32, i32) {
    %c0_i32 = arith.constant 0 : i32
    %c0_i32_0 = arith.constant 0 : i32
    return %arg0, %c0_i32 : i32, i32
  }
  func.func @transform_2(%arg0: i32, %arg1: i32) -> (i32, i32) {
    %c0_i32 = arith.constant 0 : i32
    %c0_i32_0 = arith.constant 0 : i32
    %c0_i32_1 = arith.constant 0 : i32
    return %c0_i32, %c0_i32_0 : i32, i32
  }
  func.func @transform_3(%arg0: i32, %arg1: i32) -> (i32, i32) {
    %c0_i32 = arith.constant 0 : i32
    %c0_i32_0 = arith.constant 0 : i32
    return %arg0, %c0_i32 : i32, i32
  }
  func.func @transform_4(%arg0: i32, %arg1: i32) -> (i32, i32) {
    %c0_i32 = arith.constant 0 : i32
    %c0_i32_0 = arith.constant 0 : i32
    %c0_i32_1 = arith.constant 0 : i32
    return %c0_i32, %c0_i32_0 : i32, i32
  }
  func.func @transform_5(%arg0: i32, %arg1: i32) -> (i32, i32) {
    %c0_i32 = arith.constant 0 : i32
    %c0_i32_0 = arith.constant 0 : i32
    %c0_i32_1 = arith.constant 0 : i32
    return %c0_i32, %c0_i32_0 : i32, i32
  }
  func.func @transform_6(%arg0: i32, %arg1: i32) -> (i32, i32) {
    %c0_i32 = arith.constant 0 : i32
    return %arg0, %arg1 : i32, i32
  }
}

module attributes {stable_mosaic.version = 14 : i64} {
  func.func @_out_proj_kernel(%arg0: i32, %arg1: memref<256x1024xbf16, #tpu.memory_space<vmem>>, %arg2: memref<1024x1024xbf16, #tpu.memory_space<vmem>>, %arg3: memref<1x1024xf32, #tpu.memory_space<vmem>>, %arg4: memref<256x1024xf32, #tpu.memory_space<vmem>>) attributes {dimension_semantics = [#tpu.dimension_semantics<arbitrary>], iteration_bounds = array<i64: 8>, scalar_prefetch = 0 : i64, scratch_operands = 0 : i64, tpu.core_type = #tpu.core_type<tc>, window_params = [{transform_indices = @transform_0, window_bounds = array<i64: 256, 1024>}, {pipeline_mode = #tpu.pipeline_mode<synchronous>, transform_indices = @transform_1, window_bounds = array<i64: 1024, 1024>}, {pipeline_mode = #tpu.pipeline_mode<synchronous>, transform_indices = @transform_2, window_bounds = array<i64: 1, 1024>}, {transform_indices = @transform_3, window_bounds = array<i64: 256, 1024>}]} {
    %get3A = arith.constant 0 : index
    %get3A_0 = arith.constant 0 : index
    %get3A_1 = vector.load %arg1[%get3A, %get3A_0] : memref<256x1024xbf16, #tpu.memory_space<vmem>>, vector<256x1024xbf16>
    %get3A_2 = arith.constant 0 : index
    %get3A_3 = arith.constant 0 : index
    %get3A_4 = vector.load %arg2[%get3A_2, %get3A_3] : memref<1024x1024xbf16, #tpu.memory_space<vmem>>, vector<1024x1024xbf16>
    %dot_general3A = arith.constant dense<0.000000e+00> : vector<256x1024xf32>
    %dot_general3A_5 = tpu.matmul %get3A_1, %get3A_4, %dot_general3A {dimension_numbers = #tpu.dot_dimension_numbers<[1], [0], [0], [1], [0, 0, 1, 1], [], []>, transpose_lhs_hint = false} : vector<256x1024xbf16>, vector<1024x1024xbf16>, vector<256x1024xf32> -> vector<256x1024xf32>
    %get3A_6 = arith.constant 0 : index
    %get3A_7 = arith.constant 0 : index
    %get3A_8 = vector.load %arg3[%get3A_6, %get3A_7] : memref<1x1024xf32, #tpu.memory_space<vmem>>, vector<1x1024xf32>
    %add3A = vector.broadcast %get3A_8 : vector<1x1024xf32> to vector<256x1024xf32>
    %add3A_9 = arith.addf %dot_general3A_5, %add3A : vector<256x1024xf32>
    %swap3A = arith.constant 0 : index
    %swap3A_10 = arith.constant 0 : index
    %swap3A_11 = vector.load %arg4[%swap3A, %swap3A_10] : memref<256x1024xf32, #tpu.memory_space<vmem>>, vector<256x1024xf32>
    tpu.vector_store %arg4[%swap3A, %swap3A_10], %add3A_9 {strides = array<i32>} : memref<256x1024xf32, #tpu.memory_space<vmem>>, vector<256x1024xf32>,
    return
  }
  func.func @transform_0(%arg0: i32) -> (i32, i32) {
    %c0_i32 = arith.constant 0 : i32
    %c0_i32_0 = arith.constant 0 : i32
    return %arg0, %c0_i32 : i32, i32
  }
  func.func @transform_1(%arg0: i32) -> (i32, i32) {
    %c0_i32 = arith.constant 0 : i32
    %c0_i32_0 = arith.constant 0 : i32
    %c0_i32_1 = arith.constant 0 : i32
    return %c0_i32, %c0_i32_0 : i32, i32
  }
  func.func @transform_2(%arg0: i32) -> (i32, i32) {
    %c0_i32 = arith.constant 0 : i32
    %c0_i32_0 = arith.constant 0 : i32
    %c0_i32_1 = arith.constant 0 : i32
    return %c0_i32, %c0_i32_0 : i32, i32
  }
  func.func @transform_3(%arg0: i32) -> (i32, i32) {
    %c0_i32 = arith.constant 0 : i32
    %c0_i32_0 = arith.constant 0 : i32
    return %arg0, %c0_i32 : i32, i32
  }
}

</mosaic_0001>

<sc_bundles>
// kernel: kernel.6.cloned.1.call-start
scs
__scs_entry_jumppad:
0x0: {  	(pc) =	sbr.rel $0x88, $3  }
0x1: {  	(tag) =	ssettag $0x0;
	lr =	simm.s32 $0x1  }
0x2: {  	[smem:$0x3F96] =	sst lr;
	_ =	strace $0xD0000000  }
0x3: {  	_ = 	snop  }
0x4: {  	_ = 	snop  }
0x5: {  	_ = 	snop  }
0x6: {  	_ = 	snop  }
0x7: {  	_ = 	snop  }
__scs_overlays_trampoline_lowered:
0x8: {  	[smem:$0x3FA5] =	sst s0  }
0x9: {  	[smem:$0x3FA6] =	sst s1  }
0xa: {  	[smem:$0x3FA7] =	sst s2  }
0xb: {  	[smem:$0x3FA8] =	sst s3  }
0xc: {  	[smem:$0x3FA9] =	sst s4  }
0xd: {  	[smem:$0x3FAA] =	sst s5  }
0xe: {  	[smem:$0x3FAB] =	sst s6  }
0xf: {  	[smem:$0x3FAC] =	sst s7  }
0x10: {  	[smem:$0x3FAD] =	sst s8  }
0x11: {  	[smem:$0x3FAE] =	sst s9;
	s0 =	simm.s32 @!p0 $0x0  }
0x12: {  	s1 =	sld [smem:$0x3F94];
	s0 =	simm.s32 @p0 $0x1  }
0x13: {  	[smem:$0x3FAF] =	sst s0;
	s0 =	simm.s32 @!p1 $0x0  }
0x14: {  	s2 =	sld [smem:$0x3F93];
	s0 =	simm.s32 @p1 $0x1  }
0x15: {  	[smem:$0x3FB0] =	sst s0;
	s0 =	simm.s32 @!p2 $0x0  }
0x16: {  	s3 =	sld [smem:$0x3FDB];
	s0 =	simm.s32 @p2 $0x1  }
0x17: {  	s4 =	simm.s32 $0x1BF5;
	[smem:$0x3FB2] =	sst s0  }
0x18: {  	s0 =	sld [smem:$0x3F95];
	_ =	swait.ge [sflag:s4], $0x0  }
0x19: {  	s7 =	sld [smem:$0x3F96]  }
0x1a: {  	s8 =	sadd.s32 $0xFFFFE003, lr  }
0x1b: {  	s9 =	sadd.s32 $0xFFFFFEF7, lr;
	s5 =	simm.s32 $0xFFFFFFFF;
	p2 =	slt.u32 s8, $0xFFFFF086  }
0x1c: {  	p1 =	slt.u32 s9, $0xF7A;
	s5 =	simm.s32 @!p2 $0x0  }
0x1d: {  	s5 =	simm.s32 @p1 $0x1;
	p0 =	seq.s32 s7, s2  }
0x1e: {  	s7 =	smul.u32 @!p0 $0xF7A, s2;
	p2 =	seq.s32 @!p0 s5, $0x0  }
0x1f: {  	s9 =	smul.u32 $0xF7A, s1;
	s8 =	simm.s32 @!p0 $0x1BF5;
	p2 =	por !p2, p0  }
0x20: {  	[sflag:s8] =	ssyncset.s32 @!p0 $0xFFFFF086;
	s6 =	sadd.s32 @!p0 s3, s7;
	s7 =	simm.s32 @!p0 $0x108  }
0x21: {  	s3 =	sadd.s32 s3, s9;
	s6 =	sadd.s32 @!p0 $0x88, s6;
	s7 =	simm.s32 @p2 $0x1082  }
0x22: {  	[simem:s7], [sflag:s8] =	dma.local @!p0 [hbm:s6], $0xF7A  }
0x23: {  	s9 =	sor.u32 $0xD0000000, s2;
	s6 =	simm.s32 $0x108;
	_ =	swait.ge @!p0 [sflag:s8], $0x0  }
0x24: {  	s3 =	sadd.s32 $0x88, s3;
	s6 =	simm.s32 @!p1 $0x1082;
	[sflag:s4] =	ssyncset.s32 $0xFFFFF086  }
0x25: {  	[simem:s6], [sflag:s4] =	dma.local [hbm:s3], $0xF7A  }
0x26: {  	[smem:$0x3F96] =	sst s1;
	(tag) =	ssettag s2;
	_ =	strace s9  }
0x27: {  	s1 =	sld [smem:$0x3FA6]  }
0x28: {  	s2 =	sld [smem:$0x3FA7]  }
0x29: {  	s4 =	sld [smem:$0x3FA9]  }
0x2a: {  	p0 =	seq.s32 s5, $0x0;
	s5 =	sld [smem:$0x3FAA]  }
0x2b: {  	s6 =	sld [smem:$0x3FAB]  }
0x2c: {  	s7 =	sld [smem:$0x3FAC]  }
0x2d: {  	s3 =	simm.s32 $0x108;
	s8 =	sld [smem:$0x3FAD]  }
0x2e: {  	s3 =	simm.s32 @!p0 $0x1082;
	s9 =	sld [smem:$0x3FAE]  }
0x2f: {  	lr =	sadd.s32 s0, s3;
	s0 =	sld [smem:$0x3FA5]  }
0x30: {  	s3 =	sld [smem:$0x3FA8]  }
0x31: {  	[smem:$0x3FB1] =	sst s10  }
0x32: {  	s10 =	sld [smem:$0x3FAF];
	_ =	sdelay $0x3  }
0x33: {  	p0 =	seq.s32 s10, $0x1;
	s10 =	sld [smem:$0x3FB1];
	_ =	sdelay $0x3  }
0x34: {  	[smem:$0x3FB1] =	sst s10  }
0x35: {  	s10 =	sld [smem:$0x3FB0];
	_ =	sdelay $0x3  }
0x36: {  	p1 =	seq.s32 s10, $0x1;
	s10 =	sld [smem:$0x3FB1];
	_ =	sdelay $0x3  }
0x37: {  	[smem:$0x3FB1] =	sst s10  }
0x38: {  	s10 =	sld [smem:$0x3FB2]  }
0x39: {  	_ = 	snop;
	(pc) =	sbr.ind lr, $3  }
0x3a: {  	_ = 	snop  }
0x3b: {  	_ = 	snop  }
0x3c: {  	p2 =	seq.s32 s10, $0x1;
	s10 =	sld [smem:$0x3FB1]  }
0x3d: {  	_ =	shalt  }
0x3e: {  	_ =	shalt  }
0x3f: {  	_ =	shalt  }
0x40: {  	_ =	shalt  }
0x41: {  	_ =	shalt  }
0x42: {  	_ =	shalt  }
0x43: {  	_ =	shalt  }
0x44: {  	_ =	shalt  }
0x45: {  	_ =	shalt  }
0x46: {  	_ =	shalt  }
0x47: {  	_ =	shalt  }
0x48: {  	_ =	shalt  }
0x49: {  	_ =	shalt  }
0x4a: {  	_ =	shalt  }
0x4b: {  	_ =	shalt  }
0x4c: {  	_ =	shalt  }
0x4d: {  	_ =	shalt  }
0x4e: {  	_ =	shalt  }
0x4f: {  	_ =	shalt  }
0x50: {  	_ =	shalt  }
0x51: {  	_ =	shalt  }
0x52: {  	_ =	shalt  }
0x53: {  	_ =	shalt  }
0x54: {  	_ =	shalt  }
0x55: {  	_ =	shalt  }
0x56: {  	_ =	shalt  }
0x57: {  	_ =	shalt  }
0x58: {  	_ =	shalt  }
0x59: {  	_ =	shalt  }
0x5a: {  	_ =	shalt  }
0x5b: {  	_ =	shalt  }
0x5c: {  	_ =	shalt  }
0x5d: {  	_ =	shalt  }
0x5e: {  	_ =	shalt  }
0x5f: {  	_ =	shalt  }
0x60: {  	_ =	shalt  }
0x61: {  	_ =	shalt  }
0x62: {  	_ =	shalt  }
0x63: {  	_ =	shalt  }
0x64: {  	_ =	shalt  }
0x65: {  	_ =	shalt  }
0x66: {  	_ =	shalt  }
0x67: {  	_ =	shalt  }
0x68: {  	_ =	shalt  }
0x69: {  	_ =	shalt  }
0x6a: {  	_ =	shalt  }
0x6b: {  	_ =	shalt  }
0x6c: {  	_ =	shalt  }
0x6d: {  	_ =	shalt  }
0x6e: {  	_ =	shalt  }
0x6f: {  	_ =	shalt  }
0x70: {  	_ =	shalt  }
0x71: {  	_ =	shalt  }
0x72: {  	_ =	shalt  }
0x73: {  	_ =	shalt  }
0x74: {  	_ =	shalt  }
0x75: {  	_ =	shalt  }
0x76: {  	_ =	shalt  }
0x77: {  	_ =	shalt  }
0x78: {  	_ =	shalt  }
0x79: {  	_ =	shalt  }
0x7a: {  	_ =	shalt  }
0x7b: {  	_ =	shalt  }
0x7c: {  	_ =	shalt  }
0x7d: {  	_ =	shalt  }
0x7e: {  	_ =	shalt  }
0x7f: {  	_ =	shalt  }
0x80: {  	_ =	shalt  }
0x81: {  	_ =	shalt  }
0x82: {  	_ =	shalt  }
0x83: {  	_ =	shalt  }
0x84: {  	_ =	shalt  }
0x85: {  	_ =	shalt  }
0x86: {  	_ =	shalt  }
0x87: {  	_ =	shalt  }
.Lfunc_end0:
.L_simem_size_0:
called_computation_lowered:
.L_overlay_start_0:
0x88: {  	s2 =	sld [smem:$0x3FD9]  }
0x89: {  	s3 =	sld [smem:$0x3FFE];
	_ =	sdelay $0x1  }
0x8a: {  	s1 =	srdreg.scid  }
0x8b: {  	s0 =	sand.u32 $0x1, s1  }
0x8c: {  	s29 =	sshll.u32 s0, $0xA;
	s2 =	sadd.s32 s3, s2  }
0x8d: {  	s2 =	sadd.s32 s2, s29  }
0x8e: {  	s3 =	simm.s32 $0x0;
	[smem:$0x3FBD] =	sst s2  }
0x8f: {  	[smem:$0xF] =	sst s3  }
0x90: {  	s5 =	sld [smem:$0x3FC8]  }
0x91: {  	s2 =	sld [smem:$0x3FD0];
	(tm) =	ssettm $0x1  }
0x92: {  	s4 =	sld [smem:$0x3FFB];
	_ =	sdelay $0x3  }
0x93: {  	_ =	strace s4  }
0x94: {  	s4 =	sld [smem:$0x3FFC];
	_ =	sdelay $0x3  }
0x95: {  	_ =	strace s4  }
0x96: {  	s4 =	sld [smem:$0x3FFD];
	_ =	sdelay $0x3  }
0x97: {  	_ =	strace s4  }
0x98: {  	s30 =	simm.s32 $0x1B8B;
	_ =	strace $0x8FFFFFFF  }
0x99: {  	p0 =	seq.s32 s0, $0x1;
	_ =	swait.ge [sflag:s30], $0x1  }
.Ltmp0:
0x9a: {  	[sflag:s30] =	ssyncset.done $0x0;
	(pc) =	sbr.rel @p0 .LBB1_6-.Ltmp0, $3  }
0x9b: {  	s31 =	simm.s32 $0x1B8E;
	[sflag:s30] =	ssyncadd.s32 $0xFFFFFFFF  }
0x9c: {  	[smem:$0x3FD2] =	sst s31  }
0x9d: {  	_ =	strace $0x80000046  }
0x9e: {  	s4 =	simm.s32 $0x9;
	s6 =	simm.s32 $0x10  }
0x9f: {  	[smem:s6], [sflag:s4] =	dma.local [hbm:s5], $0x100  }
0xa0: {  	_ =	swait.ge [sflag:s4], $0x100  }
0xa1: {  	[sflag:s4] =	ssyncset.done $0x0  }
0xa2: {  	[sflag:s4] =	ssyncadd.s32 $0xFFFFFF00  }
.LBB1_2:
0xa3: {  	s5 =	sadd.s32 $0x1, s3;
	s7 =	simm.s32 $0x800  }
0xa4: {  	s6 =	sshll.u32 s5, $0x8;
	s7 =	sand.u32 $0x1, s7  }
0xa5: {  	p0 =	por $0x0, $0x0;
	s6 =	sand.u32 $0x3FFFFF00, s6;
	p1 =	seq.s32 s7, $0x1  }
0xa6: {  	s8 =	simm.s32 $0x0;
	s6 =	sor.u32 $0xF, s6;
	p0 =	por !p0, !p1  }
0xa7: {  	s9 =	simm.s32 $0x1;
	s6 =	sld [smem:s6+$0x0];
	p0 =	por !p0, !p0  }
0xa8: {  	s7 =	simm.s32 $0x800;
	[smem:$0x890] =	sst s8;
	s9 =	simm.s32 @!p0 $0x0  }
0xa9: {  	[smem:$0x891] =	sst s7;
	s10 =	ssub.s32 $0x400, s9  }
0xaa: {  	s9 =	sld [smem:s10+$0x10];
	_ =	sdelay $0x3  }
0xab: {  	p0 =	sgt.s32 s9, s6;
	s9 =	sadd.s32 $0x1, s10  }
0xac: {  	s9 =	smov.u32 @p0 s8;
	s7 =	smov.u32 @p0 s10  }
0xad: {  	s8 =	simm.s32 $0x9;
	s10 =	sadd.s32 s9, s7;
	[smem:$0x890] =	sst s9  }
.LBB1_3:
0xae: {  	s11 =	smov.u32 s9  }
0xaf: {  	p0 =	sne.s32 s8, $0x1;
	s9 =	sand.u32 $0x1, s10;
	[smem:$0x891] =	sst s7  }
0xb0: {  	s8 =	sadd.s32 $0xFFFFFFFF, s8;
	p1 =	slt.s32 s10, $0x1;
	p2 =	seq.s32 s9, $0x1  }
0xb1: {  	s9 =	sshrl.u32 s10, $0x1F;
	p1 =	por !p1, !p2  }
0xb2: {  	s9 =	sadd.s32 s9, s10;
	s10 =	simm.s32 $0x1;
	p1 =	por !p1, !p1  }
0xb3: {  	s9 =	sshra.s32 s9, $0x1;
	s10 =	simm.s32 @!p1 $0x0  }
0xb4: {  	s10 =	ssub.s32 s9, s10  }
0xb5: {  	s9 =	sld [smem:s10+$0x10];
	_ =	sdelay $0x2  }
.Ltmp1:
0xb6: {  	(pc) =	sbr.rel @p0 .LBB1_3-.Ltmp1, $3  }
0xb7: {  	p1 =	sgt.s32 s9, s6;
	s9 =	sadd.s32 $0x1, s10  }
0xb8: {  	s9 =	smov.u32 @p1 s11;
	s7 =	smov.u32 @p1 s10  }
0xb9: {  	s10 =	sadd.s32 s9, s7;
	[smem:$0x890] =	sst s9  }
0xba: {  	s8 =	sand.u32 $0x1, s10  }
0xbb: {  	p0 =	slt.s32 s10, $0x1;
	p1 =	seq.s32 s8, $0x1  }
0xbc: {  	s31 =	sshrl.u32 s10, $0x1F;
	p0 =	por !p0, !p1  }
0xbd: {  	s8 =	sadd.s32 s31, s10;
	s10 =	simm.s32 $0x1;
	p0 =	por !p0, !p0  }
0xbe: {  	s8 =	sshra.s32 s8, $0x1;
	s10 =	simm.s32 @!p0 $0x0  }
0xbf: {  	[smem:$0x891] =	sst s7;
	s8 =	ssub.s32 s8, s10  }
0xc0: {  	s10 =	sld [smem:s8+$0x10];
	_ =	sdelay $0x3  }
0xc1: {  	p0 =	sgt.s32 s10, s6;
	s6 =	sadd.s32 $0x1, s8  }
0xc2: {  	s6 =	smov.u32 @p0 s9;
	s7 =	smov.u32 @p0 s8;
	p0 =	sne.s32 s5, $0x8  }
.Ltmp2:
0xc3: {  	_ = 	snop;
	(pc) =	sbr.rel @p0 .LBB1_2-.Ltmp2, $3  }
0xc4: {  	[smem:$0x890] =	sst s6  }
0xc5: {  	[smem:$0x891] =	sst s7  }
0xc6: {  	[smem:s3+$0x810] =	sst s6;
	s3 =	smov.u32 s5  }
0xc7: {  	s3 =	simm.s32 $0x810;
	s31 =	simm.s32 $0x9  }
0xc8: {  	[hbm:s2], [sflag:s4] =	dma.local [smem:s3], $0x10  }
0xc9: {  	_ =	swait.ge [sflag:s31], $0x10  }
0xca: {  	[sflag:s31] =	ssyncset.done $0x0  }
0xcb: {  	[sflag:s31] =	ssyncadd.s32 $0xFFFFFFF0  }
.LBB1_6:
0xcc: {  	_ =	strace $0x90000046  }
0xcd: {  	_ =	sfence  }
0xce: {  	s2 =	sld [smem:$0x0];
	_ =	sdelay $0x2  }
0xcf: {  	s3 =	sshll.u32 s1, $0xD;
	s31 =	sshrl.u32 s1, $0x2  }
0xd0: {  	s3 =	sand.u32 $0x4000, s3;
	s1 =	sadd.s32 s31, s2  }
0xd1: {  	s0 =	sor.u32 s3, s0;
	s1 =	sshll.u32 s1, $0x11  }
0xd2: {  	s0 =	sor.u32 s1, s0  }
0xd3: {  	s0 =	sadd.s32 $0x8F2B, s0;
	(pc) =	sbr.abs _section_cstart, $3  }
0xd4: {  	[sflag:s0] =	ssyncadd.remote.s32 $0x1  }
0xd5: {  	_ =	strace $0x9FFFFFFF  }
0xd6: {  	(tm) =	ssettm $0x7FFFFFFF  }
0xd7: {  	_ =	shalt  }

</sc_bundles>
